<compile_context>
chip_gen: v7x
topology: tpu7x:2x2x1
jax: 0.10.2.dev20260603
libtpu: 0.0.44.dev20260713+nightly
codegen_flags: <defaults>
</compile_context>

<pallas_src>
import functools

import jax
import jax.numpy as jnp
from jax import lax
from jax.experimental import pallas as pl
from jax.experimental.pallas import tpu as pltpu
from jax.experimental.pallas import tpu_sc as plsc

BATCH = 16384
D = 64
NC = 2
NS = 16
NW = NC * NS
BPW = BATCH // NW
CH = 128
NCH = BPW // CH
L = 16
NG = BPW // L


def _sqrt16(x):
    i = plsc.bitcast(x, jnp.int32)
    z = plsc.bitcast(jnp.int32(0x5F3759DF) - (i >> 1), jnp.float32)
    for _ in range(3):
        z = z * (1.5 - 0.5 * x * z * z)
    return x * z


def _build():
    mesh = plsc.VectorSubcoreMesh(core_axis_name="c", subcore_axis_name="s")

    @functools.partial(
        pl.kernel,
        mesh=mesh,
        compiler_params=pltpu.CompilerParams(
            needs_layout_passes=False, use_tc_tiling_on_sc=False),
        out_type=(
            jax.ShapeDtypeStruct((BATCH,), jnp.float32),
            jax.ShapeDtypeStruct((BATCH,), jnp.float32),
        ),
        scratch_types=[
            pltpu.VMEM((BPW,), jnp.int32),
            pltpu.VMEM((BPW,), jnp.int32),
            pltpu.VMEM((BPW,), jnp.int32),
            pltpu.VMEM((BPW, D), jnp.float32),
            pltpu.VMEM((BPW, D), jnp.float32),
            pltpu.VMEM((BPW, D), jnp.float32),
            pltpu.VMEM((16,), jnp.int32),
            pltpu.VMEM((1, D), jnp.float32),
            pltpu.VMEM((BPW,), jnp.float32),
            pltpu.VMEM((BPW,), jnp.float32),
            pltpu.SemaphoreType.DMA,
        ],
    )
    def k(heads_h, tails_h, ntails_h, rels_h, ent_h, con_h, rel_h, pos_h, neg_h,
          idx_h, idx_t, idx_n, hrows, trows, nrows, zv, relv, posv, negv, sem):
        wid = lax.axis_index("s") * NC + lax.axis_index("c")
        base = wid * BPW
        pltpu.sync_copy(heads_h.at[pl.ds(base, BPW)], idx_h)
        pltpu.sync_copy(tails_h.at[pl.ds(base, BPW)], idx_t)
        pltpu.sync_copy(ntails_h.at[pl.ds(base, BPW)], idx_n)
        pltpu.sync_copy(rels_h.at[pl.ds(0, 16)], zv)
        pltpu.sync_copy(rel_h, relv)
        z16 = zv[...]

        copies = []
        for j in range(NCH):
            sl = pl.ds(j * CH, CH)
            copies.append(pltpu.async_copy(ent_h.at[idx_h.at[sl]], hrows.at[sl], sem))
            copies.append(pltpu.async_copy(con_h.at[idx_t.at[sl]], trows.at[sl], sem))
            copies.append(pltpu.async_copy(con_h.at[idx_n.at[sl]], nrows.at[sl], sem))
        for c in copies:
            c.wait()

        lanes = lax.iota(jnp.int32, L)
        coldbase = lanes + z16

        def group(g, carry):
            rows = g * L + lanes
            accp = jnp.zeros((L,), jnp.float32)
            accn = jnp.zeros((L,), jnp.float32)
            for d in range(D):
                cold = (coldbase + d) & (D - 1)
                hv = plsc.load_gather(hrows, [rows, cold])
                tv = plsc.load_gather(trows, [rows, cold])
                nv = plsc.load_gather(nrows, [rows, cold])
                hr = hv + plsc.load_gather(relv, [z16, cold])
                dp = hr - tv
                dn = hr - nv
                accp = accp + dp * dp
                accn = accn + dn * dn
            posv[pl.ds(g * L, L)] = -_sqrt16(accp)
            negv[pl.ds(g * L, L)] = -_sqrt16(accn)
            return carry

        lax.fori_loop(0, NG, group, 0)
        pltpu.sync_copy(posv, pos_h.at[pl.ds(base, BPW)])
        pltpu.sync_copy(negv, neg_h.at[pl.ds(base, BPW)])

    return k


_scorer = jax.jit(_build())


def kernel(heads, tails, relations, negative_heads, negative_tails,
           ent_emb, con_emb, rel_emb):
    del negative_heads
    return _scorer(heads.astype(jnp.int32), tails.astype(jnp.int32),
                   negative_tails.astype(jnp.int32), relations.astype(jnp.int32),
                   ent_emb, con_emb, rel_emb)

# --- scband reference (transcript-rebuilt; emitter-appended) ---
"""Pipeline reference for scband-base-cross-view-model-53927609368739 (READ-ONLY COPY).

The authoritative reference and input builder live on the scoring server;
editing this copy changes nothing except your own understanding.
"""

import jax, jax.numpy as jnp
import numpy as np

N_ENTITIES = 1000000
N_CONCEPTS = 100000
ENTITY_DIM = 64
CONCEPT_DIM = 64
BATCH = 16384
P = 2


def setup_inputs(seed: int = 0) -> dict:
    key = jax.random.key(seed)
    k1, k2, k3, k4, k5, k6, k7, k8 = jax.random.split(key, 8)
    heads = jax.random.randint(k1, (BATCH,), 0, N_ENTITIES, dtype=jnp.int64) if jax.config.jax_enable_x64 else jax.random.randint(k1, (BATCH,), 0, N_ENTITIES, dtype=jnp.int32)
    tails = jax.random.randint(k2, (BATCH,), 0, N_CONCEPTS, dtype=jnp.int32)
    relations = jnp.zeros((BATCH,), dtype=jnp.int32)
    negative_heads = jax.random.randint(k4, (BATCH,), 0, N_ENTITIES, dtype=jnp.int32)
    negative_tails = jax.random.randint(k5, (BATCH,), 0, N_CONCEPTS, dtype=jnp.int32)
    # xavier_uniform bounds: sqrt(6/(fan_in+fan_out))
    def xavier(k, shape):
        bound = float(np.sqrt(6.0 / (shape[0] + shape[1])))
        return jax.random.uniform(k, shape, minval=-bound, maxval=bound, dtype=jnp.float32)
    ent_emb = xavier(k6, (N_ENTITIES, ENTITY_DIM))
    con_emb = xavier(k7, (N_CONCEPTS, CONCEPT_DIM))
    rel_emb = xavier(k8, (1, ENTITY_DIM))
    return {
        "heads": heads,
        "tails": tails,
        "relations": relations,
        "negative_heads": negative_heads,
        "negative_tails": negative_tails,
        "ent_emb": ent_emb,
        "con_emb": con_emb,
        "rel_emb": rel_emb,
    }


def _scoring(ent_emb, con_emb, rel_emb, h_idx, t_idx, r_idx):
    # Cross-view translational scoring (TransE-style, as in torchkge-derived
    # subclasses of this base class): -||h + r - t||_p
    h = jnp.take(ent_emb, h_idx, axis=0)
    t = jnp.take(con_emb, t_idx, axis=0)
    r = jnp.take(rel_emb, r_idx, axis=0)
    return -jnp.linalg.norm(h + r - t, ord=P, axis=-1)


def reference(heads, tails, relations, negative_heads, negative_tails, ent_emb, con_emb, rel_emb):
    # Faithful to forward(): pos uses (heads, tails, relations),
    # neg uses (heads, negative_tails, relations)  -- note: negative_heads is unused
    # in the original forward, exactly as written.
    pos = _scoring(ent_emb, con_emb, rel_emb, heads, tails, relations)
    neg = _scoring(ent_emb, con_emb, rel_emb, heads, negative_tails, relations)
    return (pos, neg)

if __name__ == "__main__":
    import jax
    _d = setup_inputs()
    print(jax.jit(kernel)(*tuple(_d.values())))

</pallas_src>

<mosaic_0001>
#map = affine_map<(d0, d1) -> (0)>
#map1 = affine_map<(d0, d1) -> (0, 0)>
module attributes {stable_mosaic.version = 14 : i64} {
  func.func @k(%arg0: i32, %arg1: i32, %arg2: memref<16384xi32, #tpu.memory_space<hbm>>, %arg3: memref<16384xi32, #tpu.memory_space<hbm>>, %arg4: memref<16384xi32, #tpu.memory_space<hbm>>, %arg5: memref<16384xi32, #tpu.memory_space<hbm>>, %arg6: memref<1000000x64xf32, #tpu.memory_space<hbm>>, %arg7: memref<100000x64xf32, #tpu.memory_space<hbm>>, %arg8: memref<1x64xf32, #tpu.memory_space<hbm>>, %arg9: memref<16384xf32, #tpu.memory_space<hbm>>, %arg10: memref<16384xf32, #tpu.memory_space<hbm>>, %arg11: memref<512xi32, #tpu.memory_space<vmem>>, %arg12: memref<512xi32, #tpu.memory_space<vmem>>, %arg13: memref<512xi32, #tpu.memory_space<vmem>>, %arg14: memref<512x64xf32, #tpu.memory_space<vmem>>, %arg15: memref<512x64xf32, #tpu.memory_space<vmem>>, %arg16: memref<512x64xf32, #tpu.memory_space<vmem>>, %arg17: memref<16xi32, #tpu.memory_space<vmem>>, %arg18: memref<1x64xf32, #tpu.memory_space<vmem>>, %arg19: memref<512xf32, #tpu.memory_space<vmem>>, %arg20: memref<512xf32, #tpu.memory_space<vmem>>, %arg21: memref<!tpu.dma_semaphore, #tpu.memory_space<semaphore_mem>>) attributes {dimension_semantics = [#tpu.dimension_semantics<core_parallel>, #tpu.dimension_semantics<subcore_parallel>], iteration_bounds = array<i64: 2, 16>, scalar_prefetch = 0 : i64, scratch_operands = 11 : i64, tpu.core_type = #tpu.core_type<sc_vector_subcore>, window_params = [{transform_indices = #map}, {transform_indices = #map}, {transform_indices = #map}, {transform_indices = #map}, {transform_indices = #map1}, {transform_indices = #map1}, {transform_indices = #map1}, {transform_indices = #map}, {transform_indices = #map}]} {
    %mul3A = arith.constant 2 : i32
    %mul3A_0 = arith.muli %arg1, %mul3A : i32
    %add3A = arith.addi %mul3A_0, %arg0 : i32
    %mul3A_1 = arith.constant 512 : i32
    %mul3A_2 = arith.muli %add3A, %mul3A_1 : i32
    "tpu.region"() ({
      %run_scoped3A = tpu.sem_alloc : memref<!tpu.dma_semaphore, #tpu.memory_space<semaphore_mem>>
      %dma_start3A_200 = tpu.memref_slice %arg2[%mul3A_2] : memref<16384xi32, #tpu.memory_space<hbm>> -> memref<512xi32, #tpu.memory_space<hbm>>
      %dma_start3A_201 = tpu.memref_slice %arg2[%mul3A_2] : memref<16384xi32, #tpu.memory_space<hbm>> -> memref<512xi32, #tpu.memory_space<hbm>>
      tpu.enqueue_dma source(%dma_start3A_201 : memref<512xi32, #tpu.memory_space<hbm>>) target(%arg11 : memref<512xi32, #tpu.memory_space<vmem>>) target_semaphore(%run_scoped3A : memref<!tpu.dma_semaphore, #tpu.memory_space<semaphore_mem>>)
      %dma_wait3A_202 = tpu.memref_slice %arg2[%mul3A_2] : memref<16384xi32, #tpu.memory_space<hbm>> -> memref<512xi32, #tpu.memory_space<hbm>>
      %dma_wait3A_203 = tpu.memref_slice %arg2[%mul3A_2] : memref<16384xi32, #tpu.memory_space<hbm>> -> memref<512xi32, #tpu.memory_space<hbm>>
      tpu.wait_dma2 semaphore(%run_scoped3A : memref<!tpu.dma_semaphore, #tpu.memory_space<semaphore_mem>>) src(%dma_wait3A_203 : memref<512xi32, #tpu.memory_space<hbm>>) dst(%arg11 : memref<512xi32, #tpu.memory_space<vmem>>)
      tpu.yield
    }) : () -> ()
    "tpu.region"() ({
      %run_scoped3A = tpu.sem_alloc : memref<!tpu.dma_semaphore, #tpu.memory_space<semaphore_mem>>
      %dma_start3A_200 = tpu.memref_slice %arg3[%mul3A_2] : memref<16384xi32, #tpu.memory_space<hbm>> -> memref<512xi32, #tpu.memory_space<hbm>>
      %dma_start3A_201 = tpu.memref_slice %arg3[%mul3A_2] : memref<16384xi32, #tpu.memory_space<hbm>> -> memref<512xi32, #tpu.memory_space<hbm>>
      tpu.enqueue_dma source(%dma_start3A_201 : memref<512xi32, #tpu.memory_space<hbm>>) target(%arg12 : memref<512xi32, #tpu.memory_space<vmem>>) target_semaphore(%run_scoped3A : memref<!tpu.dma_semaphore, #tpu.memory_space<semaphore_mem>>)
      %dma_wait3A_202 = tpu.memref_slice %arg3[%mul3A_2] : memref<16384xi32, #tpu.memory_space<hbm>> -> memref<512xi32, #tpu.memory_space<hbm>>
      %dma_wait3A_203 = tpu.memref_slice %arg3[%mul3A_2] : memref<16384xi32, #tpu.memory_space<hbm>> -> memref<512xi32, #tpu.memory_space<hbm>>
      tpu.wait_dma2 semaphore(%run_scoped3A : memref<!tpu.dma_semaphore, #tpu.memory_space<semaphore_mem>>) src(%dma_wait3A_203 : memref<512xi32, #tpu.memory_space<hbm>>) dst(%arg12 : memref<512xi32, #tpu.memory_space<vmem>>)
      tpu.yield
    }) : () -> ()
    "tpu.region"() ({
      %run_scoped3A = tpu.sem_alloc : memref<!tpu.dma_semaphore, #tpu.memory_space<semaphore_mem>>
      %dma_start3A_200 = tpu.memref_slice %arg4[%mul3A_2] : memref<16384xi32, #tpu.memory_space<hbm>> -> memref<512xi32, #tpu.memory_space<hbm>>
      %dma_start3A_201 = tpu.memref_slice %arg4[%mul3A_2] : memref<16384xi32, #tpu.memory_space<hbm>> -> memref<512xi32, #tpu.memory_space<hbm>>
      tpu.enqueue_dma source(%dma_start3A_201 : memref<512xi32, #tpu.memory_space<hbm>>) target(%arg13 : memref<512xi32, #tpu.memory_space<vmem>>) target_semaphore(%run_scoped3A : memref<!tpu.dma_semaphore, #tpu.memory_space<semaphore_mem>>)
      %dma_wait3A_202 = tpu.memref_slice %arg4[%mul3A_2] : memref<16384xi32, #tpu.memory_space<hbm>> -> memref<512xi32, #tpu.memory_space<hbm>>
      %dma_wait3A_203 = tpu.memref_slice %arg4[%mul3A_2] : memref<16384xi32, #tpu.memory_space<hbm>> -> memref<512xi32, #tpu.memory_space<hbm>>
      tpu.wait_dma2 semaphore(%run_scoped3A : memref<!tpu.dma_semaphore, #tpu.memory_space<semaphore_mem>>) src(%dma_wait3A_203 : memref<512xi32, #tpu.memory_space<hbm>>) dst(%arg13 : memref<512xi32, #tpu.memory_space<vmem>>)
      tpu.yield
    }) : () -> ()
    "tpu.region"() ({
      %run_scoped3A = tpu.sem_alloc : memref<!tpu.dma_semaphore, #tpu.memory_space<semaphore_mem>>
      %dma_start3A_200 = arith.constant 0 : i32
      %dma_start3A_201 = tpu.memref_slice %arg5[%dma_start3A_200] : memref<16384xi32, #tpu.memory_space<hbm>> -> memref<16xi32, #tpu.memory_space<hbm>>
      %dma_start3A_202 = arith.constant 0 : i32
      %dma_start3A_203 = tpu.memref_slice %arg5[%dma_start3A_202] : memref<16384xi32, #tpu.memory_space<hbm>> -> memref<16xi32, #tpu.memory_space<hbm>>
      tpu.enqueue_dma source(%dma_start3A_203 : memref<16xi32, #tpu.memory_space<hbm>>) target(%arg17 : memref<16xi32, #tpu.memory_space<vmem>>) target_semaphore(%run_scoped3A : memref<!tpu.dma_semaphore, #tpu.memory_space<semaphore_mem>>)
      %dma_wait3A_204 = arith.constant 0 : i32
      %dma_wait3A_205 = tpu.memref_slice %arg5[%dma_wait3A_204] : memref<16384xi32, #tpu.memory_space<hbm>> -> memref<16xi32, #tpu.memory_space<hbm>>
      %dma_wait3A_206 = arith.constant 0 : i32
      %dma_wait3A_207 = tpu.memref_slice %arg5[%dma_wait3A_206] : memref<16384xi32, #tpu.memory_space<hbm>> -> memref<16xi32, #tpu.memory_space<hbm>>
      tpu.wait_dma2 semaphore(%run_scoped3A : memref<!tpu.dma_semaphore, #tpu.memory_space<semaphore_mem>>) src(%dma_wait3A_207 : memref<16xi32, #tpu.memory_space<hbm>>) dst(%arg17 : memref<16xi32, #tpu.memory_space<vmem>>)
      tpu.yield
    }) : () -> ()
    "tpu.region"() ({
      %run_scoped3A = tpu.sem_alloc : memref<!tpu.dma_semaphore, #tpu.memory_space<semaphore_mem>>
      tpu.enqueue_dma source(%arg8 : memref<1x64xf32, #tpu.memory_space<hbm>>) target(%arg18 : memref<1x64xf32, #tpu.memory_space<vmem>>) target_semaphore(%run_scoped3A : memref<!tpu.dma_semaphore, #tpu.memory_space<semaphore_mem>>)
      tpu.wait_dma2 semaphore(%run_scoped3A : memref<!tpu.dma_semaphore, #tpu.memory_space<semaphore_mem>>) src(%arg8 : memref<1x64xf32, #tpu.memory_space<hbm>>) dst(%arg18 : memref<1x64xf32, #tpu.memory_space<vmem>>)
      tpu.yield
    }) : () -> ()
    %get3A = arith.constant 0 : index
    %get3A_3 = tpu.vector_load %arg17[%get3A] {strides = array<i32>} : memref<16xi32, #tpu.memory_space<vmem>>, vector<16xi32>,
    %dma_start3A = arith.constant 0 : i32
    %dma_start3A_4 = arith.constant 0 : i32
    %dma_start3A_5 = tpu.memref_slice %arg14[%dma_start3A, %dma_start3A_4] : memref<512x64xf32, #tpu.memory_space<vmem>> -> memref<128x64xf32, #tpu.memory_space<vmem>>
    %dma_start3A_6 = arith.constant 0 : i32
    %dma_start3A_7 = tpu.memref_slice %arg11[%dma_start3A_6] : memref<512xi32, #tpu.memory_space<vmem>> -> memref<128xi32, #tpu.memory_space<vmem>>
    %dma_start3A_8 = arith.constant 0 : i32
    %dma_start3A_9 = arith.constant 0 : i32
    %dma_start3A_10 = tpu.memref_slice %arg6[%dma_start3A_8, %dma_start3A_9] : memref<1000000x64xf32, #tpu.memory_space<hbm>> -> memref<1000000x64xf32, #tpu.memory_space<hbm>>
    tpu.enqueue_indirect_dma source(%dma_start3A_10 : memref<1000000x64xf32, #tpu.memory_space<hbm>>) target(%dma_start3A_5 : memref<128x64xf32, #tpu.memory_space<vmem>>) offsets(%dma_start3A_7 : memref<128xi32, #tpu.memory_space<vmem>>) semaphore(%arg21 : memref<!tpu.dma_semaphore, #tpu.memory_space<semaphore_mem>>)
    %dma_start3A_11 = arith.constant 0 : i32
    %dma_start3A_12 = arith.constant 0 : i32
    %dma_start3A_13 = tpu.memref_slice %arg15[%dma_start3A_11, %dma_start3A_12] : memref<512x64xf32, #tpu.memory_space<vmem>> -> memref<128x64xf32, #tpu.memory_space<vmem>>
    %dma_start3A_14 = arith.constant 0 : i32
    %dma_start3A_15 = tpu.memref_slice %arg12[%dma_start3A_14] : memref<512xi32, #tpu.memory_space<vmem>> -> memref<128xi32, #tpu.memory_space<vmem>>
    %dma_start3A_16 = arith.constant 0 : i32
    %dma_start3A_17 = arith.constant 0 : i32
    %dma_start3A_18 = tpu.memref_slice %arg7[%dma_start3A_16, %dma_start3A_17] : memref<100000x64xf32, #tpu.memory_space<hbm>> -> memref<100000x64xf32, #tpu.memory_space<hbm>>
    tpu.enqueue_indirect_dma source(%dma_start3A_18 : memref<100000x64xf32, #tpu.memory_space<hbm>>) target(%dma_start3A_13 : memref<128x64xf32, #tpu.memory_space<vmem>>) offsets(%dma_start3A_15 : memref<128xi32, #tpu.memory_space<vmem>>) semaphore(%arg21 : memref<!tpu.dma_semaphore, #tpu.memory_space<semaphore_mem>>)
    %dma_start3A_19 = arith.constant 0 : i32
    %dma_start3A_20 = arith.constant 0 : i32
    %dma_start3A_21 = tpu.memref_slice %arg16[%dma_start3A_19, %dma_start3A_20] : memref<512x64xf32, #tpu.memory_space<vmem>> -> memref<128x64xf32, #tpu.memory_space<vmem>>
    %dma_start3A_22 = arith.constant 0 : i32
    %dma_start3A_23 = tpu.memref_slice %arg13[%dma_start3A_22] : memref<512xi32, #tpu.memory_space<vmem>> -> memref<128xi32, #tpu.memory_space<vmem>>
    %dma_start3A_24 = arith.constant 0 : i32
    %dma_start3A_25 = arith.constant 0 : i32
    %dma_start3A_26 = tpu.memref_slice %arg7[%dma_start3A_24, %dma_start3A_25] : memref<100000x64xf32, #tpu.memory_space<hbm>> -> memref<100000x64xf32, #tpu.memory_space<hbm>>
    tpu.enqueue_indirect_dma source(%dma_start3A_26 : memref<100000x64xf32, #tpu.memory_space<hbm>>) target(%dma_start3A_21 : memref<128x64xf32, #tpu.memory_space<vmem>>) offsets(%dma_start3A_23 : memref<128xi32, #tpu.memory_space<vmem>>) semaphore(%arg21 : memref<!tpu.dma_semaphore, #tpu.memory_space<semaphore_mem>>)
    %dma_start3A_27 = arith.constant 128 : i32
    %dma_start3A_28 = arith.constant 0 : i32
    %dma_start3A_29 = tpu.memref_slice %arg14[%dma_start3A_27, %dma_start3A_28] : memref<512x64xf32, #tpu.memory_space<vmem>> -> memref<128x64xf32, #tpu.memory_space<vmem>>
    %dma_start3A_30 = arith.constant 128 : i32
    %dma_start3A_31 = tpu.memref_slice %arg11[%dma_start3A_30] : memref<512xi32, #tpu.memory_space<vmem>> -> memref<128xi32, #tpu.memory_space<vmem>>
    %dma_start3A_32 = arith.constant 0 : i32
    %dma_start3A_33 = arith.constant 0 : i32
    %dma_start3A_34 = tpu.memref_slice %arg6[%dma_start3A_32, %dma_start3A_33] : memref<1000000x64xf32, #tpu.memory_space<hbm>> -> memref<1000000x64xf32, #tpu.memory_space<hbm>>
    tpu.enqueue_indirect_dma source(%dma_start3A_34 : memref<1000000x64xf32, #tpu.memory_space<hbm>>) target(%dma_start3A_29 : memref<128x64xf32, #tpu.memory_space<vmem>>) offsets(%dma_start3A_31 : memref<128xi32, #tpu.memory_space<vmem>>) semaphore(%arg21 : memref<!tpu.dma_semaphore, #tpu.memory_space<semaphore_mem>>)
    %dma_start3A_35 = arith.constant 128 : i32
    %dma_start3A_36 = arith.constant 0 : i32
    %dma_start3A_37 = tpu.memref_slice %arg15[%dma_start3A_35, %dma_start3A_36] : memref<512x64xf32, #tpu.memory_space<vmem>> -> memref<128x64xf32, #tpu.memory_space<vmem>>
    %dma_start3A_38 = arith.constant 128 : i32
    %dma_start3A_39 = tpu.memref_slice %arg12[%dma_start3A_38] : memref<512xi32, #tpu.memory_space<vmem>> -> memref<128xi32, #tpu.memory_space<vmem>>
    %dma_start3A_40 = arith.constant 0 : i32
    %dma_start3A_41 = arith.constant 0 : i32
    %dma_start3A_42 = tpu.memref_slice %arg7[%dma_start3A_40, %dma_start3A_41] : memref<100000x64xf32, #tpu.memory_space<hbm>> -> memref<100000x64xf32, #tpu.memory_space<hbm>>
    tpu.enqueue_indirect_dma source(%dma_start3A_42 : memref<100000x64xf32, #tpu.memory_space<hbm>>) target(%dma_start3A_37 : memref<128x64xf32, #tpu.memory_space<vmem>>) offsets(%dma_start3A_39 : memref<128xi32, #tpu.memory_space<vmem>>) semaphore(%arg21 : memref<!tpu.dma_semaphore, #tpu.memory_space<semaphore_mem>>)
    %dma_start3A_43 = arith.constant 128 : i32
    %dma_start3A_44 = arith.constant 0 : i32
    %dma_start3A_45 = tpu.memref_slice %arg16[%dma_start3A_43, %dma_start3A_44] : memref<512x64xf32, #tpu.memory_space<vmem>> -> memref<128x64xf32, #tpu.memory_space<vmem>>
    %dma_start3A_46 = arith.constant 128 : i32
    %dma_start3A_47 = tpu.memref_slice %arg13[%dma_start3A_46] : memref<512xi32, #tpu.memory_space<vmem>> -> memref<128xi32, #tpu.memory_space<vmem>>
    %dma_start3A_48 = arith.constant 0 : i32
    %dma_start3A_49 = arith.constant 0 : i32
    %dma_start3A_50 = tpu.memref_slice %arg7[%dma_start3A_48, %dma_start3A_49] : memref<100000x64xf32, #tpu.memory_space<hbm>> -> memref<100000x64xf32, #tpu.memory_space<hbm>>
    tpu.enqueue_indirect_dma source(%dma_start3A_50 : memref<100000x64xf32, #tpu.memory_space<hbm>>) target(%dma_start3A_45 : memref<128x64xf32, #tpu.memory_space<vmem>>) offsets(%dma_start3A_47 : memref<128xi32, #tpu.memory_space<vmem>>) semaphore(%arg21 : memref<!tpu.dma_semaphore, #tpu.memory_space<semaphore_mem>>)
    %dma_start3A_51 = arith.constant 256 : i32
    %dma_start3A_52 = arith.constant 0 : i32
    %dma_start3A_53 = tpu.memref_slice %arg14[%dma_start3A_51, %dma_start3A_52] : memref<512x64xf32, #tpu.memory_space<vmem>> -> memref<128x64xf32, #tpu.memory_space<vmem>>
    %dma_start3A_54 = arith.constant 256 : i32
    %dma_start3A_55 = tpu.memref_slice %arg11[%dma_start3A_54] : memref<512xi32, #tpu.memory_space<vmem>> -> memref<128xi32, #tpu.memory_space<vmem>>
    %dma_start3A_56 = arith.constant 0 : i32
    %dma_start3A_57 = arith.constant 0 : i32
    %dma_start3A_58 = tpu.memref_slice %arg6[%dma_start3A_56, %dma_start3A_57] : memref<1000000x64xf32, #tpu.memory_space<hbm>> -> memref<1000000x64xf32, #tpu.memory_space<hbm>>
    tpu.enqueue_indirect_dma source(%dma_start3A_58 : memref<1000000x64xf32, #tpu.memory_space<hbm>>) target(%dma_start3A_53 : memref<128x64xf32, #tpu.memory_space<vmem>>) offsets(%dma_start3A_55 : memref<128xi32, #tpu.memory_space<vmem>>) semaphore(%arg21 : memref<!tpu.dma_semaphore, #tpu.memory_space<semaphore_mem>>)
    %dma_start3A_59 = arith.constant 256 : i32
    %dma_start3A_60 = arith.constant 0 : i32
    %dma_start3A_61 = tpu.memref_slice %arg15[%dma_start3A_59, %dma_start3A_60] : memref<512x64xf32, #tpu.memory_space<vmem>> -> memref<128x64xf32, #tpu.memory_space<vmem>>
    %dma_start3A_62 = arith.constant 256 : i32
    %dma_start3A_63 = tpu.memref_slice %arg12[%dma_start3A_62] : memref<512xi32, #tpu.memory_space<vmem>> -> memref<128xi32, #tpu.memory_space<vmem>>
    %dma_start3A_64 = arith.constant 0 : i32
    %dma_start3A_65 = arith.constant 0 : i32
    %dma_start3A_66 = tpu.memref_slice %arg7[%dma_start3A_64, %dma_start3A_65] : memref<100000x64xf32, #tpu.memory_space<hbm>> -> memref<100000x64xf32, #tpu.memory_space<hbm>>
    tpu.enqueue_indirect_dma source(%dma_start3A_66 : memref<100000x64xf32, #tpu.memory_space<hbm>>) target(%dma_start3A_61 : memref<128x64xf32, #tpu.memory_space<vmem>>) offsets(%dma_start3A_63 : memref<128xi32, #tpu.memory_space<vmem>>) semaphore(%arg21 : memref<!tpu.dma_semaphore, #tpu.memory_space<semaphore_mem>>)
    %dma_start3A_67 = arith.constant 256 : i32
    %dma_start3A_68 = arith.constant 0 : i32
    %dma_start3A_69 = tpu.memref_slice %arg16[%dma_start3A_67, %dma_start3A_68] : memref<512x64xf32, #tpu.memory_space<vmem>> -> memref<128x64xf32, #tpu.memory_space<vmem>>
    %dma_start3A_70 = arith.constant 256 : i32
    %dma_start3A_71 = tpu.memref_slice %arg13[%dma_start3A_70] : memref<512xi32, #tpu.memory_space<vmem>> -> memref<128xi32, #tpu.memory_space<vmem>>
    %dma_start3A_72 = arith.constant 0 : i32
    %dma_start3A_73 = arith.constant 0 : i32
    %dma_start3A_74 = tpu.memref_slice %arg7[%dma_start3A_72, %dma_start3A_73] : memref<100000x64xf32, #tpu.memory_space<hbm>> -> memref<100000x64xf32, #tpu.memory_space<hbm>>
    tpu.enqueue_indirect_dma source(%dma_start3A_74 : memref<100000x64xf32, #tpu.memory_space<hbm>>) target(%dma_start3A_69 : memref<128x64xf32, #tpu.memory_space<vmem>>) offsets(%dma_start3A_71 : memref<128xi32, #tpu.memory_space<vmem>>) semaphore(%arg21 : memref<!tpu.dma_semaphore, #tpu.memory_space<semaphore_mem>>)
    %dma_start3A_75 = arith.constant 384 : i32
    %dma_start3A_76 = arith.constant 0 : i32
    %dma_start3A_77 = tpu.memref_slice %arg14[%dma_start3A_75, %dma_start3A_76] : memref<512x64xf32, #tpu.memory_space<vmem>> -> memref<128x64xf32, #tpu.memory_space<vmem>>
    %dma_start3A_78 = arith.constant 384 : i32
    %dma_start3A_79 = tpu.memref_slice %arg11[%dma_start3A_78] : memref<512xi32, #tpu.memory_space<vmem>> -> memref<128xi32, #tpu.memory_space<vmem>>
    %dma_start3A_80 = arith.constant 0 : i32
    %dma_start3A_81 = arith.constant 0 : i32
    %dma_start3A_82 = tpu.memref_slice %arg6[%dma_start3A_80, %dma_start3A_81] : memref<1000000x64xf32, #tpu.memory_space<hbm>> -> memref<1000000x64xf32, #tpu.memory_space<hbm>>
    tpu.enqueue_indirect_dma source(%dma_start3A_82 : memref<1000000x64xf32, #tpu.memory_space<hbm>>) target(%dma_start3A_77 : memref<128x64xf32, #tpu.memory_space<vmem>>) offsets(%dma_start3A_79 : memref<128xi32, #tpu.memory_space<vmem>>) semaphore(%arg21 : memref<!tpu.dma_semaphore, #tpu.memory_space<semaphore_mem>>)
    %dma_start3A_83 = arith.constant 384 : i32
    %dma_start3A_84 = arith.constant 0 : i32
    %dma_start3A_85 = tpu.memref_slice %arg15[%dma_start3A_83, %dma_start3A_84] : memref<512x64xf32, #tpu.memory_space<vmem>> -> memref<128x64xf32, #tpu.memory_space<vmem>>
    %dma_start3A_86 = arith.constant 384 : i32
    %dma_start3A_87 = tpu.memref_slice %arg12[%dma_start3A_86] : memref<512xi32, #tpu.memory_space<vmem>> -> memref<128xi32, #tpu.memory_space<vmem>>
    %dma_start3A_88 = arith.constant 0 : i32
    %dma_start3A_89 = arith.constant 0 : i32
    %dma_start3A_90 = tpu.memref_slice %arg7[%dma_start3A_88, %dma_start3A_89] : memref<100000x64xf32, #tpu.memory_space<hbm>> -> memref<100000x64xf32, #tpu.memory_space<hbm>>
    tpu.enqueue_indirect_dma source(%dma_start3A_90 : memref<100000x64xf32, #tpu.memory_space<hbm>>) target(%dma_start3A_85 : memref<128x64xf32, #tpu.memory_space<vmem>>) offsets(%dma_start3A_87 : memref<128xi32, #tpu.memory_space<vmem>>) semaphore(%arg21 : memref<!tpu.dma_semaphore, #tpu.memory_space<semaphore_mem>>)
    %dma_start3A_91 = arith.constant 384 : i32
    %dma_start3A_92 = arith.constant 0 : i32
    %dma_start3A_93 = tpu.memref_slice %arg16[%dma_start3A_91, %dma_start3A_92] : memref<512x64xf32, #tpu.memory_space<vmem>> -> memref<128x64xf32, #tpu.memory_space<vmem>>
    %dma_start3A_94 = arith.constant 384 : i32
    %dma_start3A_95 = tpu.memref_slice %arg13[%dma_start3A_94] : memref<512xi32, #tpu.memory_space<vmem>> -> memref<128xi32, #tpu.memory_space<vmem>>
    %dma_start3A_96 = arith.constant 0 : i32
    %dma_start3A_97 = arith.constant 0 : i32
    %dma_start3A_98 = tpu.memref_slice %arg7[%dma_start3A_96, %dma_start3A_97] : memref<100000x64xf32, #tpu.memory_space<hbm>> -> memref<100000x64xf32, #tpu.memory_space<hbm>>
    tpu.enqueue_indirect_dma source(%dma_start3A_98 : memref<100000x64xf32, #tpu.memory_space<hbm>>) target(%dma_start3A_93 : memref<128x64xf32, #tpu.memory_space<vmem>>) offsets(%dma_start3A_95 : memref<128xi32, #tpu.memory_space<vmem>>) semaphore(%arg21 : memref<!tpu.dma_semaphore, #tpu.memory_space<semaphore_mem>>)
    %dma_wait3A = arith.constant 0 : i32
    %dma_wait3A_99 = arith.constant 0 : i32
    %dma_wait3A_100 = tpu.memref_slice %arg14[%dma_wait3A, %dma_wait3A_99] : memref<512x64xf32, #tpu.memory_space<vmem>> -> memref<128x64xf32, #tpu.memory_space<vmem>>
    %dma_wait3A_101 = arith.constant 0 : i32
    %dma_wait3A_102 = tpu.memref_slice %arg11[%dma_wait3A_101] : memref<512xi32, #tpu.memory_space<vmem>> -> memref<128xi32, #tpu.memory_space<vmem>>
    %dma_wait3A_103 = arith.constant 0 : i32
    %dma_wait3A_104 = arith.constant 0 : i32
    %dma_wait3A_105 = tpu.memref_slice %arg6[%dma_wait3A_103, %dma_wait3A_104] : memref<1000000x64xf32, #tpu.memory_space<hbm>> -> memref<1000000x64xf32, #tpu.memory_space<hbm>>
    tpu.wait_indirect_dma semaphore(%arg21 : memref<!tpu.dma_semaphore, #tpu.memory_space<semaphore_mem>>) src(%dma_wait3A_105 : memref<1000000x64xf32, #tpu.memory_space<hbm>>) dst(%dma_wait3A_100 : memref<128x64xf32, #tpu.memory_space<vmem>>)
    %dma_wait3A_106 = arith.constant 0 : i32
    %dma_wait3A_107 = arith.constant 0 : i32
    %dma_wait3A_108 = tpu.memref_slice %arg15[%dma_wait3A_106, %dma_wait3A_107] : memref<512x64xf32, #tpu.memory_space<vmem>> -> memref<128x64xf32, #tpu.memory_space<vmem>>
    %dma_wait3A_109 = arith.constant 0 : i32
    %dma_wait3A_110 = tpu.memref_slice %arg12[%dma_wait3A_109] : memref<512xi32, #tpu.memory_space<vmem>> -> memref<128xi32, #tpu.memory_space<vmem>>
    %dma_wait3A_111 = arith.constant 0 : i32
    %dma_wait3A_112 = arith.constant 0 : i32
    %dma_wait3A_113 = tpu.memref_slice %arg7[%dma_wait3A_111, %dma_wait3A_112] : memref<100000x64xf32, #tpu.memory_space<hbm>> -> memref<100000x64xf32, #tpu.memory_space<hbm>>
    tpu.wait_indirect_dma semaphore(%arg21 : memref<!tpu.dma_semaphore, #tpu.memory_space<semaphore_mem>>) src(%dma_wait3A_113 : memref<100000x64xf32, #tpu.memory_space<hbm>>) dst(%dma_wait3A_108 : memref<128x64xf32, #tpu.memory_space<vmem>>)
    %dma_wait3A_114 = arith.constant 0 : i32
    %dma_wait3A_115 = arith.constant 0 : i32
    %dma_wait3A_116 = tpu.memref_slice %arg16[%dma_wait3A_114, %dma_wait3A_115] : memref<512x64xf32, #tpu.memory_space<vmem>> -> memref<128x64xf32, #tpu.memory_space<vmem>>
    %dma_wait3A_117 = arith.constant 0 : i32
    %dma_wait3A_118 = tpu.memref_slice %arg13[%dma_wait3A_117] : memref<512xi32, #tpu.memory_space<vmem>> -> memref<128xi32, #tpu.memory_space<vmem>>
    %dma_wait3A_119 = arith.constant 0 : i32
    %dma_wait3A_120 = arith.constant 0 : i32
    %dma_wait3A_121 = tpu.memref_slice %arg7[%dma_wait3A_119, %dma_wait3A_120] : memref<100000x64xf32, #tpu.memory_space<hbm>> -> memref<100000x64xf32, #tpu.memory_space<hbm>>
    tpu.wait_indirect_dma semaphore(%arg21 : memref<!tpu.dma_semaphore, #tpu.memory_space<semaphore_mem>>) src(%dma_wait3A_121 : memref<100000x64xf32, #tpu.memory_space<hbm>>) dst(%dma_wait3A_116 : memref<128x64xf32, #tpu.memory_space<vmem>>)
    %dma_wait3A_122 = arith.constant 128 : i32
    %dma_wait3A_123 = arith.constant 0 : i32
    %dma_wait3A_124 = tpu.memref_slice %arg14[%dma_wait3A_122, %dma_wait3A_123] : memref<512x64xf32, #tpu.memory_space<vmem>> -> memref<128x64xf32, #tpu.memory_space<vmem>>
    %dma_wait3A_125 = arith.constant 128 : i32
    %dma_wait3A_126 = tpu.memref_slice %arg11[%dma_wait3A_125] : memref<512xi32, #tpu.memory_space<vmem>> -> memref<128xi32, #tpu.memory_space<vmem>>
    %dma_wait3A_127 = arith.constant 0 : i32
    %dma_wait3A_128 = arith.constant 0 : i32
    %dma_wait3A_129 = tpu.memref_slice %arg6[%dma_wait3A_127, %dma_wait3A_128] : memref<1000000x64xf32, #tpu.memory_space<hbm>> -> memref<1000000x64xf32, #tpu.memory_space<hbm>>
    tpu.wait_indirect_dma semaphore(%arg21 : memref<!tpu.dma_semaphore, #tpu.memory_space<semaphore_mem>>) src(%dma_wait3A_129 : memref<1000000x64xf32, #tpu.memory_space<hbm>>) dst(%dma_wait3A_124 : memref<128x64xf32, #tpu.memory_space<vmem>>)
    %dma_wait3A_130 = arith.constant 128 : i32
    %dma_wait3A_131 = arith.constant 0 : i32
    %dma_wait3A_132 = tpu.memref_slice %arg15[%dma_wait3A_130, %dma_wait3A_131] : memref<512x64xf32, #tpu.memory_space<vmem>> -> memref<128x64xf32, #tpu.memory_space<vmem>>
    %dma_wait3A_133 = arith.constant 128 : i32
    %dma_wait3A_134 = tpu.memref_slice %arg12[%dma_wait3A_133] : memref<512xi32, #tpu.memory_space<vmem>> -> memref<128xi32, #tpu.memory_space<vmem>>
    %dma_wait3A_135 = arith.constant 0 : i32
    %dma_wait3A_136 = arith.constant 0 : i32
    %dma_wait3A_137 = tpu.memref_slice %arg7[%dma_wait3A_135, %dma_wait3A_136] : memref<100000x64xf32, #tpu.memory_space<hbm>> -> memref<100000x64xf32, #tpu.memory_space<hbm>>
    tpu.wait_indirect_dma semaphore(%arg21 : memref<!tpu.dma_semaphore, #tpu.memory_space<semaphore_mem>>) src(%dma_wait3A_137 : memref<100000x64xf32, #tpu.memory_space<hbm>>) dst(%dma_wait3A_132 : memref<128x64xf32, #tpu.memory_space<vmem>>)
    %dma_wait3A_138 = arith.constant 128 : i32
    %dma_wait3A_139 = arith.constant 0 : i32
    %dma_wait3A_140 = tpu.memref_slice %arg16[%dma_wait3A_138, %dma_wait3A_139] : memref<512x64xf32, #tpu.memory_space<vmem>> -> memref<128x64xf32, #tpu.memory_space<vmem>>
    %dma_wait3A_141 = arith.constant 128 : i32
    %dma_wait3A_142 = tpu.memref_slice %arg13[%dma_wait3A_141] : memref<512xi32, #tpu.memory_space<vmem>> -> memref<128xi32, #tpu.memory_space<vmem>>
    %dma_wait3A_143 = arith.constant 0 : i32
    %dma_wait3A_144 = arith.constant 0 : i32
    %dma_wait3A_145 = tpu.memref_slice %arg7[%dma_wait3A_143, %dma_wait3A_144] : memref<100000x64xf32, #tpu.memory_space<hbm>> -> memref<100000x64xf32, #tpu.memory_space<hbm>>
    tpu.wait_indirect_dma semaphore(%arg21 : memref<!tpu.dma_semaphore, #tpu.memory_space<semaphore_mem>>) src(%dma_wait3A_145 : memref<100000x64xf32, #tpu.memory_space<hbm>>) dst(%dma_wait3A_140 : memref<128x64xf32, #tpu.memory_space<vmem>>)
    %dma_wait3A_146 = arith.constant 256 : i32
    %dma_wait3A_147 = arith.constant 0 : i32
    %dma_wait3A_148 = tpu.memref_slice %arg14[%dma_wait3A_146, %dma_wait3A_147] : memref<512x64xf32, #tpu.memory_space<vmem>> -> memref<128x64xf32, #tpu.memory_space<vmem>>
    %dma_wait3A_149 = arith.constant 256 : i32
    %dma_wait3A_150 = tpu.memref_slice %arg11[%dma_wait3A_149] : memref<512xi32, #tpu.memory_space<vmem>> -> memref<128xi32, #tpu.memory_space<vmem>>
    %dma_wait3A_151 = arith.constant 0 : i32
    %dma_wait3A_152 = arith.constant 0 : i32
    %dma_wait3A_153 = tpu.memref_slice %arg6[%dma_wait3A_151, %dma_wait3A_152] : memref<1000000x64xf32, #tpu.memory_space<hbm>> -> memref<1000000x64xf32, #tpu.memory_space<hbm>>
    tpu.wait_indirect_dma semaphore(%arg21 : memref<!tpu.dma_semaphore, #tpu.memory_space<semaphore_mem>>) src(%dma_wait3A_153 : memref<1000000x64xf32, #tpu.memory_space<hbm>>) dst(%dma_wait3A_148 : memref<128x64xf32, #tpu.memory_space<vmem>>)
    %dma_wait3A_154 = arith.constant 256 : i32
    %dma_wait3A_155 = arith.constant 0 : i32
    %dma_wait3A_156 = tpu.memref_slice %arg15[%dma_wait3A_154, %dma_wait3A_155] : memref<512x64xf32, #tpu.memory_space<vmem>> -> memref<128x64xf32, #tpu.memory_space<vmem>>
    %dma_wait3A_157 = arith.constant 256 : i32
    %dma_wait3A_158 = tpu.memref_slice %arg12[%dma_wait3A_157] : memref<512xi32, #tpu.memory_space<vmem>> -> memref<128xi32, #tpu.memory_space<vmem>>
    %dma_wait3A_159 = arith.constant 0 : i32
    %dma_wait3A_160 = arith.constant 0 : i32
    %dma_wait3A_161 = tpu.memref_slice %arg7[%dma_wait3A_159, %dma_wait3A_160] : memref<100000x64xf32, #tpu.memory_space<hbm>> -> memref<100000x64xf32, #tpu.memory_space<hbm>>
    tpu.wait_indirect_dma semaphore(%arg21 : memref<!tpu.dma_semaphore, #tpu.memory_space<semaphore_mem>>) src(%dma_wait3A_161 : memref<100000x64xf32, #tpu.memory_space<hbm>>) dst(%dma_wait3A_156 : memref<128x64xf32, #tpu.memory_space<vmem>>)
    %dma_wait3A_162 = arith.constant 256 : i32
    %dma_wait3A_163 = arith.constant 0 : i32
    %dma_wait3A_164 = tpu.memref_slice %arg16[%dma_wait3A_162, %dma_wait3A_163] : memref<512x64xf32, #tpu.memory_space<vmem>> -> memref<128x64xf32, #tpu.memory_space<vmem>>
    %dma_wait3A_165 = arith.constant 256 : i32
    %dma_wait3A_166 = tpu.memref_slice %arg13[%dma_wait3A_165] : memref<512xi32, #tpu.memory_space<vmem>> -> memref<128xi32, #tpu.memory_space<vmem>>
    %dma_wait3A_167 = arith.constant 0 : i32
    %dma_wait3A_168 = arith.constant 0 : i32
    %dma_wait3A_169 = tpu.memref_slice %arg7[%dma_wait3A_167, %dma_wait3A_168] : memref<100000x64xf32, #tpu.memory_space<hbm>> -> memref<100000x64xf32, #tpu.memory_space<hbm>>
    tpu.wait_indirect_dma semaphore(%arg21 : memref<!tpu.dma_semaphore, #tpu.memory_space<semaphore_mem>>) src(%dma_wait3A_169 : memref<100000x64xf32, #tpu.memory_space<hbm>>) dst(%dma_wait3A_164 : memref<128x64xf32, #tpu.memory_space<vmem>>)
    %dma_wait3A_170 = arith.constant 384 : i32
    %dma_wait3A_171 = arith.constant 0 : i32
    %dma_wait3A_172 = tpu.memref_slice %arg14[%dma_wait3A_170, %dma_wait3A_171] : memref<512x64xf32, #tpu.memory_space<vmem>> -> memref<128x64xf32, #tpu.memory_space<vmem>>
    %dma_wait3A_173 = arith.constant 384 : i32
    %dma_wait3A_174 = tpu.memref_slice %arg11[%dma_wait3A_173] : memref<512xi32, #tpu.memory_space<vmem>> -> memref<128xi32, #tpu.memory_space<vmem>>
    %dma_wait3A_175 = arith.constant 0 : i32
    %dma_wait3A_176 = arith.constant 0 : i32
    %dma_wait3A_177 = tpu.memref_slice %arg6[%dma_wait3A_175, %dma_wait3A_176] : memref<1000000x64xf32, #tpu.memory_space<hbm>> -> memref<1000000x64xf32, #tpu.memory_space<hbm>>
    tpu.wait_indirect_dma semaphore(%arg21 : memref<!tpu.dma_semaphore, #tpu.memory_space<semaphore_mem>>) src(%dma_wait3A_177 : memref<1000000x64xf32, #tpu.memory_space<hbm>>) dst(%dma_wait3A_172 : memref<128x64xf32, #tpu.memory_space<vmem>>)
    %dma_wait3A_178 = arith.constant 384 : i32
    %dma_wait3A_179 = arith.constant 0 : i32
    %dma_wait3A_180 = tpu.memref_slice %arg15[%dma_wait3A_178, %dma_wait3A_179] : memref<512x64xf32, #tpu.memory_space<vmem>> -> memref<128x64xf32, #tpu.memory_space<vmem>>
    %dma_wait3A_181 = arith.constant 384 : i32
    %dma_wait3A_182 = tpu.memref_slice %arg12[%dma_wait3A_181] : memref<512xi32, #tpu.memory_space<vmem>> -> memref<128xi32, #tpu.memory_space<vmem>>
    %dma_wait3A_183 = arith.constant 0 : i32
    %dma_wait3A_184 = arith.constant 0 : i32
    %dma_wait3A_185 = tpu.memref_slice %arg7[%dma_wait3A_183, %dma_wait3A_184] : memref<100000x64xf32, #tpu.memory_space<hbm>> -> memref<100000x64xf32, #tpu.memory_space<hbm>>
    tpu.wait_indirect_dma semaphore(%arg21 : memref<!tpu.dma_semaphore, #tpu.memory_space<semaphore_mem>>) src(%dma_wait3A_185 : memref<100000x64xf32, #tpu.memory_space<hbm>>) dst(%dma_wait3A_180 : memref<128x64xf32, #tpu.memory_space<vmem>>)
    %dma_wait3A_186 = arith.constant 384 : i32
    %dma_wait3A_187 = arith.constant 0 : i32
    %dma_wait3A_188 = tpu.memref_slice %arg16[%dma_wait3A_186, %dma_wait3A_187] : memref<512x64xf32, #tpu.memory_space<vmem>> -> memref<128x64xf32, #tpu.memory_space<vmem>>
    %dma_wait3A_189 = arith.constant 384 : i32
    %dma_wait3A_190 = tpu.memref_slice %arg13[%dma_wait3A_189] : memref<512xi32, #tpu.memory_space<vmem>> -> memref<128xi32, #tpu.memory_space<vmem>>
    %dma_wait3A_191 = arith.constant 0 : i32
    %dma_wait3A_192 = arith.constant 0 : i32
    %dma_wait3A_193 = tpu.memref_slice %arg7[%dma_wait3A_191, %dma_wait3A_192] : memref<100000x64xf32, #tpu.memory_space<hbm>> -> memref<100000x64xf32, #tpu.memory_space<hbm>>
    tpu.wait_indirect_dma semaphore(%arg21 : memref<!tpu.dma_semaphore, #tpu.memory_space<semaphore_mem>>) src(%dma_wait3A_193 : memref<100000x64xf32, #tpu.memory_space<hbm>>) dst(%dma_wait3A_188 : memref<128x64xf32, #tpu.memory_space<vmem>>)
    %iota3A = tpu.iota {dimensions = array<i32: 0>} : vector<16xi32>
    %add3A_194 = arith.addi %iota3A, %get3A_3 : vector<16xi32>
    %scan3A = arith.constant 0 : i32
    %scan3A_195 = arith.constant 0 : i32
    %scan3A_196 = arith.constant 32 : i32
    %scan3A_197 = arith.addi %scan3A_195, %scan3A_196 : i32
    %scan3A_198 = arith.constant 1 : i32
    scf.for %scan3A_200 = %scan3A_195 to %scan3A_197 step %scan3A_198  : i32 {
      %mul3A_201 = arith.constant 16 : i32
      %mul3A_202 = arith.muli %scan3A_200, %mul3A_201 : i32
      %add3A_203 = vector.broadcast %mul3A_202 : i32 to vector<16xi32>
      %add3A_204 = arith.addi %add3A_203, %iota3A : vector<16xi32>
      %broadcast_in_dim3A = arith.constant 0.000000e+00 : f32
      %broadcast_in_dim3A_205 = vector.broadcast %broadcast_in_dim3A : f32 to vector<16xf32>
      %broadcast_in_dim3A_206 = arith.constant 0.000000e+00 : f32
      %broadcast_in_dim3A_207 = vector.broadcast %broadcast_in_dim3A_206 : f32 to vector<16xf32>
      %add3A_208 = arith.constant 0 : i32
      %add3A_209 = vector.broadcast %add3A_208 : i32 to vector<16xi32>
      %add3A_210 = arith.addi %add3A_194, %add3A_209 : vector<16xi32>
      %and3A = arith.constant 63 : i32
      %and3A_211 = vector.broadcast %and3A : i32 to vector<16xi32>
      %and3A_212 = arith.andi %add3A_210, %and3A_211 : vector<16xi32>
      %gather3A = tpu.vector_load_idx %arg14[%add3A_204, %and3A_212] : memref<512x64xf32, #tpu.memory_space<vmem>>[vector<16xi32>, vector<16xi32>], vector<16xf32>,
      %gather3A_213 = tpu.vector_load_idx %arg15[%add3A_204, %and3A_212] : memref<512x64xf32, #tpu.memory_space<vmem>>[vector<16xi32>, vector<16xi32>], vector<16xf32>,
      %gather3A_214 = tpu.vector_load_idx %arg16[%add3A_204, %and3A_212] : memref<512x64xf32, #tpu.memory_space<vmem>>[vector<16xi32>, vector<16xi32>], vector<16xf32>,
      %gather3A_215 = tpu.vector_load_idx %arg18[%get3A_3, %and3A_212] : memref<1x64xf32, #tpu.memory_space<vmem>>[vector<16xi32>, vector<16xi32>], vector<16xf32>,
      %add3A_216 = arith.addf %gather3A, %gather3A_215 : vector<16xf32>
      %sub3A = arith.subf %add3A_216, %gather3A_213 : vector<16xf32>
      %sub3A_217 = arith.subf %add3A_216, %gather3A_214 : vector<16xf32>
      %mul3A_218 = arith.mulf %sub3A, %sub3A : vector<16xf32>
      %add3A_219 = arith.addf %broadcast_in_dim3A_205, %mul3A_218 : vector<16xf32>
      %mul3A_220 = arith.mulf %sub3A_217, %sub3A_217 : vector<16xf32>
      %add3A_221 = arith.addf %broadcast_in_dim3A_207, %mul3A_220 : vector<16xf32>
      %add3A_222 = arith.constant 1 : i32
      %add3A_223 = vector.broadcast %add3A_222 : i32 to vector<16xi32>
      %add3A_224 = arith.addi %add3A_194, %add3A_223 : vector<16xi32>
      %and3A_225 = arith.constant 63 : i32
      %and3A_226 = vector.broadcast %and3A_225 : i32 to vector<16xi32>
      %and3A_227 = arith.andi %add3A_224, %and3A_226 : vector<16xi32>
      %gather3A_228 = tpu.vector_load_idx %arg14[%add3A_204, %and3A_227] : memref<512x64xf32, #tpu.memory_space<vmem>>[vector<16xi32>, vector<16xi32>], vector<16xf32>,
      %gather3A_229 = tpu.vector_load_idx %arg15[%add3A_204, %and3A_227] : memref<512x64xf32, #tpu.memory_space<vmem>>[vector<16xi32>, vector<16xi32>], vector<16xf32>,
      %gather3A_230 = tpu.vector_load_idx %arg16[%add3A_204, %and3A_227] : memref<512x64xf32, #tpu.memory_space<vmem>>[vector<16xi32>, vector<16xi32>], vector<16xf32>,
      %gather3A_231 = tpu.vector_load_idx %arg18[%get3A_3, %and3A_227] : memref<1x64xf32, #tpu.memory_space<vmem>>[vector<16xi32>, vector<16xi32>], vector<16xf32>,
      %add3A_232 = arith.addf %gather3A_228, %gather3A_231 : vector<16xf32>
      %sub3A_233 = arith.subf %add3A_232, %gather3A_229 : vector<16xf32>
      %sub3A_234 = arith.subf %add3A_232, %gather3A_230 : vector<16xf32>
      %mul3A_235 = arith.mulf %sub3A_233, %sub3A_233 : vector<16xf32>
      %add3A_236 = arith.addf %add3A_219, %mul3A_235 : vector<16xf32>
      %mul3A_237 = arith.mulf %sub3A_234, %sub3A_234 : vector<16xf32>
      %add3A_238 = arith.addf %add3A_221, %mul3A_237 : vector<16xf32>
      %add3A_239 = arith.constant 2 : i32
      %add3A_240 = vector.broadcast %add3A_239 : i32 to vector<16xi32>
      %add3A_241 = arith.addi %add3A_194, %add3A_240 : vector<16xi32>
      %and3A_242 = arith.constant 63 : i32
      %and3A_243 = vector.broadcast %and3A_242 : i32 to vector<16xi32>
      %and3A_244 = arith.andi %add3A_241, %and3A_243 : vector<16xi32>
      %gather3A_245 = tpu.vector_load_idx %arg14[%add3A_204, %and3A_244] : memref<512x64xf32, #tpu.memory_space<vmem>>[vector<16xi32>, vector<16xi32>], vector<16xf32>,
      %gather3A_246 = tpu.vector_load_idx %arg15[%add3A_204, %and3A_244] : memref<512x64xf32, #tpu.memory_space<vmem>>[vector<16xi32>, vector<16xi32>], vector<16xf32>,
      %gather3A_247 = tpu.vector_load_idx %arg16[%add3A_204, %and3A_244] : memref<512x64xf32, #tpu.memory_space<vmem>>[vector<16xi32>, vector<16xi32>], vector<16xf32>,
      %gather3A_248 = tpu.vector_load_idx %arg18[%get3A_3, %and3A_244] : memref<1x64xf32, #tpu.memory_space<vmem>>[vector<16xi32>, vector<16xi32>], vector<16xf32>,
      %add3A_249 = arith.addf %gather3A_245, %gather3A_248 : vector<16xf32>
      %sub3A_250 = arith.subf %add3A_249, %gather3A_246 : vector<16xf32>
      %sub3A_251 = arith.subf %add3A_249, %gather3A_247 : vector<16xf32>
      %mul3A_252 = arith.mulf %sub3A_250, %sub3A_250 : vector<16xf32>
      %add3A_253 = arith.addf %add3A_236, %mul3A_252 : vector<16xf32>
      %mul3A_254 = arith.mulf %sub3A_251, %sub3A_251 : vector<16xf32>
      %add3A_255 = arith.addf %add3A_238, %mul3A_254 : vector<16xf32>
      %add3A_256 = arith.constant 3 : i32
      %add3A_257 = vector.broadcast %add3A_256 : i32 to vector<16xi32>
      %add3A_258 = arith.addi %add3A_194, %add3A_257 : vector<16xi32>
      %and3A_259 = arith.constant 63 : i32
      %and3A_260 = vector.broadcast %and3A_259 : i32 to vector<16xi32>
      %and3A_261 = arith.andi %add3A_258, %and3A_260 : vector<16xi32>
      %gather3A_262 = tpu.vector_load_idx %arg14[%add3A_204, %and3A_261] : memref<512x64xf32, #tpu.memory_space<vmem>>[vector<16xi32>, vector<16xi32>], vector<16xf32>,
      %gather3A_263 = tpu.vector_load_idx %arg15[%add3A_204, %and3A_261] : memref<512x64xf32, #tpu.memory_space<vmem>>[vector<16xi32>, vector<16xi32>], vector<16xf32>,
      %gather3A_264 = tpu.vector_load_idx %arg16[%add3A_204, %and3A_261] : memref<512x64xf32, #tpu.memory_space<vmem>>[vector<16xi32>, vector<16xi32>], vector<16xf32>,
      %gather3A_265 = tpu.vector_load_idx %arg18[%get3A_3, %and3A_261] : memref<1x64xf32, #tpu.memory_space<vmem>>[vector<16xi32>, vector<16xi32>], vector<16xf32>,
      %add3A_266 = arith.addf %gather3A_262, %gather3A_265 : vector<16xf32>
      %sub3A_267 = arith.subf %add3A_266, %gather3A_263 : vector<16xf32>
      %sub3A_268 = arith.subf %add3A_266, %gather3A_264 : vector<16xf32>
      %mul3A_269 = arith.mulf %sub3A_267, %sub3A_267 : vector<16xf32>
      %add3A_270 = arith.addf %add3A_253, %mul3A_269 : vector<16xf32>
      %mul3A_271 = arith.mulf %sub3A_268, %sub3A_268 : vector<16xf32>
      %add3A_272 = arith.addf %add3A_255, %mul3A_271 : vector<16xf32>
      %add3A_273 = arith.constant 4 : i32
      %add3A_274 = vector.broadcast %add3A_273 : i32 to vector<16xi32>
      %add3A_275 = arith.addi %add3A_194, %add3A_274 : vector<16xi32>
      %and3A_276 = arith.constant 63 : i32
      %and3A_277 = vector.broadcast %and3A_276 : i32 to vector<16xi32>
      %and3A_278 = arith.andi %add3A_275, %and3A_277 : vector<16xi32>
      %gather3A_279 = tpu.vector_load_idx %arg14[%add3A_204, %and3A_278] : memref<512x64xf32, #tpu.memory_space<vmem>>[vector<16xi32>, vector<16xi32>], vector<16xf32>,
      %gather3A_280 = tpu.vector_load_idx %arg15[%add3A_204, %and3A_278] : memref<512x64xf32, #tpu.memory_space<vmem>>[vector<16xi32>, vector<16xi32>], vector<16xf32>,
      %gather3A_281 = tpu.vector_load_idx %arg16[%add3A_204, %and3A_278] : memref<512x64xf32, #tpu.memory_space<vmem>>[vector<16xi32>, vector<16xi32>], vector<16xf32>,
      %gather3A_282 = tpu.vector_load_idx %arg18[%get3A_3, %and3A_278] : memref<1x64xf32, #tpu.memory_space<vmem>>[vector<16xi32>, vector<16xi32>], vector<16xf32>,
      %add3A_283 = arith.addf %gather3A_279, %gather3A_282 : vector<16xf32>
      %sub3A_284 = arith.subf %add3A_283, %gather3A_280 : vector<16xf32>
      %sub3A_285 = arith.subf %add3A_283, %gather3A_281 : vector<16xf32>
      %mul3A_286 = arith.mulf %sub3A_284, %sub3A_284 : vector<16xf32>
      %add3A_287 = arith.addf %add3A_270, %mul3A_286 : vector<16xf32>
      %mul3A_288 = arith.mulf %sub3A_285, %sub3A_285 : vector<16xf32>
      %add3A_289 = arith.addf %add3A_272, %mul3A_288 : vector<16xf32>
      %add3A_290 = arith.constant 5 : i32
      %add3A_291 = vector.broadcast %add3A_290 : i32 to vector<16xi32>
      %add3A_292 = arith.addi %add3A_194, %add3A_291 : vector<16xi32>
      %and3A_293 = arith.constant 63 : i32
      %and3A_294 = vector.broadcast %and3A_293 : i32 to vector<16xi32>
      %and3A_295 = arith.andi %add3A_292, %and3A_294 : vector<16xi32>
      %gather3A_296 = tpu.vector_load_idx %arg14[%add3A_204, %and3A_295] : memref<512x64xf32, #tpu.memory_space<vmem>>[vector<16xi32>, vector<16xi32>], vector<16xf32>,
      %gather3A_297 = tpu.vector_load_idx %arg15[%add3A_204, %and3A_295] : memref<512x64xf32, #tpu.memory_space<vmem>>[vector<16xi32>, vector<16xi32>], vector<16xf32>,
      %gather3A_298 = tpu.vector_load_idx %arg16[%add3A_204, %and3A_295] : memref<512x64xf32, #tpu.memory_space<vmem>>[vector<16xi32>, vector<16xi32>], vector<16xf32>,
      %gather3A_299 = tpu.vector_load_idx %arg18[%get3A_3, %and3A_295] : memref<1x64xf32, #tpu.memory_space<vmem>>[vector<16xi32>, vector<16xi32>], vector<16xf32>,
      %add3A_300 = arith.addf %gather3A_296, %gather3A_299 : vector<16xf32>
      %sub3A_301 = arith.subf %add3A_300, %gather3A_297 : vector<16xf32>
      %sub3A_302 = arith.subf %add3A_300, %gather3A_298 : vector<16xf32>
      %mul3A_303 = arith.mulf %sub3A_301, %sub3A_301 : vector<16xf32>
      %add3A_304 = arith.addf %add3A_287, %mul3A_303 : vector<16xf32>
      %mul3A_305 = arith.mulf %sub3A_302, %sub3A_302 : vector<16xf32>
      %add3A_306 = arith.addf %add3A_289, %mul3A_305 : vector<16xf32>
      %add3A_307 = arith.constant 6 : i32
      %add3A_308 = vector.broadcast %add3A_307 : i32 to vector<16xi32>
      %add3A_309 = arith.addi %add3A_194, %add3A_308 : vector<16xi32>
      %and3A_310 = arith.constant 63 : i32
      %and3A_311 = vector.broadcast %and3A_310 : i32 to vector<16xi32>
      %and3A_312 = arith.andi %add3A_309, %and3A_311 : vector<16xi32>
      %gather3A_313 = tpu.vector_load_idx %arg14[%add3A_204, %and3A_312] : memref<512x64xf32, #tpu.memory_space<vmem>>[vector<16xi32>, vector<16xi32>], vector<16xf32>,
      %gather3A_314 = tpu.vector_load_idx %arg15[%add3A_204, %and3A_312] : memref<512x64xf32, #tpu.memory_space<vmem>>[vector<16xi32>, vector<16xi32>], vector<16xf32>,
      %gather3A_315 = tpu.vector_load_idx %arg16[%add3A_204, %and3A_312] : memref<512x64xf32, #tpu.memory_space<vmem>>[vector<16xi32>, vector<16xi32>], vector<16xf32>,
      %gather3A_316 = tpu.vector_load_idx %arg18[%get3A_3, %and3A_312] : memref<1x64xf32, #tpu.memory_space<vmem>>[vector<16xi32>, vector<16xi32>], vector<16xf32>,
      %add3A_317 = arith.addf %gather3A_313, %gather3A_316 : vector<16xf32>
      %sub3A_318 = arith.subf %add3A_317, %gather3A_314 : vector<16xf32>
      %sub3A_319 = arith.subf %add3A_317, %gather3A_315 : vector<16xf32>
      %mul3A_320 = arith.mulf %sub3A_318, %sub3A_318 : vector<16xf32>
      %add3A_321 = arith.addf %add3A_304, %mul3A_320 : vector<16xf32>
      %mul3A_322 = arith.mulf %sub3A_319, %sub3A_319 : vector<16xf32>
      %add3A_323 = arith.addf %add3A_306, %mul3A_322 : vector<16xf32>
      %add3A_324 = arith.constant 7 : i32
      %add3A_325 = vector.broadcast %add3A_324 : i32 to vector<16xi32>
      %add3A_326 = arith.addi %add3A_194, %add3A_325 : vector<16xi32>
      %and3A_327 = arith.constant 63 : i32
      %and3A_328 = vector.broadcast %and3A_327 : i32 to vector<16xi32>
      %and3A_329 = arith.andi %add3A_326, %and3A_328 : vector<16xi32>
      %gather3A_330 = tpu.vector_load_idx %arg14[%add3A_204, %and3A_329] : memref<512x64xf32, #tpu.memory_space<vmem>>[vector<16xi32>, vector<16xi32>], vector<16xf32>,
      %gather3A_331 = tpu.vector_load_idx %arg15[%add3A_204, %and3A_329] : memref<512x64xf32, #tpu.memory_space<vmem>>[vector<16xi32>, vector<16xi32>], vector<16xf32>,
      %gather3A_332 = tpu.vector_load_idx %arg16[%add3A_204, %and3A_329] : memref<512x64xf32, #tpu.memory_space<vmem>>[vector<16xi32>, vector<16xi32>], vector<16xf32>,
      %gather3A_333 = tpu.vector_load_idx %arg18[%get3A_3, %and3A_329] : memref<1x64xf32, #tpu.memory_space<vmem>>[vector<16xi32>, vector<16xi32>], vector<16xf32>,
      %add3A_334 = arith.addf %gather3A_330, %gather3A_333 : vector<16xf32>
      %sub3A_335 = arith.subf %add3A_334, %gather3A_331 : vector<16xf32>
      %sub3A_336 = arith.subf %add3A_334, %gather3A_332 : vector<16xf32>
      %mul3A_337 = arith.mulf %sub3A_335, %sub3A_335 : vector<16xf32>
      %add3A_338 = arith.addf %add3A_321, %mul3A_337 : vector<16xf32>
      %mul3A_339 = arith.mulf %sub3A_336, %sub3A_336 : vector<16xf32>
      %add3A_340 = arith.addf %add3A_323, %mul3A_339 : vector<16xf32>
      %add3A_341 = arith.constant 8 : i32
      %add3A_342 = vector.broadcast %add3A_341 : i32 to vector<16xi32>
      %add3A_343 = arith.addi %add3A_194, %add3A_342 : vector<16xi32>
      %and3A_344 = arith.constant 63 : i32
      %and3A_345 = vector.broadcast %and3A_344 : i32 to vector<16xi32>
      %and3A_346 = arith.andi %add3A_343, %and3A_345 : vector<16xi32>
      %gather3A_347 = tpu.vector_load_idx %arg14[%add3A_204, %and3A_346] : memref<512x64xf32, #tpu.memory_space<vmem>>[vector<16xi32>, vector<16xi32>], vector<16xf32>,
      %gather3A_348 = tpu.vector_load_idx %arg15[%add3A_204, %and3A_346] : memref<512x64xf32, #tpu.memory_space<vmem>>[vector<16xi32>, vector<16xi32>], vector<16xf32>,
      %gather3A_349 = tpu.vector_load_idx %arg16[%add3A_204, %and3A_346] : memref<512x64xf32, #tpu.memory_space<vmem>>[vector<16xi32>, vector<16xi32>], vector<16xf32>,
      %gather3A_350 = tpu.vector_load_idx %arg18[%get3A_3, %and3A_346] : memref<1x64xf32, #tpu.memory_space<vmem>>[vector<16xi32>, vector<16xi32>], vector<16xf32>,
      %add3A_351 = arith.addf %gather3A_347, %gather3A_350 : vector<16xf32>
      %sub3A_352 = arith.subf %add3A_351, %gather3A_348 : vector<16xf32>
      %sub3A_353 = arith.subf %add3A_351, %gather3A_349 : vector<16xf32>
      %mul3A_354 = arith.mulf %sub3A_352, %sub3A_352 : vector<16xf32>
      %add3A_355 = arith.addf %add3A_338, %mul3A_354 : vector<16xf32>
      %mul3A_356 = arith.mulf %sub3A_353, %sub3A_353 : vector<16xf32>
      %add3A_357 = arith.addf %add3A_340, %mul3A_356 : vector<16xf32>
      %add3A_358 = arith.constant 9 : i32
      %add3A_359 = vector.broadcast %add3A_358 : i32 to vector<16xi32>
      %add3A_360 = arith.addi %add3A_194, %add3A_359 : vector<16xi32>
      %and3A_361 = arith.constant 63 : i32
      %and3A_362 = vector.broadcast %and3A_361 : i32 to vector<16xi32>
      %and3A_363 = arith.andi %add3A_360, %and3A_362 : vector<16xi32>
      %gather3A_364 = tpu.vector_load_idx %arg14[%add3A_204, %and3A_363] : memref<512x64xf32, #tpu.memory_space<vmem>>[vector<16xi32>, vector<16xi32>], vector<16xf32>,
      %gather3A_365 = tpu.vector_load_idx %arg15[%add3A_204, %and3A_363] : memref<512x64xf32, #tpu.memory_space<vmem>>[vector<16xi32>, vector<16xi32>], vector<16xf32>,
      %gather3A_366 = tpu.vector_load_idx %arg16[%add3A_204, %and3A_363] : memref<512x64xf32, #tpu.memory_space<vmem>>[vector<16xi32>, vector<16xi32>], vector<16xf32>,
      %gather3A_367 = tpu.vector_load_idx %arg18[%get3A_3, %and3A_363] : memref<1x64xf32, #tpu.memory_space<vmem>>[vector<16xi32>, vector<16xi32>], vector<16xf32>,
      %add3A_368 = arith.addf %gather3A_364, %gather3A_367 : vector<16xf32>
      %sub3A_369 = arith.subf %add3A_368, %gather3A_365 : vector<16xf32>
      %sub3A_370 = arith.subf %add3A_368, %gather3A_366 : vector<16xf32>
      %mul3A_371 = arith.mulf %sub3A_369, %sub3A_369 : vector<16xf32>
      %add3A_372 = arith.addf %add3A_355, %mul3A_371 : vector<16xf32>
      %mul3A_373 = arith.mulf %sub3A_370, %sub3A_370 : vector<16xf32>
      %add3A_374 = arith.addf %add3A_357, %mul3A_373 : vector<16xf32>
      %add3A_375 = arith.constant 10 : i32
      %add3A_376 = vector.broadcast %add3A_375 : i32 to vector<16xi32>
      %add3A_377 = arith.addi %add3A_194, %add3A_376 : vector<16xi32>
      %and3A_378 = arith.constant 63 : i32
      %and3A_379 = vector.broadcast %and3A_378 : i32 to vector<16xi32>
      %and3A_380 = arith.andi %add3A_377, %and3A_379 : vector<16xi32>
      %gather3A_381 = tpu.vector_load_idx %arg14[%add3A_204, %and3A_380] : memref<512x64xf32, #tpu.memory_space<vmem>>[vector<16xi32>, vector<16xi32>], vector<16xf32>,
      %gather3A_382 = tpu.vector_load_idx %arg15[%add3A_204, %and3A_380] : memref<512x64xf32, #tpu.memory_space<vmem>>[vector<16xi32>, vector<16xi32>], vector<16xf32>,
      %gather3A_383 = tpu.vector_load_idx %arg16[%add3A_204, %and3A_380] : memref<512x64xf32, #tpu.memory_space<vmem>>[vector<16xi32>, vector<16xi32>], vector<16xf32>,
      %gather3A_384 = tpu.vector_load_idx %arg18[%get3A_3, %and3A_380] : memref<1x64xf32, #tpu.memory_space<vmem>>[vector<16xi32>, vector<16xi32>], vector<16xf32>,
      %add3A_385 = arith.addf %gather3A_381, %gather3A_384 : vector<16xf32>
      %sub3A_386 = arith.subf %add3A_385, %gather3A_382 : vector<16xf32>
      %sub3A_387 = arith.subf %add3A_385, %gather3A_383 : vector<16xf32>
      %mul3A_388 = arith.mulf %sub3A_386, %sub3A_386 : vector<16xf32>
      %add3A_389 = arith.addf %add3A_372, %mul3A_388 : vector<16xf32>
      %mul3A_390 = arith.mulf %sub3A_387, %sub3A_387 : vector<16xf32>
      %add3A_391 = arith.addf %add3A_374, %mul3A_390 : vector<16xf32>
      %add3A_392 = arith.constant 11 : i32
      %add3A_393 = vector.broadcast %add3A_392 : i32 to vector<16xi32>
      %add3A_394 = arith.addi %add3A_194, %add3A_393 : vector<16xi32>
      %and3A_395 = arith.constant 63 : i32
      %and3A_396 = vector.broadcast %and3A_395 : i32 to vector<16xi32>
      %and3A_397 = arith.andi %add3A_394, %and3A_396 : vector<16xi32>
      %gather3A_398 = tpu.vector_load_idx %arg14[%add3A_204, %and3A_397] : memref<512x64xf32, #tpu.memory_space<vmem>>[vector<16xi32>, vector<16xi32>], vector<16xf32>,
      %gather3A_399 = tpu.vector_load_idx %arg15[%add3A_204, %and3A_397] : memref<512x64xf32, #tpu.memory_space<vmem>>[vector<16xi32>, vector<16xi32>], vector<16xf32>,
      %gather3A_400 = tpu.vector_load_idx %arg16[%add3A_204, %and3A_397] : memref<512x64xf32, #tpu.memory_space<vmem>>[vector<16xi32>, vector<16xi32>], vector<16xf32>,
      %gather3A_401 = tpu.vector_load_idx %arg18[%get3A_3, %and3A_397] : memref<1x64xf32, #tpu.memory_space<vmem>>[vector<16xi32>, vector<16xi32>], vector<16xf32>,
      %add3A_402 = arith.addf %gather3A_398, %gather3A_401 : vector<16xf32>
      %sub3A_403 = arith.subf %add3A_402, %gather3A_399 : vector<16xf32>
      %sub3A_404 = arith.subf %add3A_402, %gather3A_400 : vector<16xf32>
      %mul3A_405 = arith.mulf %sub3A_403, %sub3A_403 : vector<16xf32>
      %add3A_406 = arith.addf %add3A_389, %mul3A_405 : vector<16xf32>
      %mul3A_407 = arith.mulf %sub3A_404, %sub3A_404 : vector<16xf32>
      %add3A_408 = arith.addf %add3A_391, %mul3A_407 : vector<16xf32>
      %add3A_409 = arith.constant 12 : i32
      %add3A_410 = vector.broadcast %add3A_409 : i32 to vector<16xi32>
      %add3A_411 = arith.addi %add3A_194, %add3A_410 : vector<16xi32>
      %and3A_412 = arith.constant 63 : i32
      %and3A_413 = vector.broadcast %and3A_412 : i32 to vector<16xi32>
      %and3A_414 = arith.andi %add3A_411, %and3A_413 : vector<16xi32>
      %gather3A_415 = tpu.vector_load_idx %arg14[%add3A_204, %and3A_414] : memref<512x64xf32, #tpu.memory_space<vmem>>[vector<16xi32>, vector<16xi32>], vector<16xf32>,
      %gather3A_416 = tpu.vector_load_idx %arg15[%add3A_204, %and3A_414] : memref<512x64xf32, #tpu.memory_space<vmem>>[vector<16xi32>, vector<16xi32>], vector<16xf32>,
      %gather3A_417 = tpu.vector_load_idx %arg16[%add3A_204, %and3A_414] : memref<512x64xf32, #tpu.memory_space<vmem>>[vector<16xi32>, vector<16xi32>], vector<16xf32>,
      %gather3A_418 = tpu.vector_load_idx %arg18[%get3A_3, %and3A_414] : memref<1x64xf32, #tpu.memory_space<vmem>>[vector<16xi32>, vector<16xi32>], vector<16xf32>,
      %add3A_419 = arith.addf %gather3A_415, %gather3A_418 : vector<16xf32>
      %sub3A_420 = arith.subf %add3A_419, %gather3A_416 : vector<16xf32>
      %sub3A_421 = arith.subf %add3A_419, %gather3A_417 : vector<16xf32>
      %mul3A_422 = arith.mulf %sub3A_420, %sub3A_420 : vector<16xf32>
      %add3A_423 = arith.addf %add3A_406, %mul3A_422 : vector<16xf32>
      %mul3A_424 = arith.mulf %sub3A_421, %sub3A_421 : vector<16xf32>
      %add3A_425 = arith.addf %add3A_408, %mul3A_424 : vector<16xf32>
      %add3A_426 = arith.constant 13 : i32
      %add3A_427 = vector.broadcast %add3A_426 : i32 to vector<16xi32>
      %add3A_428 = arith.addi %add3A_194, %add3A_427 : vector<16xi32>
      %and3A_429 = arith.constant 63 : i32
      %and3A_430 = vector.broadcast %and3A_429 : i32 to vector<16xi32>
      %and3A_431 = arith.andi %add3A_428, %and3A_430 : vector<16xi32>
      %gather3A_432 = tpu.vector_load_idx %arg14[%add3A_204, %and3A_431] : memref<512x64xf32, #tpu.memory_space<vmem>>[vector<16xi32>, vector<16xi32>], vector<16xf32>,
      %gather3A_433 = tpu.vector_load_idx %arg15[%add3A_204, %and3A_431] : memref<512x64xf32, #tpu.memory_space<vmem>>[vector<16xi32>, vector<16xi32>], vector<16xf32>,
      %gather3A_434 = tpu.vector_load_idx %arg16[%add3A_204, %and3A_431] : memref<512x64xf32, #tpu.memory_space<vmem>>[vector<16xi32>, vector<16xi32>], vector<16xf32>,
      %gather3A_435 = tpu.vector_load_idx %arg18[%get3A_3, %and3A_431] : memref<1x64xf32, #tpu.memory_space<vmem>>[vector<16xi32>, vector<16xi32>], vector<16xf32>,
      %add3A_436 = arith.addf %gather3A_432, %gather3A_435 : vector<16xf32>
      %sub3A_437 = arith.subf %add3A_436, %gather3A_433 : vector<16xf32>
      %sub3A_438 = arith.subf %add3A_436, %gather3A_434 : vector<16xf32>
      %mul3A_439 = arith.mulf %sub3A_437, %sub3A_437 : vector<16xf32>
      %add3A_440 = arith.addf %add3A_423, %mul3A_439 : vector<16xf32>
      %mul3A_441 = arith.mulf %sub3A_438, %sub3A_438 : vector<16xf32>
      %add3A_442 = arith.addf %add3A_425, %mul3A_441 : vector<16xf32>
      %add3A_443 = arith.constant 14 : i32
      %add3A_444 = vector.broadcast %add3A_443 : i32 to vector<16xi32>
      %add3A_445 = arith.addi %add3A_194, %add3A_444 : vector<16xi32>
      %and3A_446 = arith.constant 63 : i32
      %and3A_447 = vector.broadcast %and3A_446 : i32 to vector<16xi32>
      %and3A_448 = arith.andi %add3A_445, %and3A_447 : vector<16xi32>
      %gather3A_449 = tpu.vector_load_idx %arg14[%add3A_204, %and3A_448] : memref<512x64xf32, #tpu.memory_space<vmem>>[vector<16xi32>, vector<16xi32>], vector<16xf32>,
      %gather3A_450 = tpu.vector_load_idx %arg15[%add3A_204, %and3A_448] : memref<512x64xf32, #tpu.memory_space<vmem>>[vector<16xi32>, vector<16xi32>], vector<16xf32>,
      %gather3A_451 = tpu.vector_load_idx %arg16[%add3A_204, %and3A_448] : memref<512x64xf32, #tpu.memory_space<vmem>>[vector<16xi32>, vector<16xi32>], vector<16xf32>,
      %gather3A_452 = tpu.vector_load_idx %arg18[%get3A_3, %and3A_448] : memref<1x64xf32, #tpu.memory_space<vmem>>[vector<16xi32>, vector<16xi32>], vector<16xf32>,
      %add3A_453 = arith.addf %gather3A_449, %gather3A_452 : vector<16xf32>
      %sub3A_454 = arith.subf %add3A_453, %gather3A_450 : vector<16xf32>
      %sub3A_455 = arith.subf %add3A_453, %gather3A_451 : vector<16xf32>
      %mul3A_456 = arith.mulf %sub3A_454, %sub3A_454 : vector<16xf32>
      %add3A_457 = arith.addf %add3A_440, %mul3A_456 : vector<16xf32>
      %mul3A_458 = arith.mulf %sub3A_455, %sub3A_455 : vector<16xf32>
      %add3A_459 = arith.addf %add3A_442, %mul3A_458 : vector<16xf32>
      %add3A_460 = arith.constant 15 : i32
      %add3A_461 = vector.broadcast %add3A_460 : i32 to vector<16xi32>
      %add3A_462 = arith.addi %add3A_194, %add3A_461 : vector<16xi32>
      %and3A_463 = arith.constant 63 : i32
      %and3A_464 = vector.broadcast %and3A_463 : i32 to vector<16xi32>
      %and3A_465 = arith.andi %add3A_462, %and3A_464 : vector<16xi32>
      %gather3A_466 = tpu.vector_load_idx %arg14[%add3A_204, %and3A_465] : memref<512x64xf32, #tpu.memory_space<vmem>>[vector<16xi32>, vector<16xi32>], vector<16xf32>,
      %gather3A_467 = tpu.vector_load_idx %arg15[%add3A_204, %and3A_465] : memref<512x64xf32, #tpu.memory_space<vmem>>[vector<16xi32>, vector<16xi32>], vector<16xf32>,
      %gather3A_468 = tpu.vector_load_idx %arg16[%add3A_204, %and3A_465] : memref<512x64xf32, #tpu.memory_space<vmem>>[vector<16xi32>, vector<16xi32>], vector<16xf32>,
      %gather3A_469 = tpu.vector_load_idx %arg18[%get3A_3, %and3A_465] : memref<1x64xf32, #tpu.memory_space<vmem>>[vector<16xi32>, vector<16xi32>], vector<16xf32>,
      %add3A_470 = arith.addf %gather3A_466, %gather3A_469 : vector<16xf32>
      %sub3A_471 = arith.subf %add3A_470, %gather3A_467 : vector<16xf32>
      %sub3A_472 = arith.subf %add3A_470, %gather3A_468 : vector<16xf32>
      %mul3A_473 = arith.mulf %sub3A_471, %sub3A_471 : vector<16xf32>
      %add3A_474 = arith.addf %add3A_457, %mul3A_473 : vector<16xf32>
      %mul3A_475 = arith.mulf %sub3A_472, %sub3A_472 : vector<16xf32>
      %add3A_476 = arith.addf %add3A_459, %mul3A_475 : vector<16xf32>
      %add3A_477 = arith.constant 16 : i32
      %add3A_478 = vector.broadcast %add3A_477 : i32 to vector<16xi32>
      %add3A_479 = arith.addi %add3A_194, %add3A_478 : vector<16xi32>
      %and3A_480 = arith.constant 63 : i32
      %and3A_481 = vector.broadcast %and3A_480 : i32 to vector<16xi32>
      %and3A_482 = arith.andi %add3A_479, %and3A_481 : vector<16xi32>
      %gather3A_483 = tpu.vector_load_idx %arg14[%add3A_204, %and3A_482] : memref<512x64xf32, #tpu.memory_space<vmem>>[vector<16xi32>, vector<16xi32>], vector<16xf32>,
      %gather3A_484 = tpu.vector_load_idx %arg15[%add3A_204, %and3A_482] : memref<512x64xf32, #tpu.memory_space<vmem>>[vector<16xi32>, vector<16xi32>], vector<16xf32>,
      %gather3A_485 = tpu.vector_load_idx %arg16[%add3A_204, %and3A_482] : memref<512x64xf32, #tpu.memory_space<vmem>>[vector<16xi32>, vector<16xi32>], vector<16xf32>,
      %gather3A_486 = tpu.vector_load_idx %arg18[%get3A_3, %and3A_482] : memref<1x64xf32, #tpu.memory_space<vmem>>[vector<16xi32>, vector<16xi32>], vector<16xf32>,
      %add3A_487 = arith.addf %gather3A_483, %gather3A_486 : vector<16xf32>
      %sub3A_488 = arith.subf %add3A_487, %gather3A_484 : vector<16xf32>
      %sub3A_489 = arith.subf %add3A_487, %gather3A_485 : vector<16xf32>
      %mul3A_490 = arith.mulf %sub3A_488, %sub3A_488 : vector<16xf32>
      %add3A_491 = arith.addf %add3A_474, %mul3A_490 : vector<16xf32>
      %mul3A_492 = arith.mulf %sub3A_489, %sub3A_489 : vector<16xf32>
      %add3A_493 = arith.addf %add3A_476, %mul3A_492 : vector<16xf32>
      %add3A_494 = arith.constant 17 : i32
      %add3A_495 = vector.broadcast %add3A_494 : i32 to vector<16xi32>
      %add3A_496 = arith.addi %add3A_194, %add3A_495 : vector<16xi32>
      %and3A_497 = arith.constant 63 : i32
      %and3A_498 = vector.broadcast %and3A_497 : i32 to vector<16xi32>
      %and3A_499 = arith.andi %add3A_496, %and3A_498 : vector<16xi32>
      %gather3A_500 = tpu.vector_load_idx %arg14[%add3A_204, %and3A_499] : memref<512x64xf32, #tpu.memory_space<vmem>>[vector<16xi32>, vector<16xi32>], vector<16xf32>,
      %gather3A_501 = tpu.vector_load_idx %arg15[%add3A_204, %and3A_499] : memref<512x64xf32, #tpu.memory_space<vmem>>[vector<16xi32>, vector<16xi32>], vector<16xf32>,
      %gather3A_502 = tpu.vector_load_idx %arg16[%add3A_204, %and3A_499] : memref<512x64xf32, #tpu.memory_space<vmem>>[vector<16xi32>, vector<16xi32>], vector<16xf32>,
      %gather3A_503 = tpu.vector_load_idx %arg18[%get3A_3, %and3A_499] : memref<1x64xf32, #tpu.memory_space<vmem>>[vector<16xi32>, vector<16xi32>], vector<16xf32>,
      %add3A_504 = arith.addf %gather3A_500, %gather3A_503 : vector<16xf32>
      %sub3A_505 = arith.subf %add3A_504, %gather3A_501 : vector<16xf32>
      %sub3A_506 = arith.subf %add3A_504, %gather3A_502 : vector<16xf32>
      %mul3A_507 = arith.mulf %sub3A_505, %sub3A_505 : vector<16xf32>
      %add3A_508 = arith.addf %add3A_491, %mul3A_507 : vector<16xf32>
      %mul3A_509 = arith.mulf %sub3A_506, %sub3A_506 : vector<16xf32>
      %add3A_510 = arith.addf %add3A_493, %mul3A_509 : vector<16xf32>
      %add3A_511 = arith.constant 18 : i32
      %add3A_512 = vector.broadcast %add3A_511 : i32 to vector<16xi32>
      %add3A_513 = arith.addi %add3A_194, %add3A_512 : vector<16xi32>
      %and3A_514 = arith.constant 63 : i32
      %and3A_515 = vector.broadcast %and3A_514 : i32 to vector<16xi32>
      %and3A_516 = arith.andi %add3A_513, %and3A_515 : vector<16xi32>
      %gather3A_517 = tpu.vector_load_idx %arg14[%add3A_204, %and3A_516] : memref<512x64xf32, #tpu.memory_space<vmem>>[vector<16xi32>, vector<16xi32>], vector<16xf32>,
      %gather3A_518 = tpu.vector_load_idx %arg15[%add3A_204, %and3A_516] : memref<512x64xf32, #tpu.memory_space<vmem>>[vector<16xi32>, vector<16xi32>], vector<16xf32>,
      %gather3A_519 = tpu.vector_load_idx %arg16[%add3A_204, %and3A_516] : memref<512x64xf32, #tpu.memory_space<vmem>>[vector<16xi32>, vector<16xi32>], vector<16xf32>,
      %gather3A_520 = tpu.vector_load_idx %arg18[%get3A_3, %and3A_516] : memref<1x64xf32, #tpu.memory_space<vmem>>[vector<16xi32>, vector<16xi32>], vector<16xf32>,
      %add3A_521 = arith.addf %gather3A_517, %gather3A_520 : vector<16xf32>
      %sub3A_522 = arith.subf %add3A_521, %gather3A_518 : vector<16xf32>
      %sub3A_523 = arith.subf %add3A_521, %gather3A_519 : vector<16xf32>
      %mul3A_524 = arith.mulf %sub3A_522, %sub3A_522 : vector<16xf32>
      %add3A_525 = arith.addf %add3A_508, %mul3A_524 : vector<16xf32>
      %mul3A_526 = arith.mulf %sub3A_523, %sub3A_523 : vector<16xf32>
      %add3A_527 = arith.addf %add3A_510, %mul3A_526 : vector<16xf32>
      %add3A_528 = arith.constant 19 : i32
      %add3A_529 = vector.broadcast %add3A_528 : i32 to vector<16xi32>
      %add3A_530 = arith.addi %add3A_194, %add3A_529 : vector<16xi32>
      %and3A_531 = arith.constant 63 : i32
      %and3A_532 = vector.broadcast %and3A_531 : i32 to vector<16xi32>
      %and3A_533 = arith.andi %add3A_530, %and3A_532 : vector<16xi32>
      %gather3A_534 = tpu.vector_load_idx %arg14[%add3A_204, %and3A_533] : memref<512x64xf32, #tpu.memory_space<vmem>>[vector<16xi32>, vector<16xi32>], vector<16xf32>,
      %gather3A_535 = tpu.vector_load_idx %arg15[%add3A_204, %and3A_533] : memref<512x64xf32, #tpu.memory_space<vmem>>[vector<16xi32>, vector<16xi32>], vector<16xf32>,
      %gather3A_536 = tpu.vector_load_idx %arg16[%add3A_204, %and3A_533] : memref<512x64xf32, #tpu.memory_space<vmem>>[vector<16xi32>, vector<16xi32>], vector<16xf32>,
      %gather3A_537 = tpu.vector_load_idx %arg18[%get3A_3, %and3A_533] : memref<1x64xf32, #tpu.memory_space<vmem>>[vector<16xi32>, vector<16xi32>], vector<16xf32>,
      %add3A_538 = arith.addf %gather3A_534, %gather3A_537 : vector<16xf32>
      %sub3A_539 = arith.subf %add3A_538, %gather3A_535 : vector<16xf32>
      %sub3A_540 = arith.subf %add3A_538, %gather3A_536 : vector<16xf32>
      %mul3A_541 = arith.mulf %sub3A_539, %sub3A_539 : vector<16xf32>
      %add3A_542 = arith.addf %add3A_525, %mul3A_541 : vector<16xf32>
      %mul3A_543 = arith.mulf %sub3A_540, %sub3A_540 : vector<16xf32>
      %add3A_544 = arith.addf %add3A_527, %mul3A_543 : vector<16xf32>
      %add3A_545 = arith.constant 20 : i32
      %add3A_546 = vector.broadcast %add3A_545 : i32 to vector<16xi32>
      %add3A_547 = arith.addi %add3A_194, %add3A_546 : vector<16xi32>
      %and3A_548 = arith.constant 63 : i32
      %and3A_549 = vector.broadcast %and3A_548 : i32 to vector<16xi32>
      %and3A_550 = arith.andi %add3A_547, %and3A_549 : vector<16xi32>
      %gather3A_551 = tpu.vector_load_idx %arg14[%add3A_204, %and3A_550] : memref<512x64xf32, #tpu.memory_space<vmem>>[vector<16xi32>, vector<16xi32>], vector<16xf32>,
      %gather3A_552 = tpu.vector_load_idx %arg15[%add3A_204, %and3A_550] : memref<512x64xf32, #tpu.memory_space<vmem>>[vector<16xi32>, vector<16xi32>], vector<16xf32>,
      %gather3A_553 = tpu.vector_load_idx %arg16[%add3A_204, %and3A_550] : memref<512x64xf32, #tpu.memory_space<vmem>>[vector<16xi32>, vector<16xi32>], vector<16xf32>,
      %gather3A_554 = tpu.vector_load_idx %arg18[%get3A_3, %and3A_550] : memref<1x64xf32, #tpu.memory_space<vmem>>[vector<16xi32>, vector<16xi32>], vector<16xf32>,
      %add3A_555 = arith.addf %gather3A_551, %gather3A_554 : vector<16xf32>
      %sub3A_556 = arith.subf %add3A_555, %gather3A_552 : vector<16xf32>
      %sub3A_557 = arith.subf %add3A_555, %gather3A_553 : vector<16xf32>
      %mul3A_558 = arith.mulf %sub3A_556, %sub3A_556 : vector<16xf32>
      %add3A_559 = arith.addf %add3A_542, %mul3A_558 : vector<16xf32>
      %mul3A_560 = arith.mulf %sub3A_557, %sub3A_557 : vector<16xf32>
      %add3A_561 = arith.addf %add3A_544, %mul3A_560 : vector<16xf32>
      %add3A_562 = arith.constant 21 : i32
      %add3A_563 = vector.broadcast %add3A_562 : i32 to vector<16xi32>
      %add3A_564 = arith.addi %add3A_194, %add3A_563 : vector<16xi32>
      %and3A_565 = arith.constant 63 : i32
      %and3A_566 = vector.broadcast %and3A_565 : i32 to vector<16xi32>
      %and3A_567 = arith.andi %add3A_564, %and3A_566 : vector<16xi32>
      %gather3A_568 = tpu.vector_load_idx %arg14[%add3A_204, %and3A_567] : memref<512x64xf32, #tpu.memory_space<vmem>>[vector<16xi32>, vector<16xi32>], vector<16xf32>,
      %gather3A_569 = tpu.vector_load_idx %arg15[%add3A_204, %and3A_567] : memref<512x64xf32, #tpu.memory_space<vmem>>[vector<16xi32>, vector<16xi32>], vector<16xf32>,
      %gather3A_570 = tpu.vector_load_idx %arg16[%add3A_204, %and3A_567] : memref<512x64xf32, #tpu.memory_space<vmem>>[vector<16xi32>, vector<16xi32>], vector<16xf32>,
      %gather3A_571 = tpu.vector_load_idx %arg18[%get3A_3, %and3A_567] : memref<1x64xf32, #tpu.memory_space<vmem>>[vector<16xi32>, vector<16xi32>], vector<16xf32>,
      %add3A_572 = arith.addf %gather3A_568, %gather3A_571 : vector<16xf32>
      %sub3A_573 = arith.subf %add3A_572, %gather3A_569 : vector<16xf32>
      %sub3A_574 = arith.subf %add3A_572, %gather3A_570 : vector<16xf32>
      %mul3A_575 = arith.mulf %sub3A_573, %sub3A_573 : vector<16xf32>
      %add3A_576 = arith.addf %add3A_559, %mul3A_575 : vector<16xf32>
      %mul3A_577 = arith.mulf %sub3A_574, %sub3A_574 : vector<16xf32>
      %add3A_578 = arith.addf %add3A_561, %mul3A_577 : vector<16xf32>
      %add3A_579 = arith.constant 22 : i32
      %add3A_580 = vector.broadcast %add3A_579 : i32 to vector<16xi32>
      %add3A_581 = arith.addi %add3A_194, %add3A_580 : vector<16xi32>
      %and3A_582 = arith.constant 63 : i32
      %and3A_583 = vector.broadcast %and3A_582 : i32 to vector<16xi32>
      %and3A_584 = arith.andi %add3A_581, %and3A_583 : vector<16xi32>
      %gather3A_585 = tpu.vector_load_idx %arg14[%add3A_204, %and3A_584] : memref<512x64xf32, #tpu.memory_space<vmem>>[vector<16xi32>, vector<16xi32>], vector<16xf32>,
      %gather3A_586 = tpu.vector_load_idx %arg15[%add3A_204, %and3A_584] : memref<512x64xf32, #tpu.memory_space<vmem>>[vector<16xi32>, vector<16xi32>], vector<16xf32>,
      %gather3A_587 = tpu.vector_load_idx %arg16[%add3A_204, %and3A_584] : memref<512x64xf32, #tpu.memory_space<vmem>>[vector<16xi32>, vector<16xi32>], vector<16xf32>,
      %gather3A_588 = tpu.vector_load_idx %arg18[%get3A_3, %and3A_584] : memref<1x64xf32, #tpu.memory_space<vmem>>[vector<16xi32>, vector<16xi32>], vector<16xf32>,
      %add3A_589 = arith.addf %gather3A_585, %gather3A_588 : vector<16xf32>
      %sub3A_590 = arith.subf %add3A_589, %gather3A_586 : vector<16xf32>
      %sub3A_591 = arith.subf %add3A_589, %gather3A_587 : vector<16xf32>
      %mul3A_592 = arith.mulf %sub3A_590, %sub3A_590 : vector<16xf32>
      %add3A_593 = arith.addf %add3A_576, %mul3A_592 : vector<16xf32>
      %mul3A_594 = arith.mulf %sub3A_591, %sub3A_591 : vector<16xf32>
      %add3A_595 = arith.addf %add3A_578, %mul3A_594 : vector<16xf32>
      %add3A_596 = arith.constant 23 : i32
      %add3A_597 = vector.broadcast %add3A_596 : i32 to vector<16xi32>
      %add3A_598 = arith.addi %add3A_194, %add3A_597 : vector<16xi32>
      %and3A_599 = arith.constant 63 : i32
      %and3A_600 = vector.broadcast %and3A_599 : i32 to vector<16xi32>
      %and3A_601 = arith.andi %add3A_598, %and3A_600 : vector<16xi32>
      %gather3A_602 = tpu.vector_load_idx %arg14[%add3A_204, %and3A_601] : memref<512x64xf32, #tpu.memory_space<vmem>>[vector<16xi32>, vector<16xi32>], vector<16xf32>,
      %gather3A_603 = tpu.vector_load_idx %arg15[%add3A_204, %and3A_601] : memref<512x64xf32, #tpu.memory_space<vmem>>[vector<16xi32>, vector<16xi32>], vector<16xf32>,
      %gather3A_604 = tpu.vector_load_idx %arg16[%add3A_204, %and3A_601] : memref<512x64xf32, #tpu.memory_space<vmem>>[vector<16xi32>, vector<16xi32>], vector<16xf32>,
      %gather3A_605 = tpu.vector_load_idx %arg18[%get3A_3, %and3A_601] : memref<1x64xf32, #tpu.memory_space<vmem>>[vector<16xi32>, vector<16xi32>], vector<16xf32>,
      %add3A_606 = arith.addf %gather3A_602, %gather3A_605 : vector<16xf32>
      %sub3A_607 = arith.subf %add3A_606, %gather3A_603 : vector<16xf32>
      %sub3A_608 = arith.subf %add3A_606, %gather3A_604 : vector<16xf32>
      %mul3A_609 = arith.mulf %sub3A_607, %sub3A_607 : vector<16xf32>
      %add3A_610 = arith.addf %add3A_593, %mul3A_609 : vector<16xf32>
      %mul3A_611 = arith.mulf %sub3A_608, %sub3A_608 : vector<16xf32>
      %add3A_612 = arith.addf %add3A_595, %mul3A_611 : vector<16xf32>
      %add3A_613 = arith.constant 24 : i32
      %add3A_614 = vector.broadcast %add3A_613 : i32 to vector<16xi32>
      %add3A_615 = arith.addi %add3A_194, %add3A_614 : vector<16xi32>
      %and3A_616 = arith.constant 63 : i32
      %and3A_617 = vector.broadcast %and3A_616 : i32 to vector<16xi32>
      %and3A_618 = arith.andi %add3A_615, %and3A_617 : vector<16xi32>
      %gather3A_619 = tpu.vector_load_idx %arg14[%add3A_204, %and3A_618] : memref<512x64xf32, #tpu.memory_space<vmem>>[vector<16xi32>, vector<16xi32>], vector<16xf32>,
      %gather3A_620 = tpu.vector_load_idx %arg15[%add3A_204, %and3A_618] : memref<512x64xf32, #tpu.memory_space<vmem>>[vector<16xi32>, vector<16xi32>], vector<16xf32>,
      %gather3A_621 = tpu.vector_load_idx %arg16[%add3A_204, %and3A_618] : memref<512x64xf32, #tpu.memory_space<vmem>>[vector<16xi32>, vector<16xi32>], vector<16xf32>,
      %gather3A_622 = tpu.vector_load_idx %arg18[%get3A_3, %and3A_618] : memref<1x64xf32, #tpu.memory_space<vmem>>[vector<16xi32>, vector<16xi32>], vector<16xf32>,
      %add3A_623 = arith.addf %gather3A_619, %gather3A_622 : vector<16xf32>
      %sub3A_624 = arith.subf %add3A_623, %gather3A_620 : vector<16xf32>
      %sub3A_625 = arith.subf %add3A_623, %gather3A_621 : vector<16xf32>
      %mul3A_626 = arith.mulf %sub3A_624, %sub3A_624 : vector<16xf32>
      %add3A_627 = arith.addf %add3A_610, %mul3A_626 : vector<16xf32>
      %mul3A_628 = arith.mulf %sub3A_625, %sub3A_625 : vector<16xf32>
      %add3A_629 = arith.addf %add3A_612, %mul3A_628 : vector<16xf32>
      %add3A_630 = arith.constant 25 : i32
      %add3A_631 = vector.broadcast %add3A_630 : i32 to vector<16xi32>
      %add3A_632 = arith.addi %add3A_194, %add3A_631 : vector<16xi32>
      %and3A_633 = arith.constant 63 : i32
      %and3A_634 = vector.broadcast %and3A_633 : i32 to vector<16xi32>
      %and3A_635 = arith.andi %add3A_632, %and3A_634 : vector<16xi32>
      %gather3A_636 = tpu.vector_load_idx %arg14[%add3A_204, %and3A_635] : memref<512x64xf32, #tpu.memory_space<vmem>>[vector<16xi32>, vector<16xi32>], vector<16xf32>,
      %gather3A_637 = tpu.vector_load_idx %arg15[%add3A_204, %and3A_635] : memref<512x64xf32, #tpu.memory_space<vmem>>[vector<16xi32>, vector<16xi32>], vector<16xf32>,
      %gather3A_638 = tpu.vector_load_idx %arg16[%add3A_204, %and3A_635] : memref<512x64xf32, #tpu.memory_space<vmem>>[vector<16xi32>, vector<16xi32>], vector<16xf32>,
      %gather3A_639 = tpu.vector_load_idx %arg18[%get3A_3, %and3A_635] : memref<1x64xf32, #tpu.memory_space<vmem>>[vector<16xi32>, vector<16xi32>], vector<16xf32>,
      %add3A_640 = arith.addf %gather3A_636, %gather3A_639 : vector<16xf32>
      %sub3A_641 = arith.subf %add3A_640, %gather3A_637 : vector<16xf32>
      %sub3A_642 = arith.subf %add3A_640, %gather3A_638 : vector<16xf32>
      %mul3A_643 = arith.mulf %sub3A_641, %sub3A_641 : vector<16xf32>
      %add3A_644 = arith.addf %add3A_627, %mul3A_643 : vector<16xf32>
      %mul3A_645 = arith.mulf %sub3A_642, %sub3A_642 : vector<16xf32>
      %add3A_646 = arith.addf %add3A_629, %mul3A_645 : vector<16xf32>
      %add3A_647 = arith.constant 26 : i32
      %add3A_648 = vector.broadcast %add3A_647 : i32 to vector<16xi32>
      %add3A_649 = arith.addi %add3A_194, %add3A_648 : vector<16xi32>
      %and3A_650 = arith.constant 63 : i32
      %and3A_651 = vector.broadcast %and3A_650 : i32 to vector<16xi32>
      %and3A_652 = arith.andi %add3A_649, %and3A_651 : vector<16xi32>
      %gather3A_653 = tpu.vector_load_idx %arg14[%add3A_204, %and3A_652] : memref<512x64xf32, #tpu.memory_space<vmem>>[vector<16xi32>, vector<16xi32>], vector<16xf32>,
      %gather3A_654 = tpu.vector_load_idx %arg15[%add3A_204, %and3A_652] : memref<512x64xf32, #tpu.memory_space<vmem>>[vector<16xi32>, vector<16xi32>], vector<16xf32>,
      %gather3A_655 = tpu.vector_load_idx %arg16[%add3A_204, %and3A_652] : memref<512x64xf32, #tpu.memory_space<vmem>>[vector<16xi32>, vector<16xi32>], vector<16xf32>,
      %gather3A_656 = tpu.vector_load_idx %arg18[%get3A_3, %and3A_652] : memref<1x64xf32, #tpu.memory_space<vmem>>[vector<16xi32>, vector<16xi32>], vector<16xf32>,
      %add3A_657 = arith.addf %gather3A_653, %gather3A_656 : vector<16xf32>
      %sub3A_658 = arith.subf %add3A_657, %gather3A_654 : vector<16xf32>
      %sub3A_659 = arith.subf %add3A_657, %gather3A_655 : vector<16xf32>
      %mul3A_660 = arith.mulf %sub3A_658, %sub3A_658 : vector<16xf32>
      %add3A_661 = arith.addf %add3A_644, %mul3A_660 : vector<16xf32>
      %mul3A_662 = arith.mulf %sub3A_659, %sub3A_659 : vector<16xf32>
      %add3A_663 = arith.addf %add3A_646, %mul3A_662 : vector<16xf32>
      %add3A_664 = arith.constant 27 : i32
      %add3A_665 = vector.broadcast %add3A_664 : i32 to vector<16xi32>
      %add3A_666 = arith.addi %add3A_194, %add3A_665 : vector<16xi32>
      %and3A_667 = arith.constant 63 : i32
      %and3A_668 = vector.broadcast %and3A_667 : i32 to vector<16xi32>
      %and3A_669 = arith.andi %add3A_666, %and3A_668 : vector<16xi32>
      %gather3A_670 = tpu.vector_load_idx %arg14[%add3A_204, %and3A_669] : memref<512x64xf32, #tpu.memory_space<vmem>>[vector<16xi32>, vector<16xi32>], vector<16xf32>,
      %gather3A_671 = tpu.vector_load_idx %arg15[%add3A_204, %and3A_669] : memref<512x64xf32, #tpu.memory_space<vmem>>[vector<16xi32>, vector<16xi32>], vector<16xf32>,
      %gather3A_672 = tpu.vector_load_idx %arg16[%add3A_204, %and3A_669] : memref<512x64xf32, #tpu.memory_space<vmem>>[vector<16xi32>, vector<16xi32>], vector<16xf32>,
      %gather3A_673 = tpu.vector_load_idx %arg18[%get3A_3, %and3A_669] : memref<1x64xf32, #tpu.memory_space<vmem>>[vector<16xi32>, vector<16xi32>], vector<16xf32>,
      %add3A_674 = arith.addf %gather3A_670, %gather3A_673 : vector<16xf32>
      %sub3A_675 = arith.subf %add3A_674, %gather3A_671 : vector<16xf32>
      %sub3A_676 = arith.subf %add3A_674, %gather3A_672 : vector<16xf32>
      %mul3A_677 = arith.mulf %sub3A_675, %sub3A_675 : vector<16xf32>
      %add3A_678 = arith.addf %add3A_661, %mul3A_677 : vector<16xf32>
      %mul3A_679 = arith.mulf %sub3A_676, %sub3A_676 : vector<16xf32>
      %add3A_680 = arith.addf %add3A_663, %mul3A_679 : vector<16xf32>
      %add3A_681 = arith.constant 28 : i32
      %add3A_682 = vector.broadcast %add3A_681 : i32 to vector<16xi32>
      %add3A_683 = arith.addi %add3A_194, %add3A_682 : vector<16xi32>
      %and3A_684 = arith.constant 63 : i32
      %and3A_685 = vector.broadcast %and3A_684 : i32 to vector<16xi32>
      %and3A_686 = arith.andi %add3A_683, %and3A_685 : vector<16xi32>
      %gather3A_687 = tpu.vector_load_idx %arg14[%add3A_204, %and3A_686] : memref<512x64xf32, #tpu.memory_space<vmem>>[vector<16xi32>, vector<16xi32>], vector<16xf32>,
      %gather3A_688 = tpu.vector_load_idx %arg15[%add3A_204, %and3A_686] : memref<512x64xf32, #tpu.memory_space<vmem>>[vector<16xi32>, vector<16xi32>], vector<16xf32>,
      %gather3A_689 = tpu.vector_load_idx %arg16[%add3A_204, %and3A_686] : memref<512x64xf32, #tpu.memory_space<vmem>>[vector<16xi32>, vector<16xi32>], vector<16xf32>,
      %gather3A_690 = tpu.vector_load_idx %arg18[%get3A_3, %and3A_686] : memref<1x64xf32, #tpu.memory_space<vmem>>[vector<16xi32>, vector<16xi32>], vector<16xf32>,
      %add3A_691 = arith.addf %gather3A_687, %gather3A_690 : vector<16xf32>
      %sub3A_692 = arith.subf %add3A_691, %gather3A_688 : vector<16xf32>
      %sub3A_693 = arith.subf %add3A_691, %gather3A_689 : vector<16xf32>
      %mul3A_694 = arith.mulf %sub3A_692, %sub3A_692 : vector<16xf32>
      %add3A_695 = arith.addf %add3A_678, %mul3A_694 : vector<16xf32>
      %mul3A_696 = arith.mulf %sub3A_693, %sub3A_693 : vector<16xf32>
      %add3A_697 = arith.addf %add3A_680, %mul3A_696 : vector<16xf32>
      %add3A_698 = arith.constant 29 : i32
      %add3A_699 = vector.broadcast %add3A_698 : i32 to vector<16xi32>
      %add3A_700 = arith.addi %add3A_194, %add3A_699 : vector<16xi32>
      %and3A_701 = arith.constant 63 : i32
      %and3A_702 = vector.broadcast %and3A_701 : i32 to vector<16xi32>
      %and3A_703 = arith.andi %add3A_700, %and3A_702 : vector<16xi32>
      %gather3A_704 = tpu.vector_load_idx %arg14[%add3A_204, %and3A_703] : memref<512x64xf32, #tpu.memory_space<vmem>>[vector<16xi32>, vector<16xi32>], vector<16xf32>,
      %gather3A_705 = tpu.vector_load_idx %arg15[%add3A_204, %and3A_703] : memref<512x64xf32, #tpu.memory_space<vmem>>[vector<16xi32>, vector<16xi32>], vector<16xf32>,
      %gather3A_706 = tpu.vector_load_idx %arg16[%add3A_204, %and3A_703] : memref<512x64xf32, #tpu.memory_space<vmem>>[vector<16xi32>, vector<16xi32>], vector<16xf32>,
      %gather3A_707 = tpu.vector_load_idx %arg18[%get3A_3, %and3A_703] : memref<1x64xf32, #tpu.memory_space<vmem>>[vector<16xi32>, vector<16xi32>], vector<16xf32>,
      %add3A_708 = arith.addf %gather3A_704, %gather3A_707 : vector<16xf32>
      %sub3A_709 = arith.subf %add3A_708, %gather3A_705 : vector<16xf32>
      %sub3A_710 = arith.subf %add3A_708, %gather3A_706 : vector<16xf32>
      %mul3A_711 = arith.mulf %sub3A_709, %sub3A_709 : vector<16xf32>
      %add3A_712 = arith.addf %add3A_695, %mul3A_711 : vector<16xf32>
      %mul3A_713 = arith.mulf %sub3A_710, %sub3A_710 : vector<16xf32>
      %add3A_714 = arith.addf %add3A_697, %mul3A_713 : vector<16xf32>
      %add3A_715 = arith.constant 30 : i32
      %add3A_716 = vector.broadcast %add3A_715 : i32 to vector<16xi32>
      %add3A_717 = arith.addi %add3A_194, %add3A_716 : vector<16xi32>
      %and3A_718 = arith.constant 63 : i32
      %and3A_719 = vector.broadcast %and3A_718 : i32 to vector<16xi32>
      %and3A_720 = arith.andi %add3A_717, %and3A_719 : vector<16xi32>
      %gather3A_721 = tpu.vector_load_idx %arg14[%add3A_204, %and3A_720] : memref<512x64xf32, #tpu.memory_space<vmem>>[vector<16xi32>, vector<16xi32>], vector<16xf32>,
      %gather3A_722 = tpu.vector_load_idx %arg15[%add3A_204, %and3A_720] : memref<512x64xf32, #tpu.memory_space<vmem>>[vector<16xi32>, vector<16xi32>], vector<16xf32>,
      %gather3A_723 = tpu.vector_load_idx %arg16[%add3A_204, %and3A_720] : memref<512x64xf32, #tpu.memory_space<vmem>>[vector<16xi32>, vector<16xi32>], vector<16xf32>,
      %gather3A_724 = tpu.vector_load_idx %arg18[%get3A_3, %and3A_720] : memref<1x64xf32, #tpu.memory_space<vmem>>[vector<16xi32>, vector<16xi32>], vector<16xf32>,
      %add3A_725 = arith.addf %gather3A_721, %gather3A_724 : vector<16xf32>
      %sub3A_726 = arith.subf %add3A_725, %gather3A_722 : vector<16xf32>
      %sub3A_727 = arith.subf %add3A_725, %gather3A_723 : vector<16xf32>
      %mul3A_728 = arith.mulf %sub3A_726, %sub3A_726 : vector<16xf32>
      %add3A_729 = arith.addf %add3A_712, %mul3A_728 : vector<16xf32>
      %mul3A_730 = arith.mulf %sub3A_727, %sub3A_727 : vector<16xf32>
      %add3A_731 = arith.addf %add3A_714, %mul3A_730 : vector<16xf32>
      %add3A_732 = arith.constant 31 : i32
      %add3A_733 = vector.broadcast %add3A_732 : i32 to vector<16xi32>
      %add3A_734 = arith.addi %add3A_194, %add3A_733 : vector<16xi32>
      %and3A_735 = arith.constant 63 : i32
      %and3A_736 = vector.broadcast %and3A_735 : i32 to vector<16xi32>
      %and3A_737 = arith.andi %add3A_734, %and3A_736 : vector<16xi32>
      %gather3A_738 = tpu.vector_load_idx %arg14[%add3A_204, %and3A_737] : memref<512x64xf32, #tpu.memory_space<vmem>>[vector<16xi32>, vector<16xi32>], vector<16xf32>,
      %gather3A_739 = tpu.vector_load_idx %arg15[%add3A_204, %and3A_737] : memref<512x64xf32, #tpu.memory_space<vmem>>[vector<16xi32>, vector<16xi32>], vector<16xf32>,
      %gather3A_740 = tpu.vector_load_idx %arg16[%add3A_204, %and3A_737] : memref<512x64xf32, #tpu.memory_space<vmem>>[vector<16xi32>, vector<16xi32>], vector<16xf32>,
      %gather3A_741 = tpu.vector_load_idx %arg18[%get3A_3, %and3A_737] : memref<1x64xf32, #tpu.memory_space<vmem>>[vector<16xi32>, vector<16xi32>], vector<16xf32>,
      %add3A_742 = arith.addf %gather3A_738, %gather3A_741 : vector<16xf32>
      %sub3A_743 = arith.subf %add3A_742, %gather3A_739 : vector<16xf32>
      %sub3A_744 = arith.subf %add3A_742, %gather3A_740 : vector<16xf32>
      %mul3A_745 = arith.mulf %sub3A_743, %sub3A_743 : vector<16xf32>
      %add3A_746 = arith.addf %add3A_729, %mul3A_745 : vector<16xf32>
      %mul3A_747 = arith.mulf %sub3A_744, %sub3A_744 : vector<16xf32>
      %add3A_748 = arith.addf %add3A_731, %mul3A_747 : vector<16xf32>
      %add3A_749 = arith.constant 32 : i32
      %add3A_750 = vector.broadcast %add3A_749 : i32 to vector<16xi32>
      %add3A_751 = arith.addi %add3A_194, %add3A_750 : vector<16xi32>
      %and3A_752 = arith.constant 63 : i32
      %and3A_753 = vector.broadcast %and3A_752 : i32 to vector<16xi32>
      %and3A_754 = arith.andi %add3A_751, %and3A_753 : vector<16xi32>
      %gather3A_755 = tpu.vector_load_idx %arg14[%add3A_204, %and3A_754] : memref<512x64xf32, #tpu.memory_space<vmem>>[vector<16xi32>, vector<16xi32>], vector<16xf32>,
      %gather3A_756 = tpu.vector_load_idx %arg15[%add3A_204, %and3A_754] : memref<512x64xf32, #tpu.memory_space<vmem>>[vector<16xi32>, vector<16xi32>], vector<16xf32>,
      %gather3A_757 = tpu.vector_load_idx %arg16[%add3A_204, %and3A_754] : memref<512x64xf32, #tpu.memory_space<vmem>>[vector<16xi32>, vector<16xi32>], vector<16xf32>,
      %gather3A_758 = tpu.vector_load_idx %arg18[%get3A_3, %and3A_754] : memref<1x64xf32, #tpu.memory_space<vmem>>[vector<16xi32>, vector<16xi32>], vector<16xf32>,
      %add3A_759 = arith.addf %gather3A_755, %gather3A_758 : vector<16xf32>
      %sub3A_760 = arith.subf %add3A_759, %gather3A_756 : vector<16xf32>
      %sub3A_761 = arith.subf %add3A_759, %gather3A_757 : vector<16xf32>
      %mul3A_762 = arith.mulf %sub3A_760, %sub3A_760 : vector<16xf32>
      %add3A_763 = arith.addf %add3A_746, %mul3A_762 : vector<16xf32>
      %mul3A_764 = arith.mulf %sub3A_761, %sub3A_761 : vector<16xf32>
      %add3A_765 = arith.addf %add3A_748, %mul3A_764 : vector<16xf32>
      %add3A_766 = arith.constant 33 : i32
      %add3A_767 = vector.broadcast %add3A_766 : i32 to vector<16xi32>
      %add3A_768 = arith.addi %add3A_194, %add3A_767 : vector<16xi32>
      %and3A_769 = arith.constant 63 : i32
      %and3A_770 = vector.broadcast %and3A_769 : i32 to vector<16xi32>
      %and3A_771 = arith.andi %add3A_768, %and3A_770 : vector<16xi32>
      %gather3A_772 = tpu.vector_load_idx %arg14[%add3A_204, %and3A_771] : memref<512x64xf32, #tpu.memory_space<vmem>>[vector<16xi32>, vector<16xi32>], vector<16xf32>,
      %gather3A_773 = tpu.vector_load_idx %arg15[%add3A_204, %and3A_771] : memref<512x64xf32, #tpu.memory_space<vmem>>[vector<16xi32>, vector<16xi32>], vector<16xf32>,
      %gather3A_774 = tpu.vector_load_idx %arg16[%add3A_204, %and3A_771] : memref<512x64xf32, #tpu.memory_space<vmem>>[vector<16xi32>, vector<16xi32>], vector<16xf32>,
      %gather3A_775 = tpu.vector_load_idx %arg18[%get3A_3, %and3A_771] : memref<1x64xf32, #tpu.memory_space<vmem>>[vector<16xi32>, vector<16xi32>], vector<16xf32>,
      %add3A_776 = arith.addf %gather3A_772, %gather3A_775 : vector<16xf32>
      %sub3A_777 = arith.subf %add3A_776, %gather3A_773 : vector<16xf32>
      %sub3A_778 = arith.subf %add3A_776, %gather3A_774 : vector<16xf32>
      %mul3A_779 = arith.mulf %sub3A_777, %sub3A_777 : vector<16xf32>
      %add3A_780 = arith.addf %add3A_763, %mul3A_779 : vector<16xf32>
      %mul3A_781 = arith.mulf %sub3A_778, %sub3A_778 : vector<16xf32>
      %add3A_782 = arith.addf %add3A_765, %mul3A_781 : vector<16xf32>
      %add3A_783 = arith.constant 34 : i32
      %add3A_784 = vector.broadcast %add3A_783 : i32 to vector<16xi32>
      %add3A_785 = arith.addi %add3A_194, %add3A_784 : vector<16xi32>
      %and3A_786 = arith.constant 63 : i32
      %and3A_787 = vector.broadcast %and3A_786 : i32 to vector<16xi32>
      %and3A_788 = arith.andi %add3A_785, %and3A_787 : vector<16xi32>
      %gather3A_789 = tpu.vector_load_idx %arg14[%add3A_204, %and3A_788] : memref<512x64xf32, #tpu.memory_space<vmem>>[vector<16xi32>, vector<16xi32>], vector<16xf32>,
      %gather3A_790 = tpu.vector_load_idx %arg15[%add3A_204, %and3A_788] : memref<512x64xf32, #tpu.memory_space<vmem>>[vector<16xi32>, vector<16xi32>], vector<16xf32>,
      %gather3A_791 = tpu.vector_load_idx %arg16[%add3A_204, %and3A_788] : memref<512x64xf32, #tpu.memory_space<vmem>>[vector<16xi32>, vector<16xi32>], vector<16xf32>,
      %gather3A_792 = tpu.vector_load_idx %arg18[%get3A_3, %and3A_788] : memref<1x64xf32, #tpu.memory_space<vmem>>[vector<16xi32>, vector<16xi32>], vector<16xf32>,
      %add3A_793 = arith.addf %gather3A_789, %gather3A_792 : vector<16xf32>
      %sub3A_794 = arith.subf %add3A_793, %gather3A_790 : vector<16xf32>
      %sub3A_795 = arith.subf %add3A_793, %gather3A_791 : vector<16xf32>
      %mul3A_796 = arith.mulf %sub3A_794, %sub3A_794 : vector<16xf32>
      %add3A_797 = arith.addf %add3A_780, %mul3A_796 : vector<16xf32>
      %mul3A_798 = arith.mulf %sub3A_795, %sub3A_795 : vector<16xf32>
      %add3A_799 = arith.addf %add3A_782, %mul3A_798 : vector<16xf32>
      %add3A_800 = arith.constant 35 : i32
      %add3A_801 = vector.broadcast %add3A_800 : i32 to vector<16xi32>
      %add3A_802 = arith.addi %add3A_194, %add3A_801 : vector<16xi32>
      %and3A_803 = arith.constant 63 : i32
      %and3A_804 = vector.broadcast %and3A_803 : i32 to vector<16xi32>
      %and3A_805 = arith.andi %add3A_802, %and3A_804 : vector<16xi32>
      %gather3A_806 = tpu.vector_load_idx %arg14[%add3A_204, %and3A_805] : memref<512x64xf32, #tpu.memory_space<vmem>>[vector<16xi32>, vector<16xi32>], vector<16xf32>,
      %gather3A_807 = tpu.vector_load_idx %arg15[%add3A_204, %and3A_805] : memref<512x64xf32, #tpu.memory_space<vmem>>[vector<16xi32>, vector<16xi32>], vector<16xf32>,
      %gather3A_808 = tpu.vector_load_idx %arg16[%add3A_204, %and3A_805] : memref<512x64xf32, #tpu.memory_space<vmem>>[vector<16xi32>, vector<16xi32>], vector<16xf32>,
      %gather3A_809 = tpu.vector_load_idx %arg18[%get3A_3, %and3A_805] : memref<1x64xf32, #tpu.memory_space<vmem>>[vector<16xi32>, vector<16xi32>], vector<16xf32>,
      %add3A_810 = arith.addf %gather3A_806, %gather3A_809 : vector<16xf32>
      %sub3A_811 = arith.subf %add3A_810, %gather3A_807 : vector<16xf32>
      %sub3A_812 = arith.subf %add3A_810, %gather3A_808 : vector<16xf32>
      %mul3A_813 = arith.mulf %sub3A_811, %sub3A_811 : vector<16xf32>
      %add3A_814 = arith.addf %add3A_797, %mul3A_813 : vector<16xf32>
      %mul3A_815 = arith.mulf %sub3A_812, %sub3A_812 : vector<16xf32>
      %add3A_816 = arith.addf %add3A_799, %mul3A_815 : vector<16xf32>
      %add3A_817 = arith.constant 36 : i32
      %add3A_818 = vector.broadcast %add3A_817 : i32 to vector<16xi32>
      %add3A_819 = arith.addi %add3A_194, %add3A_818 : vector<16xi32>
      %and3A_820 = arith.constant 63 : i32
      %and3A_821 = vector.broadcast %and3A_820 : i32 to vector<16xi32>
      %and3A_822 = arith.andi %add3A_819, %and3A_821 : vector<16xi32>
      %gather3A_823 = tpu.vector_load_idx %arg14[%add3A_204, %and3A_822] : memref<512x64xf32, #tpu.memory_space<vmem>>[vector<16xi32>, vector<16xi32>], vector<16xf32>,
      %gather3A_824 = tpu.vector_load_idx %arg15[%add3A_204, %and3A_822] : memref<512x64xf32, #tpu.memory_space<vmem>>[vector<16xi32>, vector<16xi32>], vector<16xf32>,
      %gather3A_825 = tpu.vector_load_idx %arg16[%add3A_204, %and3A_822] : memref<512x64xf32, #tpu.memory_space<vmem>>[vector<16xi32>, vector<16xi32>], vector<16xf32>,
      %gather3A_826 = tpu.vector_load_idx %arg18[%get3A_3, %and3A_822] : memref<1x64xf32, #tpu.memory_space<vmem>>[vector<16xi32>, vector<16xi32>], vector<16xf32>,
      %add3A_827 = arith.addf %gather3A_823, %gather3A_826 : vector<16xf32>
      %sub3A_828 = arith.subf %add3A_827, %gather3A_824 : vector<16xf32>
      %sub3A_829 = arith.subf %add3A_827, %gather3A_825 : vector<16xf32>
      %mul3A_830 = arith.mulf %sub3A_828, %sub3A_828 : vector<16xf32>
      %add3A_831 = arith.addf %add3A_814, %mul3A_830 : vector<16xf32>
      %mul3A_832 = arith.mulf %sub3A_829, %sub3A_829 : vector<16xf32>
      %add3A_833 = arith.addf %add3A_816, %mul3A_832 : vector<16xf32>
      %add3A_834 = arith.constant 37 : i32
      %add3A_835 = vector.broadcast %add3A_834 : i32 to vector<16xi32>
      %add3A_836 = arith.addi %add3A_194, %add3A_835 : vector<16xi32>
      %and3A_837 = arith.constant 63 : i32
      %and3A_838 = vector.broadcast %and3A_837 : i32 to vector<16xi32>
      %and3A_839 = arith.andi %add3A_836, %and3A_838 : vector<16xi32>
      %gather3A_840 = tpu.vector_load_idx %arg14[%add3A_204, %and3A_839] : memref<512x64xf32, #tpu.memory_space<vmem>>[vector<16xi32>, vector<16xi32>], vector<16xf32>,
      %gather3A_841 = tpu.vector_load_idx %arg15[%add3A_204, %and3A_839] : memref<512x64xf32, #tpu.memory_space<vmem>>[vector<16xi32>, vector<16xi32>], vector<16xf32>,
      %gather3A_842 = tpu.vector_load_idx %arg16[%add3A_204, %and3A_839] : memref<512x64xf32, #tpu.memory_space<vmem>>[vector<16xi32>, vector<16xi32>], vector<16xf32>,
      %gather3A_843 = tpu.vector_load_idx %arg18[%get3A_3, %and3A_839] : memref<1x64xf32, #tpu.memory_space<vmem>>[vector<16xi32>, vector<16xi32>], vector<16xf32>,
      %add3A_844 = arith.addf %gather3A_840, %gather3A_843 : vector<16xf32>
      %sub3A_845 = arith.subf %add3A_844, %gather3A_841 : vector<16xf32>
      %sub3A_846 = arith.subf %add3A_844, %gather3A_842 : vector<16xf32>
      %mul3A_847 = arith.mulf %sub3A_845, %sub3A_845 : vector<16xf32>
      %add3A_848 = arith.addf %add3A_831, %mul3A_847 : vector<16xf32>
      %mul3A_849 = arith.mulf %sub3A_846, %sub3A_846 : vector<16xf32>
      %add3A_850 = arith.addf %add3A_833, %mul3A_849 : vector<16xf32>
      %add3A_851 = arith.constant 38 : i32
      %add3A_852 = vector.broadcast %add3A_851 : i32 to vector<16xi32>
      %add3A_853 = arith.addi %add3A_194, %add3A_852 : vector<16xi32>
      %and3A_854 = arith.constant 63 : i32
      %and3A_855 = vector.broadcast %and3A_854 : i32 to vector<16xi32>
      %and3A_856 = arith.andi %add3A_853, %and3A_855 : vector<16xi32>
      %gather3A_857 = tpu.vector_load_idx %arg14[%add3A_204, %and3A_856] : memref<512x64xf32, #tpu.memory_space<vmem>>[vector<16xi32>, vector<16xi32>], vector<16xf32>,
      %gather3A_858 = tpu.vector_load_idx %arg15[%add3A_204, %and3A_856] : memref<512x64xf32, #tpu.memory_space<vmem>>[vector<16xi32>, vector<16xi32>], vector<16xf32>,
      %gather3A_859 = tpu.vector_load_idx %arg16[%add3A_204, %and3A_856] : memref<512x64xf32, #tpu.memory_space<vmem>>[vector<16xi32>, vector<16xi32>], vector<16xf32>,
      %gather3A_860 = tpu.vector_load_idx %arg18[%get3A_3, %and3A_856] : memref<1x64xf32, #tpu.memory_space<vmem>>[vector<16xi32>, vector<16xi32>], vector<16xf32>,
      %add3A_861 = arith.addf %gather3A_857, %gather3A_860 : vector<16xf32>
      %sub3A_862 = arith.subf %add3A_861, %gather3A_858 : vector<16xf32>
      %sub3A_863 = arith.subf %add3A_861, %gather3A_859 : vector<16xf32>
      %mul3A_864 = arith.mulf %sub3A_862, %sub3A_862 : vector<16xf32>
      %add3A_865 = arith.addf %add3A_848, %mul3A_864 : vector<16xf32>
      %mul3A_866 = arith.mulf %sub3A_863, %sub3A_863 : vector<16xf32>
      %add3A_867 = arith.addf %add3A_850, %mul3A_866 : vector<16xf32>
      %add3A_868 = arith.constant 39 : i32
      %add3A_869 = vector.broadcast %add3A_868 : i32 to vector<16xi32>
      %add3A_870 = arith.addi %add3A_194, %add3A_869 : vector<16xi32>
      %and3A_871 = arith.constant 63 : i32
      %and3A_872 = vector.broadcast %and3A_871 : i32 to vector<16xi32>
      %and3A_873 = arith.andi %add3A_870, %and3A_872 : vector<16xi32>
      %gather3A_874 = tpu.vector_load_idx %arg14[%add3A_204, %and3A_873] : memref<512x64xf32, #tpu.memory_space<vmem>>[vector<16xi32>, vector<16xi32>], vector<16xf32>,
      %gather3A_875 = tpu.vector_load_idx %arg15[%add3A_204, %and3A_873] : memref<512x64xf32, #tpu.memory_space<vmem>>[vector<16xi32>, vector<16xi32>], vector<16xf32>,
      %gather3A_876 = tpu.vector_load_idx %arg16[%add3A_204, %and3A_873] : memref<512x64xf32, #tpu.memory_space<vmem>>[vector<16xi32>, vector<16xi32>], vector<16xf32>,
      %gather3A_877 = tpu.vector_load_idx %arg18[%get3A_3, %and3A_873] : memref<1x64xf32, #tpu.memory_space<vmem>>[vector<16xi32>, vector<16xi32>], vector<16xf32>,
      %add3A_878 = arith.addf %gather3A_874, %gather3A_877 : vector<16xf32>
      %sub3A_879 = arith.subf %add3A_878, %gather3A_875 : vector<16xf32>
      %sub3A_880 = arith.subf %add3A_878, %gather3A_876 : vector<16xf32>
      %mul3A_881 = arith.mulf %sub3A_879, %sub3A_879 : vector<16xf32>
      %add3A_882 = arith.addf %add3A_865, %mul3A_881 : vector<16xf32>
      %mul3A_883 = arith.mulf %sub3A_880, %sub3A_880 : vector<16xf32>
      %add3A_884 = arith.addf %add3A_867, %mul3A_883 : vector<16xf32>
      %add3A_885 = arith.constant 40 : i32
      %add3A_886 = vector.broadcast %add3A_885 : i32 to vector<16xi32>
      %add3A_887 = arith.addi %add3A_194, %add3A_886 : vector<16xi32>
      %and3A_888 = arith.constant 63 : i32
      %and3A_889 = vector.broadcast %and3A_888 : i32 to vector<16xi32>
      %and3A_890 = arith.andi %add3A_887, %and3A_889 : vector<16xi32>
      %gather3A_891 = tpu.vector_load_idx %arg14[%add3A_204, %and3A_890] : memref<512x64xf32, #tpu.memory_space<vmem>>[vector<16xi32>, vector<16xi32>], vector<16xf32>,
      %gather3A_892 = tpu.vector_load_idx %arg15[%add3A_204, %and3A_890] : memref<512x64xf32, #tpu.memory_space<vmem>>[vector<16xi32>, vector<16xi32>], vector<16xf32>,
      %gather3A_893 = tpu.vector_load_idx %arg16[%add3A_204, %and3A_890] : memref<512x64xf32, #tpu.memory_space<vmem>>[vector<16xi32>, vector<16xi32>], vector<16xf32>,
      %gather3A_894 = tpu.vector_load_idx %arg18[%get3A_3, %and3A_890] : memref<1x64xf32, #tpu.memory_space<vmem>>[vector<16xi32>, vector<16xi32>], vector<16xf32>,
      %add3A_895 = arith.addf %gather3A_891, %gather3A_894 : vector<16xf32>
      %sub3A_896 = arith.subf %add3A_895, %gather3A_892 : vector<16xf32>
      %sub3A_897 = arith.subf %add3A_895, %gather3A_893 : vector<16xf32>
      %mul3A_898 = arith.mulf %sub3A_896, %sub3A_896 : vector<16xf32>
      %add3A_899 = arith.addf %add3A_882, %mul3A_898 : vector<16xf32>
      %mul3A_900 = arith.mulf %sub3A_897, %sub3A_897 : vector<16xf32>
      %add3A_901 = arith.addf %add3A_884, %mul3A_900 : vector<16xf32>
      %add3A_902 = arith.constant 41 : i32
      %add3A_903 = vector.broadcast %add3A_902 : i32 to vector<16xi32>
      %add3A_904 = arith.addi %add3A_194, %add3A_903 : vector<16xi32>
      %and3A_905 = arith.constant 63 : i32
      %and3A_906 = vector.broadcast %and3A_905 : i32 to vector<16xi32>
      %and3A_907 = arith.andi %add3A_904, %and3A_906 : vector<16xi32>
      %gather3A_908 = tpu.vector_load_idx %arg14[%add3A_204, %and3A_907] : memref<512x64xf32, #tpu.memory_space<vmem>>[vector<16xi32>, vector<16xi32>], vector<16xf32>,
      %gather3A_909 = tpu.vector_load_idx %arg15[%add3A_204, %and3A_907] : memref<512x64xf32, #tpu.memory_space<vmem>>[vector<16xi32>, vector<16xi32>], vector<16xf32>,
      %gather3A_910 = tpu.vector_load_idx %arg16[%add3A_204, %and3A_907] : memref<512x64xf32, #tpu.memory_space<vmem>>[vector<16xi32>, vector<16xi32>], vector<16xf32>,
      %gather3A_911 = tpu.vector_load_idx %arg18[%get3A_3, %and3A_907] : memref<1x64xf32, #tpu.memory_space<vmem>>[vector<16xi32>, vector<16xi32>], vector<16xf32>,
      %add3A_912 = arith.addf %gather3A_908, %gather3A_911 : vector<16xf32>
      %sub3A_913 = arith.subf %add3A_912, %gather3A_909 : vector<16xf32>
      %sub3A_914 = arith.subf %add3A_912, %gather3A_910 : vector<16xf32>
      %mul3A_915 = arith.mulf %sub3A_913, %sub3A_913 : vector<16xf32>
      %add3A_916 = arith.addf %add3A_899, %mul3A_915 : vector<16xf32>
      %mul3A_917 = arith.mulf %sub3A_914, %sub3A_914 : vector<16xf32>
      %add3A_918 = arith.addf %add3A_901, %mul3A_917 : vector<16xf32>
      %add3A_919 = arith.constant 42 : i32
      %add3A_920 = vector.broadcast %add3A_919 : i32 to vector<16xi32>
      %add3A_921 = arith.addi %add3A_194, %add3A_920 : vector<16xi32>
      %and3A_922 = arith.constant 63 : i32
      %and3A_923 = vector.broadcast %and3A_922 : i32 to vector<16xi32>
      %and3A_924 = arith.andi %add3A_921, %and3A_923 : vector<16xi32>
      %gather3A_925 = tpu.vector_load_idx %arg14[%add3A_204, %and3A_924] : memref<512x64xf32, #tpu.memory_space<vmem>>[vector<16xi32>, vector<16xi32>], vector<16xf32>,
      %gather3A_926 = tpu.vector_load_idx %arg15[%add3A_204, %and3A_924] : memref<512x64xf32, #tpu.memory_space<vmem>>[vector<16xi32>, vector<16xi32>], vector<16xf32>,
      %gather3A_927 = tpu.vector_load_idx %arg16[%add3A_204, %and3A_924] : memref<512x64xf32, #tpu.memory_space<vmem>>[vector<16xi32>, vector<16xi32>], vector<16xf32>,
      %gather3A_928 = tpu.vector_load_idx %arg18[%get3A_3, %and3A_924] : memref<1x64xf32, #tpu.memory_space<vmem>>[vector<16xi32>, vector<16xi32>], vector<16xf32>,
      %add3A_929 = arith.addf %gather3A_925, %gather3A_928 : vector<16xf32>
      %sub3A_930 = arith.subf %add3A_929, %gather3A_926 : vector<16xf32>
      %sub3A_931 = arith.subf %add3A_929, %gather3A_927 : vector<16xf32>
      %mul3A_932 = arith.mulf %sub3A_930, %sub3A_930 : vector<16xf32>
      %add3A_933 = arith.addf %add3A_916, %mul3A_932 : vector<16xf32>
      %mul3A_934 = arith.mulf %sub3A_931, %sub3A_931 : vector<16xf32>
      %add3A_935 = arith.addf %add3A_918, %mul3A_934 : vector<16xf32>
      %add3A_936 = arith.constant 43 : i32
      %add3A_937 = vector.broadcast %add3A_936 : i32 to vector<16xi32>
      %add3A_938 = arith.addi %add3A_194, %add3A_937 : vector<16xi32>
      %and3A_939 = arith.constant 63 : i32
      %and3A_940 = vector.broadcast %and3A_939 : i32 to vector<16xi32>
      %and3A_941 = arith.andi %add3A_938, %and3A_940 : vector<16xi32>
      %gather3A_942 = tpu.vector_load_idx %arg14[%add3A_204, %and3A_941] : memref<512x64xf32, #tpu.memory_space<vmem>>[vector<16xi32>, vector<16xi32>], vector<16xf32>,
      %gather3A_943 = tpu.vector_load_idx %arg15[%add3A_204, %and3A_941] : memref<512x64xf32, #tpu.memory_space<vmem>>[vector<16xi32>, vector<16xi32>], vector<16xf32>,
      %gather3A_944 = tpu.vector_load_idx %arg16[%add3A_204, %and3A_941] : memref<512x64xf32, #tpu.memory_space<vmem>>[vector<16xi32>, vector<16xi32>], vector<16xf32>,
      %gather3A_945 = tpu.vector_load_idx %arg18[%get3A_3, %and3A_941] : memref<1x64xf32, #tpu.memory_space<vmem>>[vector<16xi32>, vector<16xi32>], vector<16xf32>,
      %add3A_946 = arith.addf %gather3A_942, %gather3A_945 : vector<16xf32>
      %sub3A_947 = arith.subf %add3A_946, %gather3A_943 : vector<16xf32>
      %sub3A_948 = arith.subf %add3A_946, %gather3A_944 : vector<16xf32>
      %mul3A_949 = arith.mulf %sub3A_947, %sub3A_947 : vector<16xf32>
      %add3A_950 = arith.addf %add3A_933, %mul3A_949 : vector<16xf32>
      %mul3A_951 = arith.mulf %sub3A_948, %sub3A_948 : vector<16xf32>
      %add3A_952 = arith.addf %add3A_935, %mul3A_951 : vector<16xf32>
      %add3A_953 = arith.constant 44 : i32
      %add3A_954 = vector.broadcast %add3A_953 : i32 to vector<16xi32>
      %add3A_955 = arith.addi %add3A_194, %add3A_954 : vector<16xi32>
      %and3A_956 = arith.constant 63 : i32
      %and3A_957 = vector.broadcast %and3A_956 : i32 to vector<16xi32>
      %and3A_958 = arith.andi %add3A_955, %and3A_957 : vector<16xi32>
      %gather3A_959 = tpu.vector_load_idx %arg14[%add3A_204, %and3A_958] : memref<512x64xf32, #tpu.memory_space<vmem>>[vector<16xi32>, vector<16xi32>], vector<16xf32>,
      %gather3A_960 = tpu.vector_load_idx %arg15[%add3A_204, %and3A_958] : memref<512x64xf32, #tpu.memory_space<vmem>>[vector<16xi32>, vector<16xi32>], vector<16xf32>,
      %gather3A_961 = tpu.vector_load_idx %arg16[%add3A_204, %and3A_958] : memref<512x64xf32, #tpu.memory_space<vmem>>[vector<16xi32>, vector<16xi32>], vector<16xf32>,
      %gather3A_962 = tpu.vector_load_idx %arg18[%get3A_3, %and3A_958] : memref<1x64xf32, #tpu.memory_space<vmem>>[vector<16xi32>, vector<16xi32>], vector<16xf32>,
      %add3A_963 = arith.addf %gather3A_959, %gather3A_962 : vector<16xf32>
      %sub3A_964 = arith.subf %add3A_963, %gather3A_960 : vector<16xf32>
      %sub3A_965 = arith.subf %add3A_963, %gather3A_961 : vector<16xf32>
      %mul3A_966 = arith.mulf %sub3A_964, %sub3A_964 : vector<16xf32>
      %add3A_967 = arith.addf %add3A_950, %mul3A_966 : vector<16xf32>
      %mul3A_968 = arith.mulf %sub3A_965, %sub3A_965 : vector<16xf32>
      %add3A_969 = arith.addf %add3A_952, %mul3A_968 : vector<16xf32>
      %add3A_970 = arith.constant 45 : i32
      %add3A_971 = vector.broadcast %add3A_970 : i32 to vector<16xi32>
      %add3A_972 = arith.addi %add3A_194, %add3A_971 : vector<16xi32>
      %and3A_973 = arith.constant 63 : i32
      %and3A_974 = vector.broadcast %and3A_973 : i32 to vector<16xi32>
      %and3A_975 = arith.andi %add3A_972, %and3A_974 : vector<16xi32>
      %gather3A_976 = tpu.vector_load_idx %arg14[%add3A_204, %and3A_975] : memref<512x64xf32, #tpu.memory_space<vmem>>[vector<16xi32>, vector<16xi32>], vector<16xf32>,
      %gather3A_977 = tpu.vector_load_idx %arg15[%add3A_204, %and3A_975] : memref<512x64xf32, #tpu.memory_space<vmem>>[vector<16xi32>, vector<16xi32>], vector<16xf32>,
      %gather3A_978 = tpu.vector_load_idx %arg16[%add3A_204, %and3A_975] : memref<512x64xf32, #tpu.memory_space<vmem>>[vector<16xi32>, vector<16xi32>], vector<16xf32>,
      %gather3A_979 = tpu.vector_load_idx %arg18[%get3A_3, %and3A_975] : memref<1x64xf32, #tpu.memory_space<vmem>>[vector<16xi32>, vector<16xi32>], vector<16xf32>,
      %add3A_980 = arith.addf %gather3A_976, %gather3A_979 : vector<16xf32>
      %sub3A_981 = arith.subf %add3A_980, %gather3A_977 : vector<16xf32>
      %sub3A_982 = arith.subf %add3A_980, %gather3A_978 : vector<16xf32>
      %mul3A_983 = arith.mulf %sub3A_981, %sub3A_981 : vector<16xf32>
      %add3A_984 = arith.addf %add3A_967, %mul3A_983 : vector<16xf32>
      %mul3A_985 = arith.mulf %sub3A_982, %sub3A_982 : vector<16xf32>
      %add3A_986 = arith.addf %add3A_969, %mul3A_985 : vector<16xf32>
      %add3A_987 = arith.constant 46 : i32
      %add3A_988 = vector.broadcast %add3A_987 : i32 to vector<16xi32>
      %add3A_989 = arith.addi %add3A_194, %add3A_988 : vector<16xi32>
      %and3A_990 = arith.constant 63 : i32
      %and3A_991 = vector.broadcast %and3A_990 : i32 to vector<16xi32>
      %and3A_992 = arith.andi %add3A_989, %and3A_991 : vector<16xi32>
      %gather3A_993 = tpu.vector_load_idx %arg14[%add3A_204, %and3A_992] : memref<512x64xf32, #tpu.memory_space<vmem>>[vector<16xi32>, vector<16xi32>], vector<16xf32>,
      %gather3A_994 = tpu.vector_load_idx %arg15[%add3A_204, %and3A_992] : memref<512x64xf32, #tpu.memory_space<vmem>>[vector<16xi32>, vector<16xi32>], vector<16xf32>,
      %gather3A_995 = tpu.vector_load_idx %arg16[%add3A_204, %and3A_992] : memref<512x64xf32, #tpu.memory_space<vmem>>[vector<16xi32>, vector<16xi32>], vector<16xf32>,
      %gather3A_996 = tpu.vector_load_idx %arg18[%get3A_3, %and3A_992] : memref<1x64xf32, #tpu.memory_space<vmem>>[vector<16xi32>, vector<16xi32>], vector<16xf32>,
      %add3A_997 = arith.addf %gather3A_993, %gather3A_996 : vector<16xf32>
      %sub3A_998 = arith.subf %add3A_997, %gather3A_994 : vector<16xf32>
      %sub3A_999 = arith.subf %add3A_997, %gather3A_995 : vector<16xf32>
      %mul3A_1000 = arith.mulf %sub3A_998, %sub3A_998 : vector<16xf32>
      %add3A_1001 = arith.addf %add3A_984, %mul3A_1000 : vector<16xf32>
      %mul3A_1002 = arith.mulf %sub3A_999, %sub3A_999 : vector<16xf32>
      %add3A_1003 = arith.addf %add3A_986, %mul3A_1002 : vector<16xf32>
      %add3A_1004 = arith.constant 47 : i32
      %add3A_1005 = vector.broadcast %add3A_1004 : i32 to vector<16xi32>
      %add3A_1006 = arith.addi %add3A_194, %add3A_1005 : vector<16xi32>
      %and3A_1007 = arith.constant 63 : i32
      %and3A_1008 = vector.broadcast %and3A_1007 : i32 to vector<16xi32>
      %and3A_1009 = arith.andi %add3A_1006, %and3A_1008 : vector<16xi32>
      %gather3A_1010 = tpu.vector_load_idx %arg14[%add3A_204, %and3A_1009] : memref<512x64xf32, #tpu.memory_space<vmem>>[vector<16xi32>, vector<16xi32>], vector<16xf32>,
      %gather3A_1011 = tpu.vector_load_idx %arg15[%add3A_204, %and3A_1009] : memref<512x64xf32, #tpu.memory_space<vmem>>[vector<16xi32>, vector<16xi32>], vector<16xf32>,
      %gather3A_1012 = tpu.vector_load_idx %arg16[%add3A_204, %and3A_1009] : memref<512x64xf32, #tpu.memory_space<vmem>>[vector<16xi32>, vector<16xi32>], vector<16xf32>,
      %gather3A_1013 = tpu.vector_load_idx %arg18[%get3A_3, %and3A_1009] : memref<1x64xf32, #tpu.memory_space<vmem>>[vector<16xi32>, vector<16xi32>], vector<16xf32>,
      %add3A_1014 = arith.addf %gather3A_1010, %gather3A_1013 : vector<16xf32>
      %sub3A_1015 = arith.subf %add3A_1014, %gather3A_1011 : vector<16xf32>
      %sub3A_1016 = arith.subf %add3A_1014, %gather3A_1012 : vector<16xf32>
      %mul3A_1017 = arith.mulf %sub3A_1015, %sub3A_1015 : vector<16xf32>
      %add3A_1018 = arith.addf %add3A_1001, %mul3A_1017 : vector<16xf32>
      %mul3A_1019 = arith.mulf %sub3A_1016, %sub3A_1016 : vector<16xf32>
      %add3A_1020 = arith.addf %add3A_1003, %mul3A_1019 : vector<16xf32>
      %add3A_1021 = arith.constant 48 : i32
      %add3A_1022 = vector.broadcast %add3A_1021 : i32 to vector<16xi32>
      %add3A_1023 = arith.addi %add3A_194, %add3A_1022 : vector<16xi32>
      %and3A_1024 = arith.constant 63 : i32
      %and3A_1025 = vector.broadcast %and3A_1024 : i32 to vector<16xi32>
      %and3A_1026 = arith.andi %add3A_1023, %and3A_1025 : vector<16xi32>
      %gather3A_1027 = tpu.vector_load_idx %arg14[%add3A_204, %and3A_1026] : memref<512x64xf32, #tpu.memory_space<vmem>>[vector<16xi32>, vector<16xi32>], vector<16xf32>,
      %gather3A_1028 = tpu.vector_load_idx %arg15[%add3A_204, %and3A_1026] : memref<512x64xf32, #tpu.memory_space<vmem>>[vector<16xi32>, vector<16xi32>], vector<16xf32>,
      %gather3A_1029 = tpu.vector_load_idx %arg16[%add3A_204, %and3A_1026] : memref<512x64xf32, #tpu.memory_space<vmem>>[vector<16xi32>, vector<16xi32>], vector<16xf32>,
      %gather3A_1030 = tpu.vector_load_idx %arg18[%get3A_3, %and3A_1026] : memref<1x64xf32, #tpu.memory_space<vmem>>[vector<16xi32>, vector<16xi32>], vector<16xf32>,
      %add3A_1031 = arith.addf %gather3A_1027, %gather3A_1030 : vector<16xf32>
      %sub3A_1032 = arith.subf %add3A_1031, %gather3A_1028 : vector<16xf32>
      %sub3A_1033 = arith.subf %add3A_1031, %gather3A_1029 : vector<16xf32>
      %mul3A_1034 = arith.mulf %sub3A_1032, %sub3A_1032 : vector<16xf32>
      %add3A_1035 = arith.addf %add3A_1018, %mul3A_1034 : vector<16xf32>
      %mul3A_1036 = arith.mulf %sub3A_1033, %sub3A_1033 : vector<16xf32>
      %add3A_1037 = arith.addf %add3A_1020, %mul3A_1036 : vector<16xf32>
      %add3A_1038 = arith.constant 49 : i32
      %add3A_1039 = vector.broadcast %add3A_1038 : i32 to vector<16xi32>
      %add3A_1040 = arith.addi %add3A_194, %add3A_1039 : vector<16xi32>
      %and3A_1041 = arith.constant 63 : i32
      %and3A_1042 = vector.broadcast %and3A_1041 : i32 to vector<16xi32>
      %and3A_1043 = arith.andi %add3A_1040, %and3A_1042 : vector<16xi32>
      %gather3A_1044 = tpu.vector_load_idx %arg14[%add3A_204, %and3A_1043] : memref<512x64xf32, #tpu.memory_space<vmem>>[vector<16xi32>, vector<16xi32>], vector<16xf32>,
      %gather3A_1045 = tpu.vector_load_idx %arg15[%add3A_204, %and3A_1043] : memref<512x64xf32, #tpu.memory_space<vmem>>[vector<16xi32>, vector<16xi32>], vector<16xf32>,
      %gather3A_1046 = tpu.vector_load_idx %arg16[%add3A_204, %and3A_1043] : memref<512x64xf32, #tpu.memory_space<vmem>>[vector<16xi32>, vector<16xi32>], vector<16xf32>,
      %gather3A_1047 = tpu.vector_load_idx %arg18[%get3A_3, %and3A_1043] : memref<1x64xf32, #tpu.memory_space<vmem>>[vector<16xi32>, vector<16xi32>], vector<16xf32>,
      %add3A_1048 = arith.addf %gather3A_1044, %gather3A_1047 : vector<16xf32>
      %sub3A_1049 = arith.subf %add3A_1048, %gather3A_1045 : vector<16xf32>
      %sub3A_1050 = arith.subf %add3A_1048, %gather3A_1046 : vector<16xf32>
      %mul3A_1051 = arith.mulf %sub3A_1049, %sub3A_1049 : vector<16xf32>
      %add3A_1052 = arith.addf %add3A_1035, %mul3A_1051 : vector<16xf32>
      %mul3A_1053 = arith.mulf %sub3A_1050, %sub3A_1050 : vector<16xf32>
      %add3A_1054 = arith.addf %add3A_1037, %mul3A_1053 : vector<16xf32>
      %add3A_1055 = arith.constant 50 : i32
      %add3A_1056 = vector.broadcast %add3A_1055 : i32 to vector<16xi32>
      %add3A_1057 = arith.addi %add3A_194, %add3A_1056 : vector<16xi32>
      %and3A_1058 = arith.constant 63 : i32
      %and3A_1059 = vector.broadcast %and3A_1058 : i32 to vector<16xi32>
      %and3A_1060 = arith.andi %add3A_1057, %and3A_1059 : vector<16xi32>
      %gather3A_1061 = tpu.vector_load_idx %arg14[%add3A_204, %and3A_1060] : memref<512x64xf32, #tpu.memory_space<vmem>>[vector<16xi32>, vector<16xi32>], vector<16xf32>,
      %gather3A_1062 = tpu.vector_load_idx %arg15[%add3A_204, %and3A_1060] : memref<512x64xf32, #tpu.memory_space<vmem>>[vector<16xi32>, vector<16xi32>], vector<16xf32>,
      %gather3A_1063 = tpu.vector_load_idx %arg16[%add3A_204, %and3A_1060] : memref<512x64xf32, #tpu.memory_space<vmem>>[vector<16xi32>, vector<16xi32>], vector<16xf32>,
      %gather3A_1064 = tpu.vector_load_idx %arg18[%get3A_3, %and3A_1060] : memref<1x64xf32, #tpu.memory_space<vmem>>[vector<16xi32>, vector<16xi32>], vector<16xf32>,
      %add3A_1065 = arith.addf %gather3A_1061, %gather3A_1064 : vector<16xf32>
      %sub3A_1066 = arith.subf %add3A_1065, %gather3A_1062 : vector<16xf32>
      %sub3A_1067 = arith.subf %add3A_1065, %gather3A_1063 : vector<16xf32>
      %mul3A_1068 = arith.mulf %sub3A_1066, %sub3A_1066 : vector<16xf32>
      %add3A_1069 = arith.addf %add3A_1052, %mul3A_1068 : vector<16xf32>
      %mul3A_1070 = arith.mulf %sub3A_1067, %sub3A_1067 : vector<16xf32>
      %add3A_1071 = arith.addf %add3A_1054, %mul3A_1070 : vector<16xf32>
      %add3A_1072 = arith.constant 51 : i32
      %add3A_1073 = vector.broadcast %add3A_1072 : i32 to vector<16xi32>
      %add3A_1074 = arith.addi %add3A_194, %add3A_1073 : vector<16xi32>
      %and3A_1075 = arith.constant 63 : i32
      %and3A_1076 = vector.broadcast %and3A_1075 : i32 to vector<16xi32>
      %and3A_1077 = arith.andi %add3A_1074, %and3A_1076 : vector<16xi32>
      %gather3A_1078 = tpu.vector_load_idx %arg14[%add3A_204, %and3A_1077] : memref<512x64xf32, #tpu.memory_space<vmem>>[vector<16xi32>, vector<16xi32>], vector<16xf32>,
      %gather3A_1079 = tpu.vector_load_idx %arg15[%add3A_204, %and3A_1077] : memref<512x64xf32, #tpu.memory_space<vmem>>[vector<16xi32>, vector<16xi32>], vector<16xf32>,
      %gather3A_1080 = tpu.vector_load_idx %arg16[%add3A_204, %and3A_1077] : memref<512x64xf32, #tpu.memory_space<vmem>>[vector<16xi32>, vector<16xi32>], vector<16xf32>,
      %gather3A_1081 = tpu.vector_load_idx %arg18[%get3A_3, %and3A_1077] : memref<1x64xf32, #tpu.memory_space<vmem>>[vector<16xi32>, vector<16xi32>], vector<16xf32>,
      %add3A_1082 = arith.addf %gather3A_1078, %gather3A_1081 : vector<16xf32>
      %sub3A_1083 = arith.subf %add3A_1082, %gather3A_1079 : vector<16xf32>
      %sub3A_1084 = arith.subf %add3A_1082, %gather3A_1080 : vector<16xf32>
      %mul3A_1085 = arith.mulf %sub3A_1083, %sub3A_1083 : vector<16xf32>
      %add3A_1086 = arith.addf %add3A_1069, %mul3A_1085 : vector<16xf32>
      %mul3A_1087 = arith.mulf %sub3A_1084, %sub3A_1084 : vector<16xf32>
      %add3A_1088 = arith.addf %add3A_1071, %mul3A_1087 : vector<16xf32>
      %add3A_1089 = arith.constant 52 : i32
      %add3A_1090 = vector.broadcast %add3A_1089 : i32 to vector<16xi32>
      %add3A_1091 = arith.addi %add3A_194, %add3A_1090 : vector<16xi32>
      %and3A_1092 = arith.constant 63 : i32
      %and3A_1093 = vector.broadcast %and3A_1092 : i32 to vector<16xi32>
      %and3A_1094 = arith.andi %add3A_1091, %and3A_1093 : vector<16xi32>
      %gather3A_1095 = tpu.vector_load_idx %arg14[%add3A_204, %and3A_1094] : memref<512x64xf32, #tpu.memory_space<vmem>>[vector<16xi32>, vector<16xi32>], vector<16xf32>,
      %gather3A_1096 = tpu.vector_load_idx %arg15[%add3A_204, %and3A_1094] : memref<512x64xf32, #tpu.memory_space<vmem>>[vector<16xi32>, vector<16xi32>], vector<16xf32>,
      %gather3A_1097 = tpu.vector_load_idx %arg16[%add3A_204, %and3A_1094] : memref<512x64xf32, #tpu.memory_space<vmem>>[vector<16xi32>, vector<16xi32>], vector<16xf32>,
      %gather3A_1098 = tpu.vector_load_idx %arg18[%get3A_3, %and3A_1094] : memref<1x64xf32, #tpu.memory_space<vmem>>[vector<16xi32>, vector<16xi32>], vector<16xf32>,
      %add3A_1099 = arith.addf %gather3A_1095, %gather3A_1098 : vector<16xf32>
      %sub3A_1100 = arith.subf %add3A_1099, %gather3A_1096 : vector<16xf32>
      %sub3A_1101 = arith.subf %add3A_1099, %gather3A_1097 : vector<16xf32>
      %mul3A_1102 = arith.mulf %sub3A_1100, %sub3A_1100 : vector<16xf32>
      %add3A_1103 = arith.addf %add3A_1086, %mul3A_1102 : vector<16xf32>
      %mul3A_1104 = arith.mulf %sub3A_1101, %sub3A_1101 : vector<16xf32>
      %add3A_1105 = arith.addf %add3A_1088, %mul3A_1104 : vector<16xf32>
      %add3A_1106 = arith.constant 53 : i32
      %add3A_1107 = vector.broadcast %add3A_1106 : i32 to vector<16xi32>
      %add3A_1108 = arith.addi %add3A_194, %add3A_1107 : vector<16xi32>
      %and3A_1109 = arith.constant 63 : i32
      %and3A_1110 = vector.broadcast %and3A_1109 : i32 to vector<16xi32>
      %and3A_1111 = arith.andi %add3A_1108, %and3A_1110 : vector<16xi32>
      %gather3A_1112 = tpu.vector_load_idx %arg14[%add3A_204, %and3A_1111] : memref<512x64xf32, #tpu.memory_space<vmem>>[vector<16xi32>, vector<16xi32>], vector<16xf32>,
      %gather3A_1113 = tpu.vector_load_idx %arg15[%add3A_204, %and3A_1111] : memref<512x64xf32, #tpu.memory_space<vmem>>[vector<16xi32>, vector<16xi32>], vector<16xf32>,
      %gather3A_1114 = tpu.vector_load_idx %arg16[%add3A_204, %and3A_1111] : memref<512x64xf32, #tpu.memory_space<vmem>>[vector<16xi32>, vector<16xi32>], vector<16xf32>,
      %gather3A_1115 = tpu.vector_load_idx %arg18[%get3A_3, %and3A_1111] : memref<1x64xf32, #tpu.memory_space<vmem>>[vector<16xi32>, vector<16xi32>], vector<16xf32>,
      %add3A_1116 = arith.addf %gather3A_1112, %gather3A_1115 : vector<16xf32>
      %sub3A_1117 = arith.subf %add3A_1116, %gather3A_1113 : vector<16xf32>
      %sub3A_1118 = arith.subf %add3A_1116, %gather3A_1114 : vector<16xf32>
      %mul3A_1119 = arith.mulf %sub3A_1117, %sub3A_1117 : vector<16xf32>
      %add3A_1120 = arith.addf %add3A_1103, %mul3A_1119 : vector<16xf32>
      %mul3A_1121 = arith.mulf %sub3A_1118, %sub3A_1118 : vector<16xf32>
      %add3A_1122 = arith.addf %add3A_1105, %mul3A_1121 : vector<16xf32>
      %add3A_1123 = arith.constant 54 : i32
      %add3A_1124 = vector.broadcast %add3A_1123 : i32 to vector<16xi32>
      %add3A_1125 = arith.addi %add3A_194, %add3A_1124 : vector<16xi32>
      %and3A_1126 = arith.constant 63 : i32
      %and3A_1127 = vector.broadcast %and3A_1126 : i32 to vector<16xi32>
      %and3A_1128 = arith.andi %add3A_1125, %and3A_1127 : vector<16xi32>
      %gather3A_1129 = tpu.vector_load_idx %arg14[%add3A_204, %and3A_1128] : memref<512x64xf32, #tpu.memory_space<vmem>>[vector<16xi32>, vector<16xi32>], vector<16xf32>,
      %gather3A_1130 = tpu.vector_load_idx %arg15[%add3A_204, %and3A_1128] : memref<512x64xf32, #tpu.memory_space<vmem>>[vector<16xi32>, vector<16xi32>], vector<16xf32>,
      %gather3A_1131 = tpu.vector_load_idx %arg16[%add3A_204, %and3A_1128] : memref<512x64xf32, #tpu.memory_space<vmem>>[vector<16xi32>, vector<16xi32>], vector<16xf32>,
      %gather3A_1132 = tpu.vector_load_idx %arg18[%get3A_3, %and3A_1128] : memref<1x64xf32, #tpu.memory_space<vmem>>[vector<16xi32>, vector<16xi32>], vector<16xf32>,
      %add3A_1133 = arith.addf %gather3A_1129, %gather3A_1132 : vector<16xf32>
      %sub3A_1134 = arith.subf %add3A_1133, %gather3A_1130 : vector<16xf32>
      %sub3A_1135 = arith.subf %add3A_1133, %gather3A_1131 : vector<16xf32>
      %mul3A_1136 = arith.mulf %sub3A_1134, %sub3A_1134 : vector<16xf32>
      %add3A_1137 = arith.addf %add3A_1120, %mul3A_1136 : vector<16xf32>
      %mul3A_1138 = arith.mulf %sub3A_1135, %sub3A_1135 : vector<16xf32>
      %add3A_1139 = arith.addf %add3A_1122, %mul3A_1138 : vector<16xf32>
      %add3A_1140 = arith.constant 55 : i32
      %add3A_1141 = vector.broadcast %add3A_1140 : i32 to vector<16xi32>
      %add3A_1142 = arith.addi %add3A_194, %add3A_1141 : vector<16xi32>
      %and3A_1143 = arith.constant 63 : i32
      %and3A_1144 = vector.broadcast %and3A_1143 : i32 to vector<16xi32>
      %and3A_1145 = arith.andi %add3A_1142, %and3A_1144 : vector<16xi32>
      %gather3A_1146 = tpu.vector_load_idx %arg14[%add3A_204, %and3A_1145] : memref<512x64xf32, #tpu.memory_space<vmem>>[vector<16xi32>, vector<16xi32>], vector<16xf32>,
      %gather3A_1147 = tpu.vector_load_idx %arg15[%add3A_204, %and3A_1145] : memref<512x64xf32, #tpu.memory_space<vmem>>[vector<16xi32>, vector<16xi32>], vector<16xf32>,
      %gather3A_1148 = tpu.vector_load_idx %arg16[%add3A_204, %and3A_1145] : memref<512x64xf32, #tpu.memory_space<vmem>>[vector<16xi32>, vector<16xi32>], vector<16xf32>,
      %gather3A_1149 = tpu.vector_load_idx %arg18[%get3A_3, %and3A_1145] : memref<1x64xf32, #tpu.memory_space<vmem>>[vector<16xi32>, vector<16xi32>], vector<16xf32>,
      %add3A_1150 = arith.addf %gather3A_1146, %gather3A_1149 : vector<16xf32>
      %sub3A_1151 = arith.subf %add3A_1150, %gather3A_1147 : vector<16xf32>
      %sub3A_1152 = arith.subf %add3A_1150, %gather3A_1148 : vector<16xf32>
      %mul3A_1153 = arith.mulf %sub3A_1151, %sub3A_1151 : vector<16xf32>
      %add3A_1154 = arith.addf %add3A_1137, %mul3A_1153 : vector<16xf32>
      %mul3A_1155 = arith.mulf %sub3A_1152, %sub3A_1152 : vector<16xf32>
      %add3A_1156 = arith.addf %add3A_1139, %mul3A_1155 : vector<16xf32>
      %add3A_1157 = arith.constant 56 : i32
      %add3A_1158 = vector.broadcast %add3A_1157 : i32 to vector<16xi32>
      %add3A_1159 = arith.addi %add3A_194, %add3A_1158 : vector<16xi32>
      %and3A_1160 = arith.constant 63 : i32
      %and3A_1161 = vector.broadcast %and3A_1160 : i32 to vector<16xi32>
      %and3A_1162 = arith.andi %add3A_1159, %and3A_1161 : vector<16xi32>
      %gather3A_1163 = tpu.vector_load_idx %arg14[%add3A_204, %and3A_1162] : memref<512x64xf32, #tpu.memory_space<vmem>>[vector<16xi32>, vector<16xi32>], vector<16xf32>,
      %gather3A_1164 = tpu.vector_load_idx %arg15[%add3A_204, %and3A_1162] : memref<512x64xf32, #tpu.memory_space<vmem>>[vector<16xi32>, vector<16xi32>], vector<16xf32>,
      %gather3A_1165 = tpu.vector_load_idx %arg16[%add3A_204, %and3A_1162] : memref<512x64xf32, #tpu.memory_space<vmem>>[vector<16xi32>, vector<16xi32>], vector<16xf32>,
      %gather3A_1166 = tpu.vector_load_idx %arg18[%get3A_3, %and3A_1162] : memref<1x64xf32, #tpu.memory_space<vmem>>[vector<16xi32>, vector<16xi32>], vector<16xf32>,
      %add3A_1167 = arith.addf %gather3A_1163, %gather3A_1166 : vector<16xf32>
      %sub3A_1168 = arith.subf %add3A_1167, %gather3A_1164 : vector<16xf32>
      %sub3A_1169 = arith.subf %add3A_1167, %gather3A_1165 : vector<16xf32>
      %mul3A_1170 = arith.mulf %sub3A_1168, %sub3A_1168 : vector<16xf32>
      %add3A_1171 = arith.addf %add3A_1154, %mul3A_1170 : vector<16xf32>
      %mul3A_1172 = arith.mulf %sub3A_1169, %sub3A_1169 : vector<16xf32>
      %add3A_1173 = arith.addf %add3A_1156, %mul3A_1172 : vector<16xf32>
      %add3A_1174 = arith.constant 57 : i32
      %add3A_1175 = vector.broadcast %add3A_1174 : i32 to vector<16xi32>
      %add3A_1176 = arith.addi %add3A_194, %add3A_1175 : vector<16xi32>
      %and3A_1177 = arith.constant 63 : i32
      %and3A_1178 = vector.broadcast %and3A_1177 : i32 to vector<16xi32>
      %and3A_1179 = arith.andi %add3A_1176, %and3A_1178 : vector<16xi32>
      %gather3A_1180 = tpu.vector_load_idx %arg14[%add3A_204, %and3A_1179] : memref<512x64xf32, #tpu.memory_space<vmem>>[vector<16xi32>, vector<16xi32>], vector<16xf32>,
      %gather3A_1181 = tpu.vector_load_idx %arg15[%add3A_204, %and3A_1179] : memref<512x64xf32, #tpu.memory_space<vmem>>[vector<16xi32>, vector<16xi32>], vector<16xf32>,
      %gather3A_1182 = tpu.vector_load_idx %arg16[%add3A_204, %and3A_1179] : memref<512x64xf32, #tpu.memory_space<vmem>>[vector<16xi32>, vector<16xi32>], vector<16xf32>,
      %gather3A_1183 = tpu.vector_load_idx %arg18[%get3A_3, %and3A_1179] : memref<1x64xf32, #tpu.memory_space<vmem>>[vector<16xi32>, vector<16xi32>], vector<16xf32>,
      %add3A_1184 = arith.addf %gather3A_1180, %gather3A_1183 : vector<16xf32>
      %sub3A_1185 = arith.subf %add3A_1184, %gather3A_1181 : vector<16xf32>
      %sub3A_1186 = arith.subf %add3A_1184, %gather3A_1182 : vector<16xf32>
      %mul3A_1187 = arith.mulf %sub3A_1185, %sub3A_1185 : vector<16xf32>
      %add3A_1188 = arith.addf %add3A_1171, %mul3A_1187 : vector<16xf32>
      %mul3A_1189 = arith.mulf %sub3A_1186, %sub3A_1186 : vector<16xf32>
      %add3A_1190 = arith.addf %add3A_1173, %mul3A_1189 : vector<16xf32>
      %add3A_1191 = arith.constant 58 : i32
      %add3A_1192 = vector.broadcast %add3A_1191 : i32 to vector<16xi32>
      %add3A_1193 = arith.addi %add3A_194, %add3A_1192 : vector<16xi32>
      %and3A_1194 = arith.constant 63 : i32
      %and3A_1195 = vector.broadcast %and3A_1194 : i32 to vector<16xi32>
      %and3A_1196 = arith.andi %add3A_1193, %and3A_1195 : vector<16xi32>
      %gather3A_1197 = tpu.vector_load_idx %arg14[%add3A_204, %and3A_1196] : memref<512x64xf32, #tpu.memory_space<vmem>>[vector<16xi32>, vector<16xi32>], vector<16xf32>,
      %gather3A_1198 = tpu.vector_load_idx %arg15[%add3A_204, %and3A_1196] : memref<512x64xf32, #tpu.memory_space<vmem>>[vector<16xi32>, vector<16xi32>], vector<16xf32>,
      %gather3A_1199 = tpu.vector_load_idx %arg16[%add3A_204, %and3A_1196] : memref<512x64xf32, #tpu.memory_space<vmem>>[vector<16xi32>, vector<16xi32>], vector<16xf32>,
      %gather3A_1200 = tpu.vector_load_idx %arg18[%get3A_3, %and3A_1196] : memref<1x64xf32, #tpu.memory_space<vmem>>[vector<16xi32>, vector<16xi32>], vector<16xf32>,
      %add3A_1201 = arith.addf %gather3A_1197, %gather3A_1200 : vector<16xf32>
      %sub3A_1202 = arith.subf %add3A_1201, %gather3A_1198 : vector<16xf32>
      %sub3A_1203 = arith.subf %add3A_1201, %gather3A_1199 : vector<16xf32>
      %mul3A_1204 = arith.mulf %sub3A_1202, %sub3A_1202 : vector<16xf32>
      %add3A_1205 = arith.addf %add3A_1188, %mul3A_1204 : vector<16xf32>
      %mul3A_1206 = arith.mulf %sub3A_1203, %sub3A_1203 : vector<16xf32>
      %add3A_1207 = arith.addf %add3A_1190, %mul3A_1206 : vector<16xf32>
      %add3A_1208 = arith.constant 59 : i32
      %add3A_1209 = vector.broadcast %add3A_1208 : i32 to vector<16xi32>
      %add3A_1210 = arith.addi %add3A_194, %add3A_1209 : vector<16xi32>
      %and3A_1211 = arith.constant 63 : i32
      %and3A_1212 = vector.broadcast %and3A_1211 : i32 to vector<16xi32>
      %and3A_1213 = arith.andi %add3A_1210, %and3A_1212 : vector<16xi32>
      %gather3A_1214 = tpu.vector_load_idx %arg14[%add3A_204, %and3A_1213] : memref<512x64xf32, #tpu.memory_space<vmem>>[vector<16xi32>, vector<16xi32>], vector<16xf32>,
      %gather3A_1215 = tpu.vector_load_idx %arg15[%add3A_204, %and3A_1213] : memref<512x64xf32, #tpu.memory_space<vmem>>[vector<16xi32>, vector<16xi32>], vector<16xf32>,
      %gather3A_1216 = tpu.vector_load_idx %arg16[%add3A_204, %and3A_1213] : memref<512x64xf32, #tpu.memory_space<vmem>>[vector<16xi32>, vector<16xi32>], vector<16xf32>,
      %gather3A_1217 = tpu.vector_load_idx %arg18[%get3A_3, %and3A_1213] : memref<1x64xf32, #tpu.memory_space<vmem>>[vector<16xi32>, vector<16xi32>], vector<16xf32>,
      %add3A_1218 = arith.addf %gather3A_1214, %gather3A_1217 : vector<16xf32>
      %sub3A_1219 = arith.subf %add3A_1218, %gather3A_1215 : vector<16xf32>
      %sub3A_1220 = arith.subf %add3A_1218, %gather3A_1216 : vector<16xf32>
      %mul3A_1221 = arith.mulf %sub3A_1219, %sub3A_1219 : vector<16xf32>
      %add3A_1222 = arith.addf %add3A_1205, %mul3A_1221 : vector<16xf32>
      %mul3A_1223 = arith.mulf %sub3A_1220, %sub3A_1220 : vector<16xf32>
      %add3A_1224 = arith.addf %add3A_1207, %mul3A_1223 : vector<16xf32>
      %add3A_1225 = arith.constant 60 : i32
      %add3A_1226 = vector.broadcast %add3A_1225 : i32 to vector<16xi32>
      %add3A_1227 = arith.addi %add3A_194, %add3A_1226 : vector<16xi32>
      %and3A_1228 = arith.constant 63 : i32
      %and3A_1229 = vector.broadcast %and3A_1228 : i32 to vector<16xi32>
      %and3A_1230 = arith.andi %add3A_1227, %and3A_1229 : vector<16xi32>
      %gather3A_1231 = tpu.vector_load_idx %arg14[%add3A_204, %and3A_1230] : memref<512x64xf32, #tpu.memory_space<vmem>>[vector<16xi32>, vector<16xi32>], vector<16xf32>,
      %gather3A_1232 = tpu.vector_load_idx %arg15[%add3A_204, %and3A_1230] : memref<512x64xf32, #tpu.memory_space<vmem>>[vector<16xi32>, vector<16xi32>], vector<16xf32>,
      %gather3A_1233 = tpu.vector_load_idx %arg16[%add3A_204, %and3A_1230] : memref<512x64xf32, #tpu.memory_space<vmem>>[vector<16xi32>, vector<16xi32>], vector<16xf32>,
      %gather3A_1234 = tpu.vector_load_idx %arg18[%get3A_3, %and3A_1230] : memref<1x64xf32, #tpu.memory_space<vmem>>[vector<16xi32>, vector<16xi32>], vector<16xf32>,
      %add3A_1235 = arith.addf %gather3A_1231, %gather3A_1234 : vector<16xf32>
      %sub3A_1236 = arith.subf %add3A_1235, %gather3A_1232 : vector<16xf32>
      %sub3A_1237 = arith.subf %add3A_1235, %gather3A_1233 : vector<16xf32>
      %mul3A_1238 = arith.mulf %sub3A_1236, %sub3A_1236 : vector<16xf32>
      %add3A_1239 = arith.addf %add3A_1222, %mul3A_1238 : vector<16xf32>
      %mul3A_1240 = arith.mulf %sub3A_1237, %sub3A_1237 : vector<16xf32>
      %add3A_1241 = arith.addf %add3A_1224, %mul3A_1240 : vector<16xf32>
      %add3A_1242 = arith.constant 61 : i32
      %add3A_1243 = vector.broadcast %add3A_1242 : i32 to vector<16xi32>
      %add3A_1244 = arith.addi %add3A_194, %add3A_1243 : vector<16xi32>
      %and3A_1245 = arith.constant 63 : i32
      %and3A_1246 = vector.broadcast %and3A_1245 : i32 to vector<16xi32>
      %and3A_1247 = arith.andi %add3A_1244, %and3A_1246 : vector<16xi32>
      %gather3A_1248 = tpu.vector_load_idx %arg14[%add3A_204, %and3A_1247] : memref<512x64xf32, #tpu.memory_space<vmem>>[vector<16xi32>, vector<16xi32>], vector<16xf32>,
      %gather3A_1249 = tpu.vector_load_idx %arg15[%add3A_204, %and3A_1247] : memref<512x64xf32, #tpu.memory_space<vmem>>[vector<16xi32>, vector<16xi32>], vector<16xf32>,
      %gather3A_1250 = tpu.vector_load_idx %arg16[%add3A_204, %and3A_1247] : memref<512x64xf32, #tpu.memory_space<vmem>>[vector<16xi32>, vector<16xi32>], vector<16xf32>,
      %gather3A_1251 = tpu.vector_load_idx %arg18[%get3A_3, %and3A_1247] : memref<1x64xf32, #tpu.memory_space<vmem>>[vector<16xi32>, vector<16xi32>], vector<16xf32>,
      %add3A_1252 = arith.addf %gather3A_1248, %gather3A_1251 : vector<16xf32>
      %sub3A_1253 = arith.subf %add3A_1252, %gather3A_1249 : vector<16xf32>
      %sub3A_1254 = arith.subf %add3A_1252, %gather3A_1250 : vector<16xf32>
      %mul3A_1255 = arith.mulf %sub3A_1253, %sub3A_1253 : vector<16xf32>
      %add3A_1256 = arith.addf %add3A_1239, %mul3A_1255 : vector<16xf32>
      %mul3A_1257 = arith.mulf %sub3A_1254, %sub3A_1254 : vector<16xf32>
      %add3A_1258 = arith.addf %add3A_1241, %mul3A_1257 : vector<16xf32>
      %add3A_1259 = arith.constant 62 : i32
      %add3A_1260 = vector.broadcast %add3A_1259 : i32 to vector<16xi32>
      %add3A_1261 = arith.addi %add3A_194, %add3A_1260 : vector<16xi32>
      %and3A_1262 = arith.constant 63 : i32
      %and3A_1263 = vector.broadcast %and3A_1262 : i32 to vector<16xi32>
      %and3A_1264 = arith.andi %add3A_1261, %and3A_1263 : vector<16xi32>
      %gather3A_1265 = tpu.vector_load_idx %arg14[%add3A_204, %and3A_1264] : memref<512x64xf32, #tpu.memory_space<vmem>>[vector<16xi32>, vector<16xi32>], vector<16xf32>,
      %gather3A_1266 = tpu.vector_load_idx %arg15[%add3A_204, %and3A_1264] : memref<512x64xf32, #tpu.memory_space<vmem>>[vector<16xi32>, vector<16xi32>], vector<16xf32>,
      %gather3A_1267 = tpu.vector_load_idx %arg16[%add3A_204, %and3A_1264] : memref<512x64xf32, #tpu.memory_space<vmem>>[vector<16xi32>, vector<16xi32>], vector<16xf32>,
      %gather3A_1268 = tpu.vector_load_idx %arg18[%get3A_3, %and3A_1264] : memref<1x64xf32, #tpu.memory_space<vmem>>[vector<16xi32>, vector<16xi32>], vector<16xf32>,
      %add3A_1269 = arith.addf %gather3A_1265, %gather3A_1268 : vector<16xf32>
      %sub3A_1270 = arith.subf %add3A_1269, %gather3A_1266 : vector<16xf32>
      %sub3A_1271 = arith.subf %add3A_1269, %gather3A_1267 : vector<16xf32>
      %mul3A_1272 = arith.mulf %sub3A_1270, %sub3A_1270 : vector<16xf32>
      %add3A_1273 = arith.addf %add3A_1256, %mul3A_1272 : vector<16xf32>
      %mul3A_1274 = arith.mulf %sub3A_1271, %sub3A_1271 : vector<16xf32>
      %add3A_1275 = arith.addf %add3A_1258, %mul3A_1274 : vector<16xf32>
      %add3A_1276 = arith.constant 63 : i32
      %add3A_1277 = vector.broadcast %add3A_1276 : i32 to vector<16xi32>
      %add3A_1278 = arith.addi %add3A_194, %add3A_1277 : vector<16xi32>
      %and3A_1279 = arith.constant 63 : i32
      %and3A_1280 = vector.broadcast %and3A_1279 : i32 to vector<16xi32>
      %and3A_1281 = arith.andi %add3A_1278, %and3A_1280 : vector<16xi32>
      %gather3A_1282 = tpu.vector_load_idx %arg14[%add3A_204, %and3A_1281] : memref<512x64xf32, #tpu.memory_space<vmem>>[vector<16xi32>, vector<16xi32>], vector<16xf32>,
      %gather3A_1283 = tpu.vector_load_idx %arg15[%add3A_204, %and3A_1281] : memref<512x64xf32, #tpu.memory_space<vmem>>[vector<16xi32>, vector<16xi32>], vector<16xf32>,
      %gather3A_1284 = tpu.vector_load_idx %arg16[%add3A_204, %and3A_1281] : memref<512x64xf32, #tpu.memory_space<vmem>>[vector<16xi32>, vector<16xi32>], vector<16xf32>,
      %gather3A_1285 = tpu.vector_load_idx %arg18[%get3A_3, %and3A_1281] : memref<1x64xf32, #tpu.memory_space<vmem>>[vector<16xi32>, vector<16xi32>], vector<16xf32>,
      %add3A_1286 = arith.addf %gather3A_1282, %gather3A_1285 : vector<16xf32>
      %sub3A_1287 = arith.subf %add3A_1286, %gather3A_1283 : vector<16xf32>
      %sub3A_1288 = arith.subf %add3A_1286, %gather3A_1284 : vector<16xf32>
      %mul3A_1289 = arith.mulf %sub3A_1287, %sub3A_1287 : vector<16xf32>
      %add3A_1290 = arith.addf %add3A_1273, %mul3A_1289 : vector<16xf32>
      %mul3A_1291 = arith.mulf %sub3A_1288, %sub3A_1288 : vector<16xf32>
      %add3A_1292 = arith.addf %add3A_1275, %mul3A_1291 : vector<16xf32>
      %bitcast3A = vector.bitcast %add3A_1290 : vector<16xf32> to vector<16xi32>
      %shift_right_arithmetic3A = arith.constant 1 : i32
      %shift_right_arithmetic3A_1293 = vector.broadcast %shift_right_arithmetic3A : i32 to vector<16xi32>
      %shift_right_arithmetic3A_1294 = arith.shrsi %bitcast3A, %shift_right_arithmetic3A_1293 : vector<16xi32>
      %sub3A_1295 = arith.constant 1597463007 : i32
      %sub3A_1296 = vector.broadcast %sub3A_1295 : i32 to vector<16xi32>
      %sub3A_1297 = arith.subi %sub3A_1296, %shift_right_arithmetic3A_1294 : vector<16xi32>
      %bitcast3A_1298 = vector.bitcast %sub3A_1297 : vector<16xi32> to vector<16xf32>
      %mul3A_1299 = arith.constant 5.000000e-01 : f32
      %mul3A_1300 = vector.broadcast %mul3A_1299 : f32 to vector<16xf32>
      %mul3A_1301 = arith.mulf %mul3A_1300, %add3A_1290 : vector<16xf32>
      %mul3A_1302 = arith.mulf %mul3A_1301, %bitcast3A_1298 : vector<16xf32>
      %mul3A_1303 = arith.mulf %mul3A_1302, %bitcast3A_1298 : vector<16xf32>
      %sub3A_1304 = arith.constant 1.500000e+00 : f32
      %sub3A_1305 = vector.broadcast %sub3A_1304 : f32 to vector<16xf32>
      %sub3A_1306 = arith.subf %sub3A_1305, %mul3A_1303 : vector<16xf32>
      %mul3A_1307 = arith.mulf %bitcast3A_1298, %sub3A_1306 : vector<16xf32>
      %mul3A_1308 = arith.constant 5.000000e-01 : f32
      %mul3A_1309 = vector.broadcast %mul3A_1308 : f32 to vector<16xf32>
      %mul3A_1310 = arith.mulf %mul3A_1309, %add3A_1290 : vector<16xf32>
      %mul3A_1311 = arith.mulf %mul3A_1310, %mul3A_1307 : vector<16xf32>
      %mul3A_1312 = arith.mulf %mul3A_1311, %mul3A_1307 : vector<16xf32>
      %sub3A_1313 = arith.constant 1.500000e+00 : f32
      %sub3A_1314 = vector.broadcast %sub3A_1313 : f32 to vector<16xf32>
      %sub3A_1315 = arith.subf %sub3A_1314, %mul3A_1312 : vector<16xf32>
      %mul3A_1316 = arith.mulf %mul3A_1307, %sub3A_1315 : vector<16xf32>
      %mul3A_1317 = arith.constant 5.000000e-01 : f32
      %mul3A_1318 = vector.broadcast %mul3A_1317 : f32 to vector<16xf32>
      %mul3A_1319 = arith.mulf %mul3A_1318, %add3A_1290 : vector<16xf32>
      %mul3A_1320 = arith.mulf %mul3A_1319, %mul3A_1316 : vector<16xf32>
      %mul3A_1321 = arith.mulf %mul3A_1320, %mul3A_1316 : vector<16xf32>
      %sub3A_1322 = arith.constant 1.500000e+00 : f32
      %sub3A_1323 = vector.broadcast %sub3A_1322 : f32 to vector<16xf32>
      %sub3A_1324 = arith.subf %sub3A_1323, %mul3A_1321 : vector<16xf32>
      %mul3A_1325 = arith.mulf %mul3A_1316, %sub3A_1324 : vector<16xf32>
      %mul3A_1326 = arith.mulf %add3A_1290, %mul3A_1325 : vector<16xf32>
      %neg3A = arith.constant 0.000000e+00 : f32
      %neg3A_1327 = vector.broadcast %neg3A : f32 to vector<16xf32>
      %neg3A_1328 = arith.subf %neg3A_1327, %mul3A_1326 : vector<16xf32>
      %mul3A_1329 = arith.constant 16 : i32
      %mul3A_1330 = arith.muli %scan3A_200, %mul3A_1329 : i32
      %swap3A = arith.index_cast %mul3A_1330 : i32 to index
      %swap3A_1331 = tpu.vector_load %arg19[%swap3A] {strides = array<i32>} : memref<512xf32, #tpu.memory_space<vmem>>, vector<16xf32>,
      tpu.vector_store %arg19[%swap3A], %neg3A_1328 {strides = array<i32>} : memref<512xf32, #tpu.memory_space<vmem>>, vector<16xf32>,
      %bitcast3A_1332 = vector.bitcast %add3A_1292 : vector<16xf32> to vector<16xi32>
      %shift_right_arithmetic3A_1333 = arith.constant 1 : i32
      %shift_right_arithmetic3A_1334 = vector.broadcast %shift_right_arithmetic3A_1333 : i32 to vector<16xi32>
      %shift_right_arithmetic3A_1335 = arith.shrsi %bitcast3A_1332, %shift_right_arithmetic3A_1334 : vector<16xi32>
      %sub3A_1336 = arith.constant 1597463007 : i32
      %sub3A_1337 = vector.broadcast %sub3A_1336 : i32 to vector<16xi32>
      %sub3A_1338 = arith.subi %sub3A_1337, %shift_right_arithmetic3A_1335 : vector<16xi32>
      %bitcast3A_1339 = vector.bitcast %sub3A_1338 : vector<16xi32> to vector<16xf32>
      %mul3A_1340 = arith.constant 5.000000e-01 : f32
      %mul3A_1341 = vector.broadcast %mul3A_1340 : f32 to vector<16xf32>
      %mul3A_1342 = arith.mulf %mul3A_1341, %add3A_1292 : vector<16xf32>
      %mul3A_1343 = arith.mulf %mul3A_1342, %bitcast3A_1339 : vector<16xf32>
      %mul3A_1344 = arith.mulf %mul3A_1343, %bitcast3A_1339 : vector<16xf32>
      %sub3A_1345 = arith.constant 1.500000e+00 : f32
      %sub3A_1346 = vector.broadcast %sub3A_1345 : f32 to vector<16xf32>
      %sub3A_1347 = arith.subf %sub3A_1346, %mul3A_1344 : vector<16xf32>
      %mul3A_1348 = arith.mulf %bitcast3A_1339, %sub3A_1347 : vector<16xf32>
      %mul3A_1349 = arith.constant 5.000000e-01 : f32
      %mul3A_1350 = vector.broadcast %mul3A_1349 : f32 to vector<16xf32>
      %mul3A_1351 = arith.mulf %mul3A_1350, %add3A_1292 : vector<16xf32>
      %mul3A_1352 = arith.mulf %mul3A_1351, %mul3A_1348 : vector<16xf32>
      %mul3A_1353 = arith.mulf %mul3A_1352, %mul3A_1348 : vector<16xf32>
      %sub3A_1354 = arith.constant 1.500000e+00 : f32
      %sub3A_1355 = vector.broadcast %sub3A_1354 : f32 to vector<16xf32>
      %sub3A_1356 = arith.subf %sub3A_1355, %mul3A_1353 : vector<16xf32>
      %mul3A_1357 = arith.mulf %mul3A_1348, %sub3A_1356 : vector<16xf32>
      %mul3A_1358 = arith.constant 5.000000e-01 : f32
      %mul3A_1359 = vector.broadcast %mul3A_1358 : f32 to vector<16xf32>
      %mul3A_1360 = arith.mulf %mul3A_1359, %add3A_1292 : vector<16xf32>
      %mul3A_1361 = arith.mulf %mul3A_1360, %mul3A_1357 : vector<16xf32>
      %mul3A_1362 = arith.mulf %mul3A_1361, %mul3A_1357 : vector<16xf32>
      %sub3A_1363 = arith.constant 1.500000e+00 : f32
      %sub3A_1364 = vector.broadcast %sub3A_1363 : f32 to vector<16xf32>
      %sub3A_1365 = arith.subf %sub3A_1364, %mul3A_1362 : vector<16xf32>
      %mul3A_1366 = arith.mulf %mul3A_1357, %sub3A_1365 : vector<16xf32>
      %mul3A_1367 = arith.mulf %add3A_1292, %mul3A_1366 : vector<16xf32>
      %neg3A_1368 = arith.constant 0.000000e+00 : f32
      %neg3A_1369 = vector.broadcast %neg3A_1368 : f32 to vector<16xf32>
      %neg3A_1370 = arith.subf %neg3A_1369, %mul3A_1367 : vector<16xf32>
      %mul3A_1371 = arith.constant 16 : i32
      %mul3A_1372 = arith.muli %scan3A_200, %mul3A_1371 : i32
      %swap3A_1373 = arith.index_cast %mul3A_1372 : i32 to index
      %swap3A_1374 = tpu.vector_load %arg20[%swap3A_1373] {strides = array<i32>} : memref<512xf32, #tpu.memory_space<vmem>>, vector<16xf32>,
      tpu.vector_store %arg20[%swap3A_1373], %neg3A_1370 {strides = array<i32>} : memref<512xf32, #tpu.memory_space<vmem>>, vector<16xf32>,
    }
    %scan3A_199 = arith.constant 32 : i32
    "tpu.region"() ({
      %run_scoped3A = tpu.sem_alloc : memref<!tpu.dma_semaphore, #tpu.memory_space<semaphore_mem>>
      %dma_start3A_200 = tpu.memref_slice %arg9[%mul3A_2] : memref<16384xf32, #tpu.memory_space<hbm>> -> memref<512xf32, #tpu.memory_space<hbm>>
      %dma_start3A_201 = tpu.memref_slice %arg9[%mul3A_2] : memref<16384xf32, #tpu.memory_space<hbm>> -> memref<512xf32, #tpu.memory_space<hbm>>
      tpu.enqueue_dma source(%arg19 : memref<512xf32, #tpu.memory_space<vmem>>) target(%dma_start3A_201 : memref<512xf32, #tpu.memory_space<hbm>>) target_semaphore(%run_scoped3A : memref<!tpu.dma_semaphore, #tpu.memory_space<semaphore_mem>>)
      %dma_wait3A_202 = tpu.memref_slice %arg9[%mul3A_2] : memref<16384xf32, #tpu.memory_space<hbm>> -> memref<512xf32, #tpu.memory_space<hbm>>
      %dma_wait3A_203 = tpu.memref_slice %arg9[%mul3A_2] : memref<16384xf32, #tpu.memory_space<hbm>> -> memref<512xf32, #tpu.memory_space<hbm>>
      tpu.wait_dma2 semaphore(%run_scoped3A : memref<!tpu.dma_semaphore, #tpu.memory_space<semaphore_mem>>) src(%arg19 : memref<512xf32, #tpu.memory_space<vmem>>) dst(%dma_wait3A_203 : memref<512xf32, #tpu.memory_space<hbm>>)
      tpu.yield
    }) : () -> ()
    "tpu.region"() ({
      %run_scoped3A = tpu.sem_alloc : memref<!tpu.dma_semaphore, #tpu.memory_space<semaphore_mem>>
      %dma_start3A_200 = tpu.memref_slice %arg10[%mul3A_2] : memref<16384xf32, #tpu.memory_space<hbm>> -> memref<512xf32, #tpu.memory_space<hbm>>
      %dma_start3A_201 = tpu.memref_slice %arg10[%mul3A_2] : memref<16384xf32, #tpu.memory_space<hbm>> -> memref<512xf32, #tpu.memory_space<hbm>>
      tpu.enqueue_dma source(%arg20 : memref<512xf32, #tpu.memory_space<vmem>>) target(%dma_start3A_201 : memref<512xf32, #tpu.memory_space<hbm>>) target_semaphore(%run_scoped3A : memref<!tpu.dma_semaphore, #tpu.memory_space<semaphore_mem>>)
      %dma_wait3A_202 = tpu.memref_slice %arg10[%mul3A_2] : memref<16384xf32, #tpu.memory_space<hbm>> -> memref<512xf32, #tpu.memory_space<hbm>>
      %dma_wait3A_203 = tpu.memref_slice %arg10[%mul3A_2] : memref<16384xf32, #tpu.memory_space<hbm>> -> memref<512xf32, #tpu.memory_space<hbm>>
      tpu.wait_dma2 semaphore(%run_scoped3A : memref<!tpu.dma_semaphore, #tpu.memory_space<semaphore_mem>>) src(%arg20 : memref<512xf32, #tpu.memory_space<vmem>>) dst(%dma_wait3A_203 : memref<512xf32, #tpu.memory_space<hbm>>)
      tpu.yield
    }) : () -> ()
    return
  }
}

</mosaic_0001>

<sc_bundles>
// kernel: wrapper.3.cloned.1.call-start
scs
__scs_entry_jumppad:
0x0: {  	(pc) =	sbr.rel $0x88, $3  }
0x1: {  	(tag) =	ssettag $0x0;
	lr =	simm.s32 $0x1  }
0x2: {  	[smem:$0x3F9A] =	sst lr;
	_ =	strace $0xD0000000  }
0x3: {  	_ = 	snop  }
0x4: {  	_ = 	snop  }
0x5: {  	_ = 	snop  }
0x6: {  	_ = 	snop  }
0x7: {  	_ = 	snop  }
__scs_overlays_trampoline_lowered:
0x8: {  	[smem:$0x3FA9] =	sst s0  }
0x9: {  	[smem:$0x3FAA] =	sst s1  }
0xa: {  	[smem:$0x3FAB] =	sst s2  }
0xb: {  	[smem:$0x3FAC] =	sst s3  }
0xc: {  	[smem:$0x3FAD] =	sst s4  }
0xd: {  	[smem:$0x3FAE] =	sst s5  }
0xe: {  	[smem:$0x3FAF] =	sst s6  }
0xf: {  	[smem:$0x3FB0] =	sst s7  }
0x10: {  	[smem:$0x3FB1] =	sst s8  }
0x11: {  	[smem:$0x3FB2] =	sst s9;
	s0 =	simm.s32 @!p0 $0x0  }
0x12: {  	s1 =	sld [smem:$0x3F98];
	s0 =	simm.s32 @p0 $0x1  }
0x13: {  	[smem:$0x3FB3] =	sst s0;
	s0 =	simm.s32 @!p1 $0x0  }
0x14: {  	s2 =	sld [smem:$0x3F97];
	s0 =	simm.s32 @p1 $0x1  }
0x15: {  	[smem:$0x3FB4] =	sst s0;
	s0 =	simm.s32 @!p2 $0x0  }
0x16: {  	s3 =	sld [smem:$0x3FDB];
	s0 =	simm.s32 @p2 $0x1  }
0x17: {  	s4 =	simm.s32 $0x1BF5;
	[smem:$0x3FB6] =	sst s0  }
0x18: {  	s0 =	sld [smem:$0x3F99];
	_ =	swait.ge [sflag:s4], $0x0  }
0x19: {  	s7 =	sld [smem:$0x3F9A]  }
0x1a: {  	s8 =	sadd.s32 $0xFFFFE003, lr  }
0x1b: {  	s9 =	sadd.s32 $0xFFFFFEF7, lr;
	s5 =	simm.s32 $0xFFFFFFFF;
	p2 =	slt.u32 s8, $0xFFFFF086  }
0x1c: {  	p1 =	slt.u32 s9, $0xF7A;
	s5 =	simm.s32 @!p2 $0x0  }
0x1d: {  	s5 =	simm.s32 @p1 $0x1;
	p0 =	seq.s32 s7, s2  }
0x1e: {  	s7 =	smul.u32 @!p0 $0xF7A, s2;
	p2 =	seq.s32 @!p0 s5, $0x0  }
0x1f: {  	s9 =	smul.u32 $0xF7A, s1;
	s8 =	simm.s32 @!p0 $0x1BF5;
	p2 =	por !p2, p0  }
0x20: {  	[sflag:s8] =	ssyncset.s32 @!p0 $0xFFFFF086;
	s6 =	sadd.s32 @!p0 s3, s7;
	s7 =	simm.s32 @!p0 $0x108  }
0x21: {  	s3 =	sadd.s32 s3, s9;
	s6 =	sadd.s32 @!p0 $0x88, s6;
	s7 =	simm.s32 @p2 $0x1082  }
0x22: {  	[simem:s7], [sflag:s8] =	dma.local @!p0 [hbm:s6], $0xF7A  }
0x23: {  	s9 =	sor.u32 $0xD0000000, s2;
	s6 =	simm.s32 $0x108;
	_ =	swait.ge @!p0 [sflag:s8], $0x0  }
0x24: {  	s3 =	sadd.s32 $0x88, s3;
	s6 =	simm.s32 @!p1 $0x1082;
	[sflag:s4] =	ssyncset.s32 $0xFFFFF086  }
0x25: {  	[simem:s6], [sflag:s4] =	dma.local [hbm:s3], $0xF7A  }
0x26: {  	[smem:$0x3F9A] =	sst s1;
	(tag) =	ssettag s2;
	_ =	strace s9  }
0x27: {  	s1 =	sld [smem:$0x3FAA]  }
0x28: {  	s2 =	sld [smem:$0x3FAB]  }
0x29: {  	s4 =	sld [smem:$0x3FAD]  }
0x2a: {  	p0 =	seq.s32 s5, $0x0;
	s5 =	sld [smem:$0x3FAE]  }
0x2b: {  	s6 =	sld [smem:$0x3FAF]  }
0x2c: {  	s7 =	sld [smem:$0x3FB0]  }
0x2d: {  	s3 =	simm.s32 $0x108;
	s8 =	sld [smem:$0x3FB1]  }
0x2e: {  	s3 =	simm.s32 @!p0 $0x1082;
	s9 =	sld [smem:$0x3FB2]  }
0x2f: {  	lr =	sadd.s32 s0, s3;
	s0 =	sld [smem:$0x3FA9]  }
0x30: {  	s3 =	sld [smem:$0x3FAC]  }
0x31: {  	[smem:$0x3FB5] =	sst s10  }
0x32: {  	s10 =	sld [smem:$0x3FB3];
	_ =	sdelay $0x3  }
0x33: {  	p0 =	seq.s32 s10, $0x1;
	s10 =	sld [smem:$0x3FB5];
	_ =	sdelay $0x3  }
0x34: {  	[smem:$0x3FB5] =	sst s10  }
0x35: {  	s10 =	sld [smem:$0x3FB4];
	_ =	sdelay $0x3  }
0x36: {  	p1 =	seq.s32 s10, $0x1;
	s10 =	sld [smem:$0x3FB5];
	_ =	sdelay $0x3  }
0x37: {  	[smem:$0x3FB5] =	sst s10  }
0x38: {  	s10 =	sld [smem:$0x3FB6]  }
0x39: {  	_ = 	snop;
	(pc) =	sbr.ind lr, $3  }
0x3a: {  	_ = 	snop  }
0x3b: {  	_ = 	snop  }
0x3c: {  	p2 =	seq.s32 s10, $0x1;
	s10 =	sld [smem:$0x3FB5]  }
0x3d: {  	_ =	shalt  }
0x3e: {  	_ =	shalt  }
0x3f: {  	_ =	shalt  }
0x40: {  	_ =	shalt  }
0x41: {  	_ =	shalt  }
0x42: {  	_ =	shalt  }
0x43: {  	_ =	shalt  }
0x44: {  	_ =	shalt  }
0x45: {  	_ =	shalt  }
0x46: {  	_ =	shalt  }
0x47: {  	_ =	shalt  }
0x48: {  	_ =	shalt  }
0x49: {  	_ =	shalt  }
0x4a: {  	_ =	shalt  }
0x4b: {  	_ =	shalt  }
0x4c: {  	_ =	shalt  }
0x4d: {  	_ =	shalt  }
0x4e: {  	_ =	shalt  }
0x4f: {  	_ =	shalt  }
0x50: {  	_ =	shalt  }
0x51: {  	_ =	shalt  }
0x52: {  	_ =	shalt  }
0x53: {  	_ =	shalt  }
0x54: {  	_ =	shalt  }
0x55: {  	_ =	shalt  }
0x56: {  	_ =	shalt  }
0x57: {  	_ =	shalt  }
0x58: {  	_ =	shalt  }
0x59: {  	_ =	shalt  }
0x5a: {  	_ =	shalt  }
0x5b: {  	_ =	shalt  }
0x5c: {  	_ =	shalt  }
0x5d: {  	_ =	shalt  }
0x5e: {  	_ =	shalt  }
0x5f: {  	_ =	shalt  }
0x60: {  	_ =	shalt  }
0x61: {  	_ =	shalt  }
0x62: {  	_ =	shalt  }
0x63: {  	_ =	shalt  }
0x64: {  	_ =	shalt  }
0x65: {  	_ =	shalt  }
0x66: {  	_ =	shalt  }
0x67: {  	_ =	shalt  }
0x68: {  	_ =	shalt  }
0x69: {  	_ =	shalt  }
0x6a: {  	_ =	shalt  }
0x6b: {  	_ =	shalt  }
0x6c: {  	_ =	shalt  }
0x6d: {  	_ =	shalt  }
0x6e: {  	_ =	shalt  }
0x6f: {  	_ =	shalt  }
0x70: {  	_ =	shalt  }
0x71: {  	_ =	shalt  }
0x72: {  	_ =	shalt  }
0x73: {  	_ =	shalt  }
0x74: {  	_ =	shalt  }
0x75: {  	_ =	shalt  }
0x76: {  	_ =	shalt  }
0x77: {  	_ =	shalt  }
0x78: {  	_ =	shalt  }
0x79: {  	_ =	shalt  }
0x7a: {  	_ =	shalt  }
0x7b: {  	_ =	shalt  }
0x7c: {  	_ =	shalt  }
0x7d: {  	_ =	shalt  }
0x7e: {  	_ =	shalt  }
0x7f: {  	_ =	shalt  }
0x80: {  	_ =	shalt  }
0x81: {  	_ =	shalt  }
0x82: {  	_ =	shalt  }
0x83: {  	_ =	shalt  }
0x84: {  	_ =	shalt  }
0x85: {  	_ =	shalt  }
0x86: {  	_ =	shalt  }
0x87: {  	_ =	shalt  }
.Lfunc_end0:
.L_simem_size_0:
called_computation_lowered:
.L_overlay_start_0:
0x88: {  	s2 =	sld [smem:$0x3FD9]  }
0x89: {  	s3 =	sld [smem:$0x3FFE];
	_ =	sdelay $0x1  }
0x8a: {  	s1 =	srdreg.scid  }
0x8b: {  	s0 =	sand.u32 $0x1, s1  }
0x8c: {  	s14 =	sshll.u32 s0, $0xA;
	s2 =	sadd.s32 s3, s2  }
0x8d: {  	s2 =	sadd.s32 s2, s14  }
0x8e: {  	[smem:$0x3FC1] =	sst s2  }
0x8f: {  	_ = 	snop  }
0x90: {  	s2 =	sld [smem:$0x3FC9]  }
0x91: {  	s15 =	sld [smem:$0x3FC8]  }
0x92: {  	s4 =	sld [smem:$0x3FD0]  }
0x93: {  	s5 =	sld [smem:$0x3FC7]  }
0x94: {  	s6 =	sld [smem:$0x3FC6]  }
0x95: {  	s8 =	simm.s32 $0xA;
	s9 =	simm.s32 $0x10;
	s7 =	sld [smem:$0x3FC3]  }
0x96: {  	[smem:s9], [sflag:s8] =	dma.local [hbm:s4], $0x1  }
0x97: {  	_ =	swait.eq [sflag:s8], $0x1  }
0x98: {  	[sflag:s8] =	ssyncset.done $0x0  }
0x99: {  	s16 =	sld [smem:$0x10];
	[sflag:s8] =	ssyncadd.s32 $0xFFFFFFFF  }
0x9a: {  	s17 =	sld [smem:$0x11];
	(tm) =	ssettm $0x1  }
0x9b: {  	s18 =	sld [smem:$0x3FFB];
	_ =	sdelay $0x3  }
0x9c: {  	_ =	strace s18  }
0x9d: {  	s9 =	sld [smem:$0x3FFC];
	_ =	sdelay $0x3  }
0x9e: {  	_ =	strace s9  }
0x9f: {  	s9 =	sld [smem:$0x3FFD];
	_ =	sdelay $0x3  }
0xa0: {  	_ =	strace s9  }
0xa1: {  	_ =	strace $0x8FFFFFFF  }
0xa2: {  	s19 =	sld [smem:$0x3FDB];
	_ =	sdelay $0x1  }
0xa3: {  	s10 =	simm.s32 $_scs_section_size  }
0xa4: {  	s11 =	simm.s32 $_size__tile_overlayer_lowered;
	s12 =	simm.s32 $_tile_overlayer_lowered  }
0xa5: {  	s22 =	simm.s32 $0x1BFF;
	s21 =	sshll.u32 s12, $0x1;
	s9 =	sadd.s32 s10, s19  }
0xa6: {  	s13 =	simm.s32 $0x0;
	s20 =	sshll.u32 s11, $0x1;
	s11 =	sadd.s32 s21, s9  }
0xa7: {  	[timem:s13], [sflag:s22] =	dma.local [hbm:s11], s20  }
0xa8: {  	_ =	swait.ge [sflag:s22], s20  }
0xa9: {  	s10 =	ssub.s32 $0x0, s20;
	[sflag:s22] =	ssyncset.done $0x0  }
0xaa: {  	[sflag:s22] =	ssyncadd.s32 s10;
	_ =	sdelay $0x1  }
0xab: {  	s23 =	simm.s32 $0x1B8B  }
0xac: {  	_ =	swait.ge [sflag:s23], $0x1  }
0xad: {  	[sflag:s23] =	ssyncset.done $0x0  }
0xae: {  	s25 =	simm.s32 $0x1B8E;
	s24 =	sld [smem:$0x3FFE];
	[sflag:s23] =	ssyncadd.s32 $0xFFFFFFFF  }
0xaf: {  	s26 =	simm.s32 $execute0_lowered;
	[smem:$0x3FD2] =	sst s25  }
0xb0: {  	s11 =	sshll.u32 s26, $0x1;
	_ =	strace $0x80000046;
	[dreg:$0x1] =	wrdreg $0xFFFFFFFF  }
0xb1: {  	s28 =	simm.s32 $_size_execute0_lowered;
	s9 =	sadd.s32 s9, s11;
	[dreg:$0x0] =	wrdreg $0x0  }
0xb2: {  	s11 =	sshll.u32 s28, $0x1;
	[dreg:$0x2] =	wrdreg s9  }
0xb3: {  	[dreg:$0x3] =	wrdreg s11  }
0xb4: {  	[dreg:$0x4] =	wrdreg $0xC0  }
0xb5: {  	_ =	task [dreg:s13], $0x5FFFF  }
0xb6: {  	[dreg:$0x1] =	wrdreg $0xFFFFFFFF  }
0xb7: {  	[dreg:$0x0] =	wrdreg $0x60  }
0xb8: {  	[dreg:$0x2] =	wrdreg s2  }
0xb9: {  	[dreg:$0x3] =	wrdreg s15  }
0xba: {  	[dreg:$0x4] =	wrdreg s5  }
0xbb: {  	[dreg:$0x5] =	wrdreg s6  }
0xbc: {  	[dreg:$0x6] =	wrdreg s24  }
0xbd: {  	[dreg:$0x7] =	wrdreg s7  }
0xbe: {  	[dreg:$0x8] =	wrdreg s16  }
0xbf: {  	[dreg:$0x9] =	wrdreg s17  }
0xc0: {  	[dreg:$0xa] =	wrdreg $0x9  }
0xc1: {  	_ =	task.clear_ibuf [dreg:s13], $0xBFFFF;
	_ =	strace $0x90000046  }
0xc2: {  	s29 =	simm.s32 $0x9;
	_ =	strace $0x80000048  }
0xc3: {  	_ =	swait.ge [sflag:s29], $0x1  }
0xc4: {  	[sflag:s29] =	ssyncadd.s32 $0xFFFFFFFF  }
0xc5: {  	_ =	strace $0x90000048  }
0xc6: {  	_ =	sfence  }
0xc7: {  	s30 =	sld [smem:$0x0];
	_ =	sdelay $0x2  }
0xc8: {  	s31 =	sshll.u32 s1, $0xD;
	s1 =	sshrl.u32 s1, $0x2  }
0xc9: {  	s3 =	sand.u32 $0x4000, s31;
	s1 =	sadd.s32 s1, s30  }
0xca: {  	s0 =	sor.u32 s3, s0;
	s1 =	sshll.u32 s1, $0x11  }
0xcb: {  	s0 =	sor.u32 s1, s0  }
0xcc: {  	s0 =	sadd.s32 $0x8F2B, s0  }
0xcd: {  	[sflag:s0] =	ssyncadd.remote.s32 $0x1  }
0xce: {  	_ =	sfence.sel $0xFFFF  }
0xcf: {  	[dreg:$0x0] =	wrdreg $0xFFFFFFFF;
	(pc) =	sbr.abs _section_cstart, $3  }
0xd0: {  	[dreg:$0x1] =	wrdreg $0xFFFFFFFF  }
0xd1: {  	_ =	task.clear_ibuf [dreg:s13], $0x2FFFF;
	_ =	strace $0x9FFFFFFF  }
0xd2: {  	(tm) =	ssettm $0x7FFFFFFF  }
0xd3: {  	_ =	shalt  }
tec
execute0_lowered:
.L_overlay_start_1:
0x0: {  	(tag) =	ssettag $0x1  }
0x1: {  	v3 =	vlaneseq.u32  }
0x2: {  	v0 =	vadd.s32 $0x1, v3  }
0x3: {  	[tilespmem:$0x1FC10] =	vst v0;
	v0 =	vadd.s32 $0x2, v3  }
0x4: {  	[tilespmem:$0x1FC20] =	vst v0;
	v0 =	vadd.s32 $0x3, v3  }
0x5: {  	[tilespmem:$0x1FC30] =	vst v0;
	v0 =	vadd.s32 $0x4, v3  }
0x6: {  	[tilespmem:$0x1FC40] =	vst v0;
	v0 =	vadd.s32 $0x5, v3  }
0x7: {  	[tilespmem:$0x1FC50] =	vst v0;
	v0 =	vadd.s32 $0x6, v3  }
0x8: {  	[tilespmem:$0x1FC60] =	vst v0;
	v0 =	vadd.s32 $0x7, v3  }
0x9: {  	[tilespmem:$0x1FC70] =	vst v0;
	v0 =	vadd.s32 $0x8, v3  }
0xa: {  	[tilespmem:$0x1FC80] =	vst v0;
	v0 =	vadd.s32 $0x9, v3  }
0xb: {  	[tilespmem:$0x1FC90] =	vst v0;
	v0 =	vadd.s32 $0xA, v3  }
0xc: {  	s0 =	rddreg [dreg:$0x0];
	[tilespmem:$0x1FCA0] =	vst v0;
	v0 =	vadd.s32 $0xB, v3  }
0xd: {  	s1 =	rddreg [dreg:$0x1];
	[tilespmem:$0x1FCB0] =	vst v0;
	v0 =	vadd.s32 $0xC, v3  }
0xe: {  	s2 =	rddreg [dreg:$0x2];
	[tilespmem:$0x1FCC0] =	vst v0;
	v0 =	vadd.s32 $0xD, v3  }
0xf: {  	s4 =	rddreg [dreg:$0x4];
	[tilespmem:$0x1FCD0] =	vst v0;
	v0 =	vadd.s32 $0xE, v3  }
0x10: {  	s10 =	rddreg [dreg:$0x6];
	s3 =	simm.s32 $0x0;
	[tilespmem:$0x1FCE0] =	vst v0;
	v0 =	vadd.s32 $0xF, v3  }
0x11: {  	[smem:$0x7FF] =	sst s3;
	[tilespmem:$0x1FCF0] =	vst v0;
	v0 =	vor.u32 $0x10, v3  }
0x12: {  	s11 =	rddreg [dreg:$0x7];
	_ =	strace $0x80000047;
	[tilespmem:$0x1FD00] =	vst v0;
	v0 =	vadd.s32 $0x11, v3  }
0x13: {  	[tilespmem:$0x1FD10] =	vst v0;
	v0 =	vadd.s32 $0x12, v3  }
0x14: {  	[tilespmem:$0x1FD20] =	vst v0;
	v0 =	vadd.s32 $0x13, v3  }
0x15: {  	[tilespmem:$0x1FD30] =	vst v0;
	v0 =	vadd.s32 $0x14, v3  }
0x16: {  	[tilespmem:$0x1FD40] =	vst v0;
	v0 =	vadd.s32 $0x15, v3  }
0x17: {  	[tilespmem:$0x1FD50] =	vst v0;
	v0 =	vadd.s32 $0x16, v3  }
0x18: {  	[tilespmem:$0x1FD60] =	vst v0;
	v0 =	vadd.s32 $0x17, v3  }
0x19: {  	[tilespmem:$0x1FD70] =	vst v0;
	v0 =	vadd.s32 $0x18, v3  }
0x1a: {  	[tilespmem:$0x1FD80] =	vst v0;
	v0 =	vadd.s32 $0x19, v3  }
0x1b: {  	[tilespmem:$0x1FD90] =	vst v0;
	v0 =	vadd.s32 $0x1A, v3  }
0x1c: {  	[tilespmem:$0x1FDA0] =	vst v0;
	v0 =	vadd.s32 $0x1B, v3  }
0x1d: {  	[tilespmem:$0x1FDB0] =	vst v0;
	v0 =	vadd.s32 $0x1C, v3  }
0x1e: {  	[tilespmem:$0x1FDC0] =	vst v0;
	v0 =	vadd.s32 $0x1D, v3  }
0x1f: {  	[tilespmem:$0x1FDD0] =	vst v0;
	v0 =	vadd.s32 $0x1E, v3  }
0x20: {  	[tilespmem:$0x1FDE0] =	vst v0;
	v0 =	vadd.s32 $0x1F, v3  }
0x21: {  	[tilespmem:$0x1FDF0] =	vst v0;
	v0 =	vor.u32 $0x20, v3  }
0x22: {  	[tilespmem:$0x1FE00] =	vst v0;
	v0 =	vadd.s32 $0x21, v3  }
0x23: {  	[tilespmem:$0x1FE10] =	vst v0;
	v0 =	vadd.s32 $0x22, v3  }
0x24: {  	[tilespmem:$0x1FE20] =	vst v0;
	v0 =	vadd.s32 $0x23, v3  }
0x25: {  	[tilespmem:$0x1FE30] =	vst v0;
	v0 =	vadd.s32 $0x24, v3  }
0x26: {  	[tilespmem:$0x1FE40] =	vst v0;
	v0 =	vadd.s32 $0x25, v3  }
0x27: {  	[tilespmem:$0x1FE50] =	vst v0;
	v0 =	vadd.s32 $0x26, v3  }
0x28: {  	[tilespmem:$0x1FE60] =	vst v0;
	v0 =	vadd.s32 $0x27, v3  }
0x29: {  	[tilespmem:$0x1FE70] =	vst v0;
	v0 =	vadd.s32 $0x28, v3  }
0x2a: {  	[tilespmem:$0x1FE80] =	vst v0;
	v0 =	vadd.s32 $0x29, v3  }
0x2b: {  	[tilespmem:$0x1FE90] =	vst v0;
	v0 =	vadd.s32 $0x2A, v3  }
0x2c: {  	[tilespmem:$0x1FEA0] =	vst v0;
	v0 =	vadd.s32 $0x2B, v3  }
0x2d: {  	[tilespmem:$0x1FEB0] =	vst v0;
	v0 =	vadd.s32 $0x2C, v3  }
0x2e: {  	[tilespmem:$0x1FEC0] =	vst v0;
	v0 =	vadd.s32 $0x2D, v3  }
0x2f: {  	[tilespmem:$0x1FED0] =	vst v0;
	v0 =	vadd.s32 $0x2E, v3  }
0x30: {  	[tilespmem:$0x1FEE0] =	vst v0;
	v0 =	vadd.s32 $0x2F, v3  }
0x31: {  	[tilespmem:$0x1FEF0] =	vst v0;
	v0 =	vor.u32 $0x30, v3  }
0x32: {  	[tilespmem:$0x1FF00] =	vst v0;
	v0 =	vadd.s32 $0x31, v3  }
0x33: {  	[tilespmem:$0x1FF10] =	vst v0;
	v0 =	vadd.s32 $0x32, v3  }
0x34: {  	[tilespmem:$0x1FF20] =	vst v0;
	v0 =	vadd.s32 $0x33, v3  }
0x35: {  	[tilespmem:$0x1FF30] =	vst v0;
	v0 =	vadd.s32 $0x34, v3  }
0x36: {  	s5 =	srdreg.scid;
	s9 =	stileid.u32;
	s13 =	simm.s32 $0x2;
	[tilespmem:$0x1FF40] =	vst v0;
	v0 =	vadd.s32 $0x35, v3  }
0x37: {  	s14 =	simm.s32 $0x200;
	s15 =	simm.s32 $0x400;
	s17 =	simm.s32 $0x18610;
	[tilespmem:$0x1FF50] =	vst v0;
	v0 =	vadd.s32 $0x36, v3  }
0x38: {  	s18 =	simm.s32 $0x80;
	s19 =	simm.s32 $0x600;
	s20 =	simm.s32 $0x8600;
	[tilespmem:$0x1FF60] =	vst v0;
	v0 =	vadd.s32 $0x37, v3  }
0x39: {  	s21 =	simm.s32 $0x10600;
	s16 =	simm.s32 $0x380;
	s22 =	simm.s32 $0xE600;
	[tilespmem:$0x1FF70] =	vst v0;
	v0 =	vadd.s32 $0x38, v3  }
0x3a: {  	s23 =	simm.s32 $0x580;
	s24 =	simm.s32 $0x16600;
	s25 =	simm.s32 $0x1;
	[tilespmem:$0x1FF80] =	vst v0;
	v0 =	vadd.s32 $0x39, v3  }
0x3b: {  	s26 =	simm.s32 $0x18650;
	s28 =	simm.s32 $0x18850;
	s29 =	simm.s32 $0x0;
	[tilespmem:$0x1FF90] =	vst v0;
	v0 =	vadd.s32 $0x3A, v3  }
0x3c: {  	s6 =	sand.u32 $0x1, s5;
	s5 =	sadd.s32 $0xF42E00, s4;
	s9 =	sshll.u32 s9, $0x7;
	[tilespmem:$0x1FFA0] =	vst v0;
	v0 =	vadd.s32 $0x3B, v3  }
0x3d: {  	s7 =	ssub.s32 $0x2, s6;
	s12 =	sshll.u32 s6, $0x6;
	s6 =	sadd.s32 $0x187400, s4;
	[tilespmem:$0x1FFB0] =	vst v0;
	v0 =	vadd.s32 $0x3C, v3  }
0x3e: {  	s4 =	simm.s32 $0x14600;
	s8 =	sshrl.u32 s7, $0x1;
	s12 =	sor.u32 s12, s9;
	[tilespmem:$0x1FFC0] =	vst v0;
	v0 =	vadd.s32 $0x3D, v3  }
0x3f: {  	s31 =	ssub.s32 s7, s8;
	s7 =	sadd.s32 s0, s12;
	s8 =	sadd.s32 s1, s12;
	[tilespmem:$0x1FFD0] =	vst v0;
	v0 =	vadd.s32 $0x3E, v3  }
0x40: {  	s9 =	sadd.s32 s2, s12;
	s10 =	sadd.s32 s10, s12;
	s11 =	sadd.s32 s11, s12;
	[tilespmem:$0x1FFE0] =	vst v0;
	v0 =	vadd.s32 $0x3F, v3  }
0x41: {  	s0 =	simm.s32 $0x180;
	s1 =	simm.s32 $0x6600;
	s12 =	smax.u32 s31, $0x1;
	[tilespmem:$0x1FFF0] =	vst v0  }
.LBB2_1:
0x42: {  	[tilespmem:s3], [sflag:$0x2] =	stream.linear.gather [hbm4b:s7+s3], $0x200, $0x38;
	[tilespmem:$0x18A50] =	vst v63  }
0x43: {  	_ =	swait.ge [sflag:s13], $0x200  }
0x44: {  	[sflag:s13] =	ssyncset.done $0x0  }
0x45: {  	[sflag:s13] =	ssyncadd.s32 $0xFFFFFE00  }
0x46: {  	[tilespmem:s14], [sflag:$0x2] =	stream.linear.gather [hbm4b:s8+s3], $0x200, $0x38;
	[tilespmem:$0x18A50] =	vst v63  }
0x47: {  	_ =	swait.ge [sflag:s13], $0x200  }
0x48: {  	[sflag:s13] =	ssyncset.done $0x0  }
0x49: {  	[sflag:s13] =	ssyncadd.s32 $0xFFFFFE00  }
0x4a: {  	[tilespmem:s15], [sflag:$0x2] =	stream.linear.gather [hbm4b:s9+s3], $0x200, $0x38;
	[tilespmem:$0x18A50] =	vst v63  }
0x4b: {  	_ =	swait.ge [sflag:s13], $0x200  }
0x4c: {  	[sflag:s13] =	ssyncset.done $0x0  }
0x4d: {  	[sflag:s13] =	ssyncadd.s32 $0xFFFFFE00  }
0x4e: {  	s30 =	simm.s32 $0x18600;
	s2 =	rddreg [dreg:$0x3]  }
0x4f: {  	[tilespmem:s30], [sflag:$0x2] =	stream.linear.gather [hbm4b:s2+s3], $0x10, $0x38;
	[tilespmem:$0x18A50] =	vst v63  }
0x50: {  	_ =	swait.ge [sflag:s13], $0x10  }
0x51: {  	[sflag:s13] =	ssyncset.done $0x0  }
0x52: {  	[sflag:s13] =	ssyncadd.s32 $0xFFFFFFF0  }
0x53: {  	s2 =	rddreg [dreg:$0x5]  }
0x54: {  	[tilespmem:s17], [sflag:$0x2] =	stream.linear.gather [hbm4b:s2+s3], $0x40, $0x38;
	[tilespmem:$0x18A50] =	vst v63  }
0x55: {  	_ =	swait.ge [sflag:s13], $0x40  }
0x56: {  	[sflag:s13] =	ssyncset.done $0x0  }
0x57: {  	[sflag:s13] =	ssyncadd.s32 $0xFFFFFFC0  }
0x58: {  	v0 =	vld [tilespmem:$0x18600];
	_ =	sdelay $0x4  }
0x59: {  	v1 =	vadd.s32 v3, v0  }
0x5a: {  	v1 =	vand.u32 $0x3F, v1  }
0x5b: {  	[tilespmem:$0x1F410] =	vst v1;
	v1 =	vld [tilespmem:$0x1FC10];
	_ =	sdelay $0x4  }
0x5c: {  	v1 =	vadd.s32 v1, v0  }
0x5d: {  	v1 =	vand.u32 $0x3F, v1  }
0x5e: {  	[tilespmem:$0x1F430] =	vst v1;
	v1 =	vld [tilespmem:$0x1FC20];
	_ =	sdelay $0x4  }
0x5f: {  	v1 =	vadd.s32 v1, v0  }
0x60: {  	v1 =	vand.u32 $0x3F, v1  }
0x61: {  	[tilespmem:$0x1F450] =	vst v1;
	v1 =	vld [tilespmem:$0x1FC40];
	_ =	sdelay $0x4  }
0x62: {  	v1 =	vadd.s32 v1, v0  }
0x63: {  	v9 =	vand.u32 $0x3F, v1;
	v1 =	vld [tilespmem:$0x1FC50];
	_ =	sdelay $0x4  }
0x64: {  	v1 =	vadd.s32 v1, v0  }
0x65: {  	v10 =	vand.u32 $0x3F, v1;
	v1 =	vld [tilespmem:$0x1FC70];
	_ =	sdelay $0x4  }
0x66: {  	v1 =	vadd.s32 v1, v0  }
0x67: {  	v12 =	vand.u32 $0x3F, v1;
	v1 =	vld [tilespmem:$0x1FC80];
	_ =	sdelay $0x4  }
0x68: {  	v1 =	vadd.s32 v1, v0  }
0x69: {  	v13 =	vand.u32 $0x3F, v1;
	v1 =	vld [tilespmem:$0x1FCA0];
	_ =	sdelay $0x4  }
0x6a: {  	v1 =	vadd.s32 v1, v0  }
0x6b: {  	v15 =	vand.u32 $0x3F, v1;
	v1 =	vld [tilespmem:$0x1FCB0];
	_ =	sdelay $0x4  }
0x6c: {  	v1 =	vadd.s32 v1, v0  }
0x6d: {  	v16 =	vand.u32 $0x3F, v1;
	v1 =	vld [tilespmem:$0x1FCD0];
	_ =	sdelay $0x4  }
0x6e: {  	v1 =	vadd.s32 v1, v0  }
0x6f: {  	v18 =	vand.u32 $0x3F, v1;
	v1 =	vld [tilespmem:$0x1FCE0];
	_ =	sdelay $0x4  }
0x70: {  	v1 =	vadd.s32 v1, v0  }
0x71: {  	v19 =	vand.u32 $0x3F, v1;
	v1 =	vld [tilespmem:$0x1FD00];
	_ =	sdelay $0x4  }
0x72: {  	v1 =	vadd.s32 v1, v0  }
0x73: {  	v21 =	vand.u32 $0x3F, v1;
	v1 =	vld [tilespmem:$0x1FD10];
	_ =	sdelay $0x4  }
0x74: {  	v1 =	vadd.s32 v1, v0  }
0x75: {  	v22 =	vand.u32 $0x3F, v1;
	v1 =	vld [tilespmem:$0x1FD30];
	_ =	sdelay $0x4  }
0x76: {  	v1 =	vadd.s32 v1, v0  }
0x77: {  	v24 =	vand.u32 $0x3F, v1;
	v1 =	vld [tilespmem:$0x1FD40];
	_ =	sdelay $0x4  }
0x78: {  	v1 =	vadd.s32 v1, v0  }
0x79: {  	v25 =	vand.u32 $0x3F, v1;
	v1 =	vld [tilespmem:$0x1FD60];
	_ =	sdelay $0x4  }
0x7a: {  	v2 =	vld [tilespmem:$0x1FC30];
	v1 =	vadd.s32 v1, v0  }
0x7b: {  	v27 =	vand.u32 $0x3F, v1;
	v1 =	vld [tilespmem:$0x1FD70];
	_ =	sdelay $0x3  }
0x7c: {  	v2 =	vadd.s32 v2, v0  }
0x7d: {  	v7 =	vand.u32 $0x3F, v2;
	v2 =	vld [tilespmem:$0x1FC60];
	v1 =	vadd.s32 v1, v0  }
0x7e: {  	v28 =	vand.u32 $0x3F, v1;
	v1 =	vld [tilespmem:$0x1FD90];
	_ =	sdelay $0x3  }
0x7f: {  	v2 =	vadd.s32 v2, v0  }
0x80: {  	v11 =	vand.u32 $0x3F, v2;
	v2 =	vld [tilespmem:$0x1FC90];
	v1 =	vadd.s32 v1, v0  }
0x81: {  	v30 =	vand.u32 $0x3F, v1;
	v1 =	vld [tilespmem:$0x1FDA0];
	_ =	sdelay $0x3  }
0x82: {  	v2 =	vadd.s32 v2, v0  }
0x83: {  	v14 =	vand.u32 $0x3F, v2;
	v2 =	vld [tilespmem:$0x1FCC0];
	v1 =	vadd.s32 v1, v0  }
0x84: {  	v31 =	vand.u32 $0x3F, v1;
	v1 =	vld [tilespmem:$0x1FDC0];
	_ =	sdelay $0x3  }
0x85: {  	v2 =	vadd.s32 v2, v0  }
0x86: {  	v17 =	vand.u32 $0x3F, v2;
	v2 =	vld [tilespmem:$0x1FCF0];
	v1 =	vadd.s32 v1, v0  }
0x87: {  	v33 =	vand.u32 $0x3F, v1;
	v1 =	vld [tilespmem:$0x1FDD0];
	_ =	sdelay $0x3  }
0x88: {  	v2 =	vadd.s32 v2, v0  }
0x89: {  	v20 =	vand.u32 $0x3F, v2;
	v2 =	vld [tilespmem:$0x1FD20];
	v1 =	vadd.s32 v1, v0  }
0x8a: {  	v34 =	vand.u32 $0x3F, v1;
	v1 =	vld [tilespmem:$0x1FDF0];
	_ =	sdelay $0x3  }
0x8b: {  	v2 =	vadd.s32 v2, v0  }
0x8c: {  	v23 =	vand.u32 $0x3F, v2;
	v2 =	vld [tilespmem:$0x1FD50];
	v1 =	vadd.s32 v1, v0  }
0x8d: {  	v36 =	vand.u32 $0x3F, v1;
	v1 =	vld [tilespmem:$0x1FE00];
	_ =	sdelay $0x3  }
0x8e: {  	v2 =	vadd.s32 v2, v0  }
0x8f: {  	v26 =	vand.u32 $0x3F, v2;
	v2 =	vld [tilespmem:$0x1FD80];
	v1 =	vadd.s32 v1, v0  }
0x90: {  	v37 =	vand.u32 $0x3F, v1;
	v1 =	vld [tilespmem:$0x1FE20];
	_ =	sdelay $0x3  }
0x91: {  	v2 =	vadd.s32 v2, v0  }
0x92: {  	v29 =	vand.u32 $0x3F, v2;
	v2 =	vld [tilespmem:$0x1FDB0];
	v1 =	vadd.s32 v1, v0  }
0x93: {  	[tilespmem:s19], [sflag:$0x1] =	stream.indirect.gather [hbm4b:s5+s18], $0x40, s3, s18, $0xb8;
	v39 =	vand.u32 $0x3F, v1;
	v1 =	vld [tilespmem:$0x1FE30]  }
0x94: {  	_ = 	snop  }
0x95: {  	[tilespmem:s20], [sflag:$0x1] =	stream.indirect.gather [hbm4b:s6+s18], $0x40, s14, s18, $0xb8;
	[tilespmem:$0x18A50] =	vst v63  }
0x96: {  	_ = 	snop  }
0x97: {  	[tilespmem:s21], [sflag:$0x1] =	stream.indirect.gather [hbm4b:s6+s18], $0x40, s15, s18, $0xb8;
	v2 =	vadd.s32 v2, v0;
	[tilespmem:$0x18A50] =	vst v63  }
0x98: {  	s2 =	simm.s32 $0x2600;
	v32 =	vand.u32 $0x3F, v2;
	v2 =	vld [tilespmem:$0x1FDE0];
	v1 =	vadd.s32 v1, v0  }
0x99: {  	[tilespmem:s2], [sflag:$0x1] =	stream.indirect.gather [hbm4b:s5+s18], $0x40, s18, s18, $0xb8;
	v40 =	vand.u32 $0x3F, v1;
	v1 =	vld [tilespmem:$0x1FE50]  }
0x9a: {  	s30 =	simm.s32 $0xA600;
	s2 =	simm.s32 $0x280  }
0x9b: {  	[tilespmem:s30], [sflag:$0x1] =	stream.indirect.gather [hbm4b:s6+s18], $0x40, s2, s18, $0xb8;
	[tilespmem:$0x18A50] =	vst v63  }
0x9c: {  	s2 =	simm.s32 $0x480;
	s30 =	simm.s32 $0x12600  }
0x9d: {  	[tilespmem:s30], [sflag:$0x1] =	stream.indirect.gather [hbm4b:s6+s18], $0x40, s2, s18, $0xb8;
	v2 =	vadd.s32 v2, v0;
	[tilespmem:$0x18A50] =	vst v63  }
0x9e: {  	s2 =	simm.s32 $0x100;
	s30 =	simm.s32 $0x4600;
	v35 =	vand.u32 $0x3F, v2;
	v2 =	vld [tilespmem:$0x1FE10];
	v1 =	vadd.s32 v1, v0  }
0x9f: {  	[tilespmem:s30], [sflag:$0x1] =	stream.indirect.gather [hbm4b:s5+s18], $0x40, s2, s18, $0xb8;
	v42 =	vand.u32 $0x3F, v1;
	v1 =	vld [tilespmem:$0x1FE60]  }
0xa0: {  	s2 =	simm.s32 $0x300;
	s30 =	simm.s32 $0xC600  }
0xa1: {  	[tilespmem:s30], [sflag:$0x1] =	stream.indirect.gather [hbm4b:s6+s18], $0x40, s2, s18, $0xb8;
	[tilespmem:$0x18A50] =	vst v63  }
0xa2: {  	s2 =	simm.s32 $0x500  }
0xa3: {  	[tilespmem:s4], [sflag:$0x1] =	stream.indirect.gather [hbm4b:s6+s18], $0x40, s2, s18, $0xb8;
	v2 =	vadd.s32 v2, v0;
	[tilespmem:$0x18A50] =	vst v63  }
0xa4: {  	v38 =	vand.u32 $0x3F, v2;
	v2 =	vld [tilespmem:$0x1FE40];
	v1 =	vadd.s32 v1, v0  }
0xa5: {  	[tilespmem:s1], [sflag:$0x1] =	stream.indirect.gather [hbm4b:s5+s18], $0x40, s0, s18, $0xb8;
	v43 =	vand.u32 $0x3F, v1;
	v1 =	vld [tilespmem:$0x1FE80]  }
0xa6: {  	_ = 	snop  }
0xa7: {  	[tilespmem:s22], [sflag:$0x1] =	stream.indirect.gather [hbm4b:s6+s18], $0x40, s16, s18, $0xb8;
	[tilespmem:$0x18A50] =	vst v63  }
0xa8: {  	_ = 	snop  }
0xa9: {  	[tilespmem:s24], [sflag:$0x1] =	stream.indirect.gather [hbm4b:s6+s18], $0x40, s23, s18, $0xb8;
	v2 =	vadd.s32 v2, v0;
	[tilespmem:$0x18A50] =	vst v63  }
0xaa: {  	v41 =	vand.u32 $0x3F, v2;
	v2 =	vld [tilespmem:$0x1FE70];
	_ =	swait.ge [sflag:s25], $0x2000;
	v1 =	vadd.s32 v1, v0  }
0xab: {  	v45 =	vand.u32 $0x3F, v1;
	v1 =	vld [tilespmem:$0x1FE90];
	_ =	sdelay $0x4  }
0xac: {  	v1 =	vadd.s32 v1, v0  }
0xad: {  	v46 =	vand.u32 $0x3F, v1;
	v1 =	vld [tilespmem:$0x1FEB0];
	_ =	sdelay $0x3  }
0xae: {  	v2 =	vadd.s32 v2, v0  }
0xaf: {  	v44 =	vand.u32 $0x3F, v2;
	v2 =	vld [tilespmem:$0x1FEA0];
	v1 =	vadd.s32 v1, v0  }
0xb0: {  	v48 =	vand.u32 $0x3F, v1;
	v1 =	vld [tilespmem:$0x1FEC0];
	_ =	sdelay $0x2  }
0xb1: {  	[sflag:s25] =	ssyncset.done $0x0  }
0xb2: {  	[sflag:s25] =	ssyncadd.s32 $0xFFFFE000;
	v2 =	vadd.s32 v2, v0  }
0xb3: {  	v47 =	vand.u32 $0x3F, v2;
	v2 =	vld [tilespmem:$0x1FED0];
	_ =	swait.ge [sflag:s25], $0x2000;
	v1 =	vadd.s32 v1, v0  }
0xb4: {  	v49 =	vand.u32 $0x3F, v1;
	v1 =	vld [tilespmem:$0x1FEE0];
	_ =	sdelay $0x4  }
0xb5: {  	v1 =	vadd.s32 v1, v0  }
0xb6: {  	v51 =	vand.u32 $0x3F, v1;
	v1 =	vld [tilespmem:$0x1FEF0];
	_ =	sdelay $0x4  }
0xb7: {  	v1 =	vadd.s32 v1, v0  }
0xb8: {  	v52 =	vand.u32 $0x3F, v1;
	v1 =	vld [tilespmem:$0x1FF10];
	_ =	sdelay $0x2  }
0xb9: {  	[sflag:s25] =	ssyncset.done $0x0  }
0xba: {  	v2 =	vadd.s32 v2, v0;
	[sflag:s25] =	ssyncadd.s32 $0xFFFFE000  }
0xbb: {  	v50 =	vand.u32 $0x3F, v2;
	v2 =	vld [tilespmem:$0x1FF00];
	_ =	swait.ge [sflag:s25], $0x2000;
	v1 =	vadd.s32 v1, v0  }
0xbc: {  	v54 =	vand.u32 $0x3F, v1;
	v1 =	vld [tilespmem:$0x1FF20];
	_ =	sdelay $0x4  }
0xbd: {  	v1 =	vadd.s32 v1, v0  }
0xbe: {  	v55 =	vand.u32 $0x3F, v1;
	v1 =	vld [tilespmem:$0x1FF40];
	_ =	sdelay $0x3  }
0xbf: {  	v2 =	vadd.s32 v2, v0  }
0xc0: {  	v53 =	vand.u32 $0x3F, v2;
	v2 =	vld [tilespmem:$0x1FF30];
	v1 =	vadd.s32 v1, v0  }
0xc1: {  	v57 =	vand.u32 $0x3F, v1;
	v1 =	vld [tilespmem:$0x1FF50];
	_ =	sdelay $0x2  }
0xc2: {  	[sflag:s25] =	ssyncset.done $0x0  }
0xc3: {  	[sflag:s25] =	ssyncadd.s32 $0xFFFFE000;
	v2 =	vadd.s32 v2, v0  }
0xc4: {  	v56 =	vand.u32 $0x3F, v2;
	v2 =	vld [tilespmem:$0x1FF60];
	_ =	swait.ge [sflag:s25], $0x2000;
	v1 =	vadd.s32 v1, v0  }
0xc5: {  	v58 =	vand.u32 $0x3F, v1;
	v1 =	vld [tilespmem:$0x1FF70];
	_ =	sdelay $0x4  }
0xc6: {  	v1 =	vadd.s32 v1, v0  }
0xc7: {  	v60 =	vand.u32 $0x3F, v1;
	v1 =	vld [tilespmem:$0x1FF80];
	_ =	sdelay $0x4  }
0xc8: {  	v1 =	vadd.s32 v1, v0  }
0xc9: {  	v61 =	vand.u32 $0x3F, v1;
	v1 =	vld [tilespmem:$0x1FFA0];
	_ =	sdelay $0x2  }
0xca: {  	[sflag:s25] =	ssyncset.done $0x0  }
0xcb: {  	v2 =	vadd.s32 v2, v0;
	[sflag:s25] =	ssyncadd.s32 $0xFFFFE000  }
0xcc: {  	v59 =	vand.u32 $0x3F, v2;
	v2 =	vld [tilespmem:$0x1FF90];
	_ =	swait.ge [sflag:s25], $0x2000;
	v1 =	vadd.s32 v1, v0  }
0xcd: {  	v63 =	vand.u32 $0x3F, v1;
	v1 =	vld [tilespmem:$0x1FFB0];
	_ =	sdelay $0x3  }
0xce: {  	v2 =	vadd.s32 v2, v0  }
0xcf: {  	v62 =	vand.u32 $0x3F, v2;
	v2 =	vld [tilespmem:$0x1FFC0];
	v1 =	vadd.s32 v1, v0  }
0xd0: {  	v6 =	vand.u32 $0x3F, v1;
	v1 =	vld [tilespmem:$0x1FFD0];
	_ =	sdelay $0x3  }
0xd1: {  	v2 =	vadd.s32 v2, v0  }
0xd2: {  	v5 =	vand.u32 $0x3F, v2;
	v2 =	vld [tilespmem:$0x1FFF0];
	v1 =	vadd.s32 v1, v0  }
0xd3: {  	v4 =	vand.u32 $0x3F, v1;
	v1 =	vld [tilespmem:$0x1FFE0];
	_ =	sdelay $0x1  }
0xd4: {  	[sflag:s25] =	ssyncset.done $0x0  }
0xd5: {  	[sflag:s25] =	ssyncadd.s32 $0xFFFFE000  }
0xd6: {  	_ =	swait.ge [sflag:s25], $0x2000  }
0xd7: {  	v8 =	vshll.u32 v0, $0x6;
	v1 =	vadd.s32 v1, v0;
	v0 =	vadd.s32 v2, v0;
	v2 =	vld [tilespmem:$0x1F410];
	_ =	sdelay $0x4  }
0xd8: {  	v2 =	vor.u32 v8, v2  }
0xd9: {  	[tilespmem:$0x1F420] =	vst v2;
	v2 =	vld [tilespmem:$0x1F430];
	_ =	sdelay $0x4  }
0xda: {  	v2 =	vor.u32 v8, v2  }
0xdb: {  	[tilespmem:$0x1F440] =	vst v2;
	v2 =	vld [tilespmem:$0x1F450];
	_ =	sdelay $0x1  }
0xdc: {  	[tilespmem:$0x1F470] =	vst v7  }
0xdd: {  	[tilespmem:$0x1F490] =	vst v9  }
0xde: {  	[tilespmem:$0x1F4B0] =	vst v10  }
0xdf: {  	[tilespmem:$0x1F4D0] =	vst v11;
	v2 =	vor.u32 v8, v2  }
0xe0: {  	[tilespmem:$0x1F460] =	vst v2;
	v2 =	vor.u32 v8, v7  }
0xe1: {  	[tilespmem:$0x1F480] =	vst v2;
	v2 =	vor.u32 v8, v9  }
0xe2: {  	[tilespmem:$0x1F4A0] =	vst v2;
	v2 =	vor.u32 v8, v10  }
0xe3: {  	[sflag:s25] =	ssyncset.done $0x0;
	[tilespmem:$0x1F4C0] =	vst v2;
	v2 =	vor.u32 v8, v11  }
0xe4: {  	[sflag:s25] =	ssyncadd.s32 $0xFFFFE000;
	[tilespmem:$0x1F4E0] =	vst v2  }
0xe5: {  	_ =	swait.ge [sflag:s25], $0x2000  }
0xe6: {  	v2 =	vor.u32 v8, v12;
	[tilespmem:$0x1F4F0] =	vst v12  }
0xe7: {  	[tilespmem:$0x1F500] =	vst v2  }
0xe8: {  	[tilespmem:$0x1F510] =	vst v13  }
0xe9: {  	[tilespmem:$0x1F530] =	vst v14  }
0xea: {  	[tilespmem:$0x1F550] =	vst v15  }
0xeb: {  	[tilespmem:$0x1F570] =	vst v16  }
0xec: {  	[tilespmem:$0x1F590] =	vst v17  }
0xed: {  	[tilespmem:$0x1F5B0] =	vst v18  }
0xee: {  	[tilespmem:$0x1F5D0] =	vst v19  }
0xef: {  	v2 =	vor.u32 v8, v13;
	[tilespmem:$0x1F5F0] =	vst v20  }
0xf0: {  	[tilespmem:$0x1F520] =	vst v2;
	v2 =	vor.u32 v8, v14  }
0xf1: {  	[tilespmem:$0x1F540] =	vst v2;
	v2 =	vor.u32 v8, v15  }
0xf2: {  	[tilespmem:$0x1F560] =	vst v2;
	v2 =	vor.u32 v8, v16  }
0xf3: {  	[tilespmem:$0x1F580] =	vst v2;
	v2 =	vor.u32 v8, v17  }
0xf4: {  	[tilespmem:$0x1F5A0] =	vst v2;
	v2 =	vor.u32 v8, v18  }
0xf5: {  	[tilespmem:$0x1F5C0] =	vst v2;
	v2 =	vor.u32 v8, v19  }
0xf6: {  	[sflag:s25] =	ssyncset.done $0x0;
	[tilespmem:$0x1F5E0] =	vst v2;
	v2 =	vor.u32 v8, v20  }
0xf7: {  	[sflag:s25] =	ssyncadd.s32 $0xFFFFE000;
	[tilespmem:$0x1F600] =	vst v2  }
0xf8: {  	_ =	swait.ge [sflag:s25], $0x2000  }
0xf9: {  	v2 =	vor.u32 v8, v21;
	[tilespmem:$0x1F610] =	vst v21  }
0xfa: {  	[tilespmem:$0x1F620] =	vst v2  }
0xfb: {  	[tilespmem:$0x1F630] =	vst v22  }
0xfc: {  	[tilespmem:$0x1F650] =	vst v23  }
0xfd: {  	[tilespmem:$0x1F670] =	vst v24  }
0xfe: {  	[tilespmem:$0x1F690] =	vst v25  }
0xff: {  	[tilespmem:$0x1F6B0] =	vst v26  }
0x100: {  	[tilespmem:$0x1F6D0] =	vst v27  }
0x101: {  	[tilespmem:$0x1F6F0] =	vst v28  }
0x102: {  	v2 =	vor.u32 v8, v22;
	[tilespmem:$0x1F710] =	vst v29  }
0x103: {  	[tilespmem:$0x1F640] =	vst v2;
	v2 =	vor.u32 v8, v23  }
0x104: {  	[tilespmem:$0x1F660] =	vst v2;
	v2 =	vor.u32 v8, v24  }
0x105: {  	[tilespmem:$0x1F680] =	vst v2;
	v2 =	vor.u32 v8, v25  }
0x106: {  	[tilespmem:$0x1F6A0] =	vst v2;
	v2 =	vor.u32 v8, v26  }
0x107: {  	[tilespmem:$0x1F6C0] =	vst v2;
	v2 =	vor.u32 v8, v27  }
0x108: {  	[tilespmem:$0x1F6E0] =	vst v2;
	v2 =	vor.u32 v8, v28  }
0x109: {  	[sflag:s25] =	ssyncset.done $0x0;
	[tilespmem:$0x1F700] =	vst v2;
	v2 =	vor.u32 v8, v29  }
0x10a: {  	[sflag:s25] =	ssyncadd.s32 $0xFFFFE000;
	[tilespmem:$0x1F720] =	vst v2  }
0x10b: {  	_ =	swait.ge [sflag:s25], $0x2000  }
0x10c: {  	v2 =	vor.u32 v8, v30;
	[tilespmem:$0x1F730] =	vst v30  }
0x10d: {  	[tilespmem:$0x1F740] =	vst v2  }
0x10e: {  	[tilespmem:$0x1F750] =	vst v31  }
0x10f: {  	[tilespmem:$0x1F770] =	vst v32  }
0x110: {  	[tilespmem:$0x1F790] =	vst v33  }
0x111: {  	[tilespmem:$0x1F7B0] =	vst v34  }
0x112: {  	[tilespmem:$0x1F7D0] =	vst v35  }
0x113: {  	[tilespmem:$0x1F7F0] =	vst v36  }
0x114: {  	[tilespmem:$0x1F810] =	vst v37  }
0x115: {  	v2 =	vor.u32 v8, v31;
	[tilespmem:$0x1F830] =	vst v38  }
0x116: {  	[tilespmem:$0x1F760] =	vst v2;
	v2 =	vor.u32 v8, v32  }
0x117: {  	[tilespmem:$0x1F780] =	vst v2;
	v2 =	vor.u32 v8, v33  }
0x118: {  	[tilespmem:$0x1F7A0] =	vst v2;
	v2 =	vor.u32 v8, v34  }
0x119: {  	[tilespmem:$0x1F7C0] =	vst v2;
	v2 =	vor.u32 v8, v35  }
0x11a: {  	[tilespmem:$0x1F7E0] =	vst v2;
	v2 =	vor.u32 v8, v36  }
0x11b: {  	[tilespmem:$0x1F800] =	vst v2;
	v2 =	vor.u32 v8, v37  }
0x11c: {  	[sflag:s25] =	ssyncset.done $0x0;
	[tilespmem:$0x1F820] =	vst v2;
	v2 =	vor.u32 v8, v38  }
0x11d: {  	[sflag:s25] =	ssyncadd.s32 $0xFFFFE000;
	[tilespmem:$0x1F840] =	vst v2  }
0x11e: {  	_ =	swait.ge [sflag:s25], $0x2000  }
0x11f: {  	v2 =	vor.u32 v8, v39;
	[tilespmem:$0x1F850] =	vst v39  }
0x120: {  	[tilespmem:$0x1F860] =	vst v2  }
0x121: {  	[tilespmem:$0x1F870] =	vst v40  }
0x122: {  	[tilespmem:$0x1F890] =	vst v41  }
0x123: {  	[tilespmem:$0x1F8B0] =	vst v42  }
0x124: {  	[tilespmem:$0x1F8D0] =	vst v43  }
0x125: {  	[tilespmem:$0x1F8F0] =	vst v44  }
0x126: {  	[tilespmem:$0x1F910] =	vst v45  }
0x127: {  	[tilespmem:$0x1F930] =	vst v46  }
0x128: {  	v2 =	vor.u32 v8, v40;
	[tilespmem:$0x1F950] =	vst v47  }
0x129: {  	[tilespmem:$0x1F880] =	vst v2;
	v2 =	vor.u32 v8, v41  }
0x12a: {  	[tilespmem:$0x1F8A0] =	vst v2;
	v2 =	vor.u32 v8, v42  }
0x12b: {  	[tilespmem:$0x1F8C0] =	vst v2;
	v2 =	vor.u32 v8, v43  }
0x12c: {  	[tilespmem:$0x1F8E0] =	vst v2;
	v2 =	vor.u32 v8, v44  }
0x12d: {  	[tilespmem:$0x1F900] =	vst v2;
	v2 =	vor.u32 v8, v45  }
0x12e: {  	[tilespmem:$0x1F920] =	vst v2;
	v2 =	vor.u32 v8, v46  }
0x12f: {  	[sflag:s25] =	ssyncset.done $0x0;
	[tilespmem:$0x1F940] =	vst v2;
	v2 =	vor.u32 v8, v47  }
0x130: {  	[sflag:s25] =	ssyncadd.s32 $0xFFFFE000;
	[tilespmem:$0x1F960] =	vst v2  }
0x131: {  	_ =	swait.ge [sflag:s25], $0x2000  }
0x132: {  	v2 =	vor.u32 v8, v48;
	[tilespmem:$0x1F970] =	vst v48  }
0x133: {  	[tilespmem:$0x1F980] =	vst v2  }
0x134: {  	[tilespmem:$0x1F990] =	vst v49  }
0x135: {  	[tilespmem:$0x1F9B0] =	vst v50  }
0x136: {  	[tilespmem:$0x1F9D0] =	vst v51  }
0x137: {  	[tilespmem:$0x1F9F0] =	vst v52  }
0x138: {  	[tilespmem:$0x1FA10] =	vst v53  }
0x139: {  	[tilespmem:$0x1FA30] =	vst v54  }
0x13a: {  	[tilespmem:$0x1FA50] =	vst v55  }
0x13b: {  	v2 =	vor.u32 v8, v49;
	[tilespmem:$0x1FA70] =	vst v56  }
0x13c: {  	[tilespmem:$0x1F9A0] =	vst v2;
	v2 =	vor.u32 v8, v50  }
0x13d: {  	[tilespmem:$0x1F9C0] =	vst v2;
	v2 =	vor.u32 v8, v51  }
0x13e: {  	[tilespmem:$0x1F9E0] =	vst v2;
	v2 =	vor.u32 v8, v52  }
0x13f: {  	[tilespmem:$0x1FA00] =	vst v2;
	v2 =	vor.u32 v8, v53  }
0x140: {  	[tilespmem:$0x1FA20] =	vst v2;
	v2 =	vor.u32 v8, v54  }
0x141: {  	[tilespmem:$0x1FA40] =	vst v2;
	v2 =	vor.u32 v8, v55  }
0x142: {  	[sflag:s25] =	ssyncset.done $0x0;
	[tilespmem:$0x1FA60] =	vst v2;
	v2 =	vor.u32 v8, v56  }
0x143: {  	[sflag:s25] =	ssyncadd.s32 $0xFFFFE000;
	[tilespmem:$0x1FA80] =	vst v2  }
0x144: {  	_ =	swait.ge [sflag:s25], $0x2000  }
0x145: {  	v2 =	vor.u32 v8, v57;
	[tilespmem:$0x1FA90] =	vst v57  }
0x146: {  	[tilespmem:$0x1FAA0] =	vst v2  }
0x147: {  	[tilespmem:$0x1FAB0] =	vst v58  }
0x148: {  	[tilespmem:$0x1FAD0] =	vst v59  }
0x149: {  	[tilespmem:$0x1FAF0] =	vst v60  }
0x14a: {  	[tilespmem:$0x1FB10] =	vst v61  }
0x14b: {  	[tilespmem:$0x1FB30] =	vst v62  }
0x14c: {  	[tilespmem:$0x1FB50] =	vst v63  }
0x14d: {  	[tilespmem:$0x1FB70] =	vst v6  }
0x14e: {  	[tilespmem:$0x1FB90] =	vst v5  }
0x14f: {  	v1 =	vand.u32 $0x3F, v1;
	[tilespmem:$0x1FBB0] =	vst v4  }
0x150: {  	v0 =	vand.u32 $0x3F, v0;
	[tilespmem:$0x1FBD0] =	vst v1  }
0x151: {  	v2 =	vor.u32 v8, v58;
	[tilespmem:$0x1FBF0] =	vst v0  }
0x152: {  	v1 =	vor.u32 v8, v1;
	[tilespmem:$0x1FAC0] =	vst v2  }
0x153: {  	v0 =	vor.u32 v8, v0;
	[tilespmem:$0x1FBE0] =	vst v1  }
0x154: {  	v2 =	vor.u32 v8, v59;
	[tilespmem:$0x1FC00] =	vst v0  }
0x155: {  	[tilespmem:$0x1FAE0] =	vst v2;
	v2 =	vor.u32 v8, v60  }
0x156: {  	[tilespmem:$0x1FB00] =	vst v2;
	v2 =	vor.u32 v8, v61  }
0x157: {  	[tilespmem:$0x1FB20] =	vst v2;
	v2 =	vor.u32 v8, v62  }
0x158: {  	[tilespmem:$0x1FB40] =	vst v2;
	v2 =	vor.u32 v8, v63  }
0x159: {  	[tilespmem:$0x1FB60] =	vst v2;
	v2 =	vor.u32 v8, v6  }
0x15a: {  	[tilespmem:$0x1FB80] =	vst v2;
	v2 =	vor.u32 v8, v5  }
0x15b: {  	s31 =	simm.s32 $0x18650;
	[sflag:s25] =	ssyncset.done $0x0;
	[tilespmem:$0x1FBA0] =	vst v2;
	v2 =	vor.u32 v8, v4  }
0x15c: {  	s30 =	simm.s32 $0x18850;
	s2 =	simm.s32 $0x0;
	[sflag:s25] =	ssyncadd.s32 $0xFFFFE000;
	[tilespmem:$0x1FBC0] =	vst v2  }
.LBB2_2:
0x15d: {  	v0 =	vmov s2;
	v1 =	vmul.u32 $0x40, v3  }
0x15e: {  	v0 =	vshll.u32 v0, $0x6  }
0x15f: {  	v8 =	vor.u32 v1, v0;
	v0 =	vld [tilespmem:$0x1F410];
	_ =	sdelay $0x4  }
0x160: {  	v0 =	vor.u32 v8, v0;
	_ =	sdelay $0x4  }
0x161: {  	v12 =	vld.idx.msk [tilespmem:v0+s19+$0x0], $0xffff  }
0x162: {  	v14 =	vld.idx.msk [tilespmem:v0+s20+$0x0], $0xffff  }
0x163: {  	v15 =	vld.idx.msk [tilespmem:v0+s21+$0x0], $0xffff  }
0x164: {  	v0 =	vld [tilespmem:$0x1F470];
	_ =	sdelay $0x4  }
0x165: {  	v0 =	vor.u32 v8, v0;
	_ =	sdelay $0x4  }
0x166: {  	v9 =	vld.idx.msk [tilespmem:v0+s19+$0x0], $0xffff  }
0x167: {  	v21 =	vld.idx.msk [tilespmem:v0+s20+$0x0], $0xffff  }
0x168: {  	v16 =	vld.idx.msk [tilespmem:v0+s21+$0x0], $0xffff  }
0x169: {  	v0 =	vld [tilespmem:$0x1F4D0];
	_ =	sdelay $0x3  }
0x16a: {  	v1 =	vld [tilespmem:$0x1F430]  }
0x16b: {  	v10 =	vor.u32 v8, v0;
	v0 =	vld [tilespmem:$0x1F4F0];
	_ =	sdelay $0x3  }
0x16c: {  	v1 =	vor.u32 v8, v1  }
0x16d: {  	v18 =	vor.u32 v8, v0;
	v0 =	vld [tilespmem:$0x1F510];
	_ =	sdelay $0x3  }
0x16e: {  	v17 =	vld.idx.msk [tilespmem:v1+s19+$0x0], $0xffff  }
0x16f: {  	v19 =	vor.u32 v8, v0;
	v0 =	vld [tilespmem:$0x1F530]  }
0x170: {  	v24 =	vld.idx.msk [tilespmem:v1+s20+$0x0], $0xffff  }
0x171: {  	v59 =	vld.idx.msk [tilespmem:v1+s21+$0x0], $0xffff  }
0x172: {  	v1 =	vld [tilespmem:$0x1F490];
	_ =	sdelay $0x1  }
0x173: {  	v20 =	vor.u32 v8, v0;
	v0 =	vld [tilespmem:$0x1F550];
	_ =	sdelay $0x2  }
0x174: {  	v3 =	vor.u32 v8, v1;
	v1 =	vld [tilespmem:$0x1F4B0];
	_ =	sdelay $0x1  }
0x175: {  	v26 =	vor.u32 v8, v0;
	v0 =	vld [tilespmem:$0x1F570];
	_ =	sdelay $0x2  }
0x176: {  	v6 =	vor.u32 v8, v1;
	_ =	sdelay $0x1  }
0x177: {  	v27 =	vor.u32 v8, v0;
	v0 =	vld [tilespmem:$0x1F590];
	_ =	sdelay $0x2  }
0x178: {  	v23 =	vld.idx.msk [tilespmem:v6+s19+$0x0], $0xffff  }
0x179: {  	v30 =	vld.idx.msk [tilespmem:v6+s20+$0x0], $0xffff  }
0x17a: {  	v28 =	vor.u32 v8, v0;
	v0 =	vld [tilespmem:$0x1F5B0]  }
0x17b: {  	v31 =	vld.idx.msk [tilespmem:v6+s21+$0x0], $0xffff  }
0x17c: {  	v6 =	vld.idx.msk [tilespmem:v10+s19+$0x0], $0xffff  }
0x17d: {  	v32 =	vld.idx.msk [tilespmem:v10+s20+$0x0], $0xffff  }
0x17e: {  	v57 =	vld.idx.msk [tilespmem:v10+s21+$0x0], $0xffff  }
0x17f: {  	v29 =	vor.u32 v8, v0;
	v0 =	vld [tilespmem:$0x1F5D0]  }
0x180: {  	v10 =	vld.idx.msk [tilespmem:v18+s19+$0x0], $0xffff  }
0x181: {  	v33 =	vld.idx.msk [tilespmem:v18+s20+$0x0], $0xffff  }
0x182: {  	v56 =	vld.idx.msk [tilespmem:v18+s21+$0x0], $0xffff  }
0x183: {  	v18 =	vld.idx.msk [tilespmem:v19+s19+$0x0], $0xffff  }
0x184: {  	v61 =	vor.u32 v8, v0;
	v0 =	vld [tilespmem:$0x1F5F0]  }
0x185: {  	v34 =	vld.idx.msk [tilespmem:v19+s20+$0x0], $0xffff  }
0x186: {  	v55 =	vld.idx.msk [tilespmem:v19+s21+$0x0], $0xffff  }
0x187: {  	v19 =	vld.idx.msk [tilespmem:v20+s19+$0x0], $0xffff  }
0x188: {  	v35 =	vld.idx.msk [tilespmem:v20+s20+$0x0], $0xffff  }
0x189: {  	v62 =	vor.u32 v8, v0;
	v0 =	vld [tilespmem:$0x1F610]  }
0x18a: {  	v54 =	vld.idx.msk [tilespmem:v20+s21+$0x0], $0xffff  }
0x18b: {  	v20 =	vld.idx.msk [tilespmem:v26+s19+$0x0], $0xffff  }
0x18c: {  	v53 =	vld.idx.msk [tilespmem:v26+s20+$0x0], $0xffff  }
0x18d: {  	v52 =	vld.idx.msk [tilespmem:v26+s21+$0x0], $0xffff  }
0x18e: {  	v58 =	vor.u32 v8, v0;
	v0 =	vld [tilespmem:$0x1F630]  }
0x18f: {  	v26 =	vld.idx.msk [tilespmem:v27+s19+$0x0], $0xffff  }
0x190: {  	v51 =	vld.idx.msk [tilespmem:v27+s20+$0x0], $0xffff  }
0x191: {  	v50 =	vld.idx.msk [tilespmem:v27+s21+$0x0], $0xffff  }
0x192: {  	v49 =	vld.idx.msk [tilespmem:v28+s19+$0x0], $0xffff  }
0x193: {  	v27 =	vor.u32 v8, v0;
	v0 =	vld [tilespmem:$0x1F650]  }
0x194: {  	v46 =	vld.idx.msk [tilespmem:v28+s20+$0x0], $0xffff  }
0x195: {  	v47 =	vld.idx.msk [tilespmem:v28+s21+$0x0], $0xffff  }
0x196: {  	v48 =	vld.idx.msk [tilespmem:v29+s19+$0x0], $0xffff  }
0x197: {  	v44 =	vld.idx.msk [tilespmem:v29+s20+$0x0], $0xffff  }
0x198: {  	v28 =	vor.u32 v8, v0;
	v0 =	vld [tilespmem:$0x1F670]  }
0x199: {  	v43 =	vld.idx.msk [tilespmem:v29+s21+$0x0], $0xffff  }
0x19a: {  	v37 =	vld.idx.msk [tilespmem:v58+s19+$0x0], $0xffff  }
0x19b: {  	v60 =	vld.idx.msk [tilespmem:v58+s20+$0x0], $0xffff  }
0x19c: {  	v29 =	vld.idx.msk [tilespmem:v58+s21+$0x0], $0xffff  }
0x19d: {  	v58 =	vor.u32 v8, v0;
	v0 =	vld.idx.msk [tilespmem:v27+s21+$0x0], $0xffff;
	_ =	sdelay $0x4  }
0x19e: {  	[tilespmem:$0x1F2F0] =	vst v0;
	v0 =	vld.idx.msk [tilespmem:v28+s20+$0x0], $0xffff;
	_ =	sdelay $0x4  }
0x19f: {  	[tilespmem:$0x1F300] =	vst v0;
	v0 =	vld [tilespmem:$0x1F690];
	_ =	sdelay $0x1  }
0x1a0: {  	v45 =	vld.idx.msk [tilespmem:v61+s19+$0x0], $0xffff  }
0x1a1: {  	v41 =	vld.idx.msk [tilespmem:v61+s20+$0x0], $0xffff  }
0x1a2: {  	v40 =	vld.idx.msk [tilespmem:v61+s21+$0x0], $0xffff  }
0x1a3: {  	v61 =	vor.u32 v8, v0;
	v0 =	vld.idx.msk [tilespmem:v28+s21+$0x0], $0xffff;
	_ =	sdelay $0x2  }
0x1a4: {  	v2 =	vld [tilespmem:$0x1F450];
	_ =	sdelay $0x1  }
0x1a5: {  	[tilespmem:$0x1F310] =	vst v0;
	v0 =	vld.idx.msk [tilespmem:v58+s20+$0x0], $0xffff;
	_ =	sdelay $0x1  }
0x1a6: {  	v1 =	vld.idx.msk [tilespmem:v61+s19+$0x0], $0xffff  }
0x1a7: {  	v2 =	vor.u32 v8, v2;
	_ =	sdelay $0x1  }
0x1a8: {  	[tilespmem:$0x1F320] =	vst v0;
	v0 =	vld [tilespmem:$0x1F6B0];
	_ =	sdelay $0x1  }
0x1a9: {  	[tilespmem:$0x1F330] =	vst v1;
	v1 =	vld.idx.msk [tilespmem:v61+s20+$0x0], $0xffff  }
0x1aa: {  	v63 =	vld.idx.msk [tilespmem:v2+s19+$0x0], $0xffff  }
0x1ab: {  	v11 =	vld.idx.msk [tilespmem:v2+s20+$0x0], $0xffff  }
0x1ac: {  	v7 =	vld.idx.msk [tilespmem:v2+s21+$0x0], $0xffff;
	v0 =	vor.u32 v8, v0  }
0x1ad: {  	v2 =	vld.idx.msk [tilespmem:v61+s21+$0x0], $0xffff  }
0x1ae: {  	[tilespmem:$0x1F340] =	vst v1;
	v1 =	vld [tilespmem:$0x1F6D0];
	_ =	sdelay $0x2  }
0x1af: {  	v61 =	vld.idx.msk [tilespmem:v0+s19+$0x0], $0xffff  }
0x1b0: {  	[tilespmem:$0x1F350] =	vst v2;
	v2 =	vld.idx.msk [tilespmem:v0+s20+$0x0], $0xffff  }
0x1b1: {  	v1 =	vor.u32 v8, v1;
	v0 =	vld.idx.msk [tilespmem:v0+s21+$0x0], $0xffff;
	_ =	sdelay $0x4  }
0x1b2: {  	[tilespmem:$0x1F380] =	vst v0;
	v0 =	vld.idx.msk [tilespmem:v1+s19+$0x0], $0xffff  }
0x1b3: {  	[tilespmem:$0x1F360] =	vst v2;
	v2 =	vld.idx.msk [tilespmem:v1+s20+$0x0], $0xffff  }
0x1b4: {  	v1 =	vld.idx.msk [tilespmem:v1+s21+$0x0], $0xffff;
	_ =	sdelay $0x4  }
0x1b5: {  	[tilespmem:$0x1F3B0] =	vst v1;
	v1 =	vld [tilespmem:$0x1F420];
	_ =	sdelay $0x5  }
0x1b6: {  	[tilespmem:$0x1F370] =	vst v0;
	v0 =	vld [tilespmem:$0x1F6F0];
	_ =	sdelay $0x1  }
0x1b7: {  	[tilespmem:$0x1F390] =	vst v2;
	v2 =	vld.idx.msk [tilespmem:v1+s17+$0x0], $0xffff  }
0x1b8: {  	v1 =	vld [tilespmem:$0x1F440];
	_ =	sdelay $0x1  }
0x1b9: {  	v0 =	vor.u32 v8, v0;
	_ =	sdelay $0x1  }
0x1ba: {  	v13 =	vld.idx.msk [tilespmem:v3+s19+$0x0], $0xffff  }
0x1bb: {  	v25 =	vld.idx.msk [tilespmem:v3+s20+$0x0], $0xffff  }
0x1bc: {  	v22 =	vld.idx.msk [tilespmem:v3+s21+$0x0], $0xffff  }
0x1bd: {  	v4 =	vld.idx.msk [tilespmem:v0+s20+$0x0], $0xffff  }
0x1be: {  	v3 =	vld.idx.msk [tilespmem:v1+s17+$0x0], $0xffff  }
0x1bf: {  	v1 =	vld.idx.msk [tilespmem:v0+s19+$0x0], $0xffff  }
0x1c0: {  	v0 =	vld.idx.msk [tilespmem:v0+s21+$0x0], $0xffff;
	_ =	sdelay $0x4  }
0x1c1: {  	[tilespmem:$0x1F3D0] =	vst v0;
	v0 =	vld [tilespmem:$0x1F460];
	_ =	sdelay $0x1  }
0x1c2: {  	[tilespmem:$0x1F3A0] =	vst v1;
	v1 =	vld [tilespmem:$0x1F710];
	_ =	sdelay $0x4  }
0x1c3: {  	v1 =	vor.u32 v8, v1  }
0x1c4: {  	[tilespmem:$0x1F3C0] =	vst v4;
	v4 =	vld.idx.msk [tilespmem:v0+s17+$0x0], $0xffff  }
0x1c5: {  	v0 =	vld [tilespmem:$0x1F480];
	_ =	sdelay $0x2  }
0x1c6: {  	v2 =	vadd.f32 v2, v12;
	v12 =	vld.idx.msk [tilespmem:v1+s19+$0x0], $0xffff  }
0x1c7: {  	v3 =	vadd.f32 v3, v17;
	v17 =	vld.idx.msk [tilespmem:v1+s20+$0x0], $0xffff  }
0x1c8: {  	v1 =	vld.idx.msk [tilespmem:v1+s21+$0x0], $0xffff;
	_ =	sdelay $0x1  }
0x1c9: {  	v42 =	vld.idx.msk [tilespmem:v62+s19+$0x0], $0xffff  }
0x1ca: {  	v14 =	vsub.f32 v2, v14;
	v5 =	vld.idx.msk [tilespmem:v0+s17+$0x0], $0xffff  }
0x1cb: {  	v2 =	vsub.f32 v2, v15;
	v15 =	vsub.f32 v3, v24;
	v0 =	vld [tilespmem:$0x1F730]  }
0x1cc: {  	[tilespmem:$0x1F3F0] =	vst v1;
	v1 =	vsub.f32 v3, v59;
	v3 =	vadd.f32 v4, v63;
	v4 =	vld [tilespmem:$0x1F4A0]  }
0x1cd: {  	v39 =	vld.idx.msk [tilespmem:v62+s20+$0x0], $0xffff  }
0x1ce: {  	v38 =	vld.idx.msk [tilespmem:v62+s21+$0x0], $0xffff;
	v2 =	vmul.f32 v2, v2;
	v1 =	vmul.f32 v1, v1  }
0x1cf: {  	v36 =	vld.idx.msk [tilespmem:v27+s19+$0x0], $0xffff  }
0x1d0: {  	v1 =	vadd.f32 v1, v2;
	v2 =	vld [tilespmem:$0x1F4C0];
	v0 =	vor.u32 v8, v0  }
0x1d1: {  	v62 =	vld.idx.msk [tilespmem:v27+s20+$0x0], $0xffff  }
0x1d2: {  	v27 =	vld.idx.msk [tilespmem:v28+s19+$0x0], $0xffff;
	v11 =	vsub.f32 v3, v11  }
0x1d3: {  	v63 =	vld [tilespmem:$0x1F750];
	v3 =	vsub.f32 v3, v7;
	v5 =	vadd.f32 v5, v9  }
0x1d4: {  	[tilespmem:$0x1F3E0] =	vst v17;
	v17 =	vmul.f32 v14, v14;
	v4 =	vld.idx.msk [tilespmem:v4+s17+$0x0], $0xffff  }
0x1d5: {  	v3 =	vmul.f32 v3, v3;
	v9 =	vsub.f32 v5, v21;
	v5 =	vsub.f32 v5, v16;
	v14 =	vld.idx.msk [tilespmem:v0+s19+$0x0], $0xffff  }
0x1d6: {  	v59 =	vld.idx.msk [tilespmem:v0+s20+$0x0], $0xffff  }
0x1d7: {  	v1 =	vadd.f32 v3, v1;
	v5 =	vmul.f32 v5, v5;
	v0 =	vld.idx.msk [tilespmem:v0+s21+$0x0], $0xffff  }
0x1d8: {  	v2 =	vld.idx.msk [tilespmem:v2+s17+$0x0], $0xffff  }
0x1d9: {  	v1 =	vadd.f32 v5, v1;
	v5 =	vld [tilespmem:$0x1F520];
	v4 =	vadd.f32 v4, v13  }
0x1da: {  	v28 =	vld.idx.msk [tilespmem:v58+s19+$0x0], $0xffff;
	v15 =	vmul.f32 v15, v15;
	v24 =	vor.u32 v8, v63  }
0x1db: {  	v21 =	vsub.f32 v4, v25;
	v25 =	vld [tilespmem:$0x1F500]  }
0x1dc: {  	[tilespmem:$0x1F400] =	vst v0;
	v0 =	vadd.f32 v15, v17;
	v15 =	vld [tilespmem:$0x1F4E0]  }
0x1dd: {  	v17 =	vld [tilespmem:$0x1F770]  }
0x1de: {  	v58 =	vld.idx.msk [tilespmem:v58+s21+$0x0], $0xffff;
	v2 =	vadd.f32 v2, v23  }
0x1df: {  	v63 =	vld.idx.msk [tilespmem:v24+s19+$0x0], $0xffff  }
0x1e0: {  	v16 =	vsub.f32 v2, v30;
	v2 =	vsub.f32 v2, v31;
	v31 =	vld [tilespmem:$0x1F580]  }
0x1e1: {  	v5 =	vld.idx.msk [tilespmem:v5+s17+$0x0], $0xffff  }
0x1e2: {  	v13 =	vor.u32 v8, v17;
	v17 =	vld.idx.msk [tilespmem:v24+s20+$0x0], $0xffff  }
0x1e3: {  	v3 =	vmul.f32 v9, v9;
	v9 =	vld.idx.msk [tilespmem:v25+s17+$0x0], $0xffff  }
0x1e4: {  	v25 =	vld [tilespmem:$0x1F540]  }
0x1e5: {  	v7 =	vmul.f32 v11, v11;
	v11 =	vld.idx.msk [tilespmem:v15+s17+$0x0], $0xffff  }
0x1e6: {  	v15 =	vld.idx.msk [tilespmem:v24+s21+$0x0], $0xffff  }
0x1e7: {  	v4 =	vsub.f32 v4, v22;
	v0 =	vadd.f32 v7, v0;
	v24 =	vld.idx.msk [tilespmem:v13+s19+$0x0], $0xffff  }
0x1e8: {  	v22 =	vld.idx.msk [tilespmem:v13+s20+$0x0], $0xffff  }
0x1e9: {  	v4 =	vmul.f32 v4, v4;
	v0 =	vadd.f32 v3, v0;
	v23 =	vld.idx.msk [tilespmem:v13+s21+$0x0], $0xffff  }
0x1ea: {  	v3 =	vmul.f32 v21, v21;
	v21 =	vadd.f32 v9, v10;
	v10 =	vld.idx.msk [tilespmem:v31+s17+$0x0], $0xffff;
	v6 =	vadd.f32 v11, v6  }
0x1eb: {  	v1 =	vadd.f32 v4, v1;
	v31 =	vld [tilespmem:$0x1F680]  }
0x1ec: {  	v0 =	vadd.f32 v3, v0;
	v3 =	vmul.f32 v16, v16;
	v4 =	vsub.f32 v6, v32;
	v9 =	vld.idx.msk [tilespmem:v25+s17+$0x0], $0xffff  }
0x1ed: {  	v2 =	vmul.f32 v2, v2;
	v6 =	vsub.f32 v6, v57;
	v32 =	vld [tilespmem:$0x1F5C0]  }
0x1ee: {  	v0 =	vadd.f32 v3, v0;
	v30 =	vsub.f32 v21, v33;
	v57 =	vld [tilespmem:$0x1F620];
	v3 =	vmul.f32 v4, v4  }
0x1ef: {  	v1 =	vadd.f32 v2, v1;
	v4 =	vld [tilespmem:$0x1F560];
	v2 =	vmul.f32 v6, v6  }
0x1f0: {  	v6 =	vmul.f32 v30, v30;
	v30 =	vld [tilespmem:$0x1F660];
	v0 =	vadd.f32 v3, v0;
	v3 =	vadd.f32 v5, v18  }
0x1f1: {  	v5 =	vld [tilespmem:$0x1F5A0];
	v1 =	vadd.f32 v2, v1  }
0x1f2: {  	v9 =	vadd.f32 v9, v19;
	v33 =	vsub.f32 v3, v34;
	v34 =	vld [tilespmem:$0x1F5E0]  }
0x1f3: {  	v2 =	vsub.f32 v21, v56;
	v3 =	vsub.f32 v3, v55;
	v55 =	vld [tilespmem:$0x1F600]  }
0x1f4: {  	v56 =	vsub.f32 v9, v35;
	v35 =	vld [tilespmem:$0x1F6E0]  }
0x1f5: {  	v2 =	vmul.f32 v2, v2;
	v7 =	vld.idx.msk [tilespmem:v32+s17+$0x0], $0xffff  }
0x1f6: {  	v11 =	vmul.f32 v33, v33;
	v18 =	vld.idx.msk [tilespmem:v57+s17+$0x0], $0xffff  }
0x1f7: {  	v1 =	vadd.f32 v2, v1;
	v2 =	vsub.f32 v9, v54;
	v3 =	vmul.f32 v3, v3;
	v33 =	vld [tilespmem:$0x1F6A0]  }
0x1f8: {  	v4 =	vld.idx.msk [tilespmem:v4+s17+$0x0], $0xffff  }
0x1f9: {  	v19 =	vld.idx.msk [tilespmem:v30+s17+$0x0], $0xffff;
	v1 =	vadd.f32 v3, v1;
	v2 =	vmul.f32 v2, v2  }
0x1fa: {  	v3 =	vadd.f32 v10, v26;
	v10 =	vld.idx.msk [tilespmem:v31+s17+$0x0], $0xffff  }
0x1fb: {  	v5 =	vld.idx.msk [tilespmem:v5+s17+$0x0], $0xffff;
	v1 =	vadd.f32 v2, v1  }
0x1fc: {  	v2 =	vsub.f32 v3, v51;
	v3 =	vsub.f32 v3, v50;
	v50 =	vld [tilespmem:$0x1F700]  }
0x1fd: {  	v51 =	vld [tilespmem:$0x1F790]  }
0x1fe: {  	v13 =	vld.idx.msk [tilespmem:v34+s17+$0x0], $0xffff  }
0x1ff: {  	v0 =	vadd.f32 v6, v0;
	v6 =	vld.idx.msk [tilespmem:v55+s17+$0x0], $0xffff  }
0x200: {  	v34 =	vld [tilespmem:$0x1F6C0]  }
0x201: {  	v4 =	vadd.f32 v4, v20;
	v20 =	vld [tilespmem:$0x1F640]  }
0x202: {  	v0 =	vadd.f32 v11, v0;
	v11 =	vld.idx.msk [tilespmem:v35+s17+$0x0], $0xffff  }
0x203: {  	v10 =	vadd.f32 v10, v28;
	v28 =	vld [tilespmem:$0x1F310]  }
0x204: {  	v16 =	vld.idx.msk [tilespmem:v33+s17+$0x0], $0xffff  }
0x205: {  	v25 =	vsub.f32 v4, v53;
	v4 =	vsub.f32 v4, v52;
	v52 =	vld [tilespmem:$0x1F760]  }
0x206: {  	v53 =	vld [tilespmem:$0x1F7B0]  }
0x207: {  	v6 =	vadd.f32 v6, v42;
	v42 =	vld [tilespmem:$0x1F7C0]  }
0x208: {  	v21 =	vmul.f32 v56, v56;
	v4 =	vmul.f32 v4, v4;
	v13 =	vadd.f32 v13, v45;
	v45 =	vld [tilespmem:$0x1F7F0]  }
0x209: {  	v26 =	vld.idx.msk [tilespmem:v50+s17+$0x0], $0xffff  }
0x20a: {  	v0 =	vadd.f32 v21, v0;
	v32 =	vmul.f32 v25, v25;
	v1 =	vadd.f32 v4, v1;
	v4 =	vld [tilespmem:$0x1F720]  }
0x20b: {  	v50 =	vld [tilespmem:$0x1F7E0]  }
0x20c: {  	v2 =	vmul.f32 v2, v2;
	v0 =	vadd.f32 v32, v0;
	v21 =	vld.idx.msk [tilespmem:v34+s17+$0x0], $0xffff  }
0x20d: {  	v5 =	vadd.f32 v5, v49;
	v9 =	vld.idx.msk [tilespmem:v20+s17+$0x0], $0xffff  }
0x20e: {  	v20 =	vor.u32 v8, v51;
	v0 =	vadd.f32 v2, v0;
	v51 =	vld [tilespmem:$0x1F810]  }
0x20f: {  	v2 =	vmul.f32 v3, v3;
	v3 =	vsub.f32 v5, v46;
	v25 =	vor.u32 v8, v45;
	v45 =	vld [tilespmem:$0x1F820]  }
0x210: {  	v46 =	vld.idx.msk [tilespmem:v52+s17+$0x0], $0xffff  }
0x211: {  	v1 =	vadd.f32 v2, v1;
	v2 =	vmul.f32 v3, v3;
	v3 =	vld [tilespmem:$0x1F780]  }
0x212: {  	v30 =	vld.idx.msk [tilespmem:v4+s17+$0x0], $0xffff  }
0x213: {  	v4 =	vld [tilespmem:$0x1F740]  }
0x214: {  	v33 =	vsub.f32 v6, v39;
	v34 =	vsub.f32 v6, v38;
	v6 =	vld.idx.msk [tilespmem:v42+s17+$0x0], $0xffff  }
0x215: {  	v42 =	vld [tilespmem:$0x1F330];
	v52 =	vor.u32 v8, v51  }
0x216: {  	v21 =	vadd.f32 v21, v61;
	v61 =	vld [tilespmem:$0x1F390]  }
0x217: {  	v55 =	vsub.f32 v13, v41;
	v41 =	vld.idx.msk [tilespmem:v20+s21+$0x0], $0xffff  }
0x218: {  	v31 =	vld.idx.msk [tilespmem:v25+s20+$0x0], $0xffff  }
0x219: {  	v18 =	vadd.f32 v18, v37;
	v3 =	vld.idx.msk [tilespmem:v3+s17+$0x0], $0xffff  }
0x21a: {  	v19 =	vadd.f32 v19, v27;
	v9 =	vadd.f32 v9, v36;
	v27 =	vld.idx.msk [tilespmem:v52+s20+$0x0], $0xffff  }
0x21b: {  	v49 =	vld.idx.msk [tilespmem:v4+s17+$0x0], $0xffff;
	v4 =	vsub.f32 v5, v47;
	v5 =	vadd.f32 v7, v48  }
0x21c: {  	v48 =	vsub.f32 v18, v60;
	v18 =	vsub.f32 v18, v29;
	v29 =	vld.idx.msk [tilespmem:v25+s21+$0x0], $0xffff  }
0x21d: {  	v60 =	vld [tilespmem:$0x1F830]  }
0x21e: {  	v7 =	vor.u32 v8, v53;
	v53 =	vsub.f32 v9, v62;
	v54 =	vsub.f32 v5, v44;
	v44 =	vld.idx.msk [tilespmem:v20+s19+$0x0], $0xffff  }
0x21f: {  	v32 =	vmul.f32 v55, v55;
	v0 =	vadd.f32 v2, v0;
	v2 =	vsub.f32 v5, v43;
	v43 =	vld.idx.msk [tilespmem:v20+s20+$0x0], $0xffff  }
0x220: {  	v4 =	vmul.f32 v4, v4;
	v55 =	vmul.f32 v53, v53;
	v53 =	vld [tilespmem:$0x1F840]  }
0x221: {  	v5 =	vmul.f32 v54, v54;
	v54 =	vld [tilespmem:$0x1F2F0]  }
0x222: {  	v1 =	vadd.f32 v4, v1;
	v56 =	vmul.f32 v2, v2;
	v2 =	vld [tilespmem:$0x1F7A0]  }
0x223: {  	v38 =	vld.idx.msk [tilespmem:v7+s21+$0x0], $0xffff;
	v62 =	vor.u32 v8, v60;
	v0 =	vadd.f32 v5, v0  }
0x224: {  	v5 =	vsub.f32 v13, v40;
	v20 =	vadd.f32 v56, v1;
	v1 =	vld.idx.msk [tilespmem:v7+s20+$0x0], $0xffff  }
0x225: {  	v35 =	vmul.f32 v33, v33;
	v56 =	vld [tilespmem:$0x1F300];
	v0 =	vadd.f32 v32, v0  }
0x226: {  	v5 =	vmul.f32 v5, v5;
	v9 =	vsub.f32 v9, v54;
	v54 =	vld [tilespmem:$0x1F870]  }
0x227: {  	v0 =	vadd.f32 v35, v0;
	v35 =	vld.idx.msk [tilespmem:v50+s17+$0x0], $0xffff  }
0x228: {  	v5 =	vadd.f32 v5, v20;
	v20 =	vld.idx.msk [tilespmem:v62+s20+$0x0], $0xffff  }
0x229: {  	v47 =	vmul.f32 v34, v34;
	v33 =	vld.idx.msk [tilespmem:v53+s17+$0x0], $0xffff  }
0x22a: {  	v13 =	vmul.f32 v48, v48;
	v4 =	vld.idx.msk [tilespmem:v2+s17+$0x0], $0xffff  }
0x22b: {  	v2 =	vld [tilespmem:$0x1F7D0];
	v5 =	vadd.f32 v47, v5  }
0x22c: {  	v18 =	vmul.f32 v18, v18;
	v0 =	vadd.f32 v13, v0;
	v13 =	vsub.f32 v19, v28;
	v28 =	vld.idx.msk [tilespmem:v52+s19+$0x0], $0xffff  }
0x22d: {  	v47 =	vld [tilespmem:$0x1F850]  }
0x22e: {  	v9 =	vmul.f32 v9, v9;
	v5 =	vadd.f32 v18, v5;
	v18 =	vsub.f32 v19, v56;
	v19 =	vld.idx.msk [tilespmem:v45+s17+$0x0], $0xffff  }
0x22f: {  	v0 =	vadd.f32 v55, v0;
	v55 =	vld [tilespmem:$0x1F360]  }
0x230: {  	v9 =	vadd.f32 v9, v5;
	v5 =	vld [tilespmem:$0x1F320]  }
0x231: {  	v57 =	vor.u32 v8, v2;
	v2 =	vld.idx.msk [tilespmem:v7+s19+$0x0], $0xffff  }
0x232: {  	v7 =	vld.idx.msk [tilespmem:v25+s19+$0x0], $0xffff  }
0x233: {  	v25 =	vld.idx.msk [tilespmem:v62+s19+$0x0], $0xffff  }
0x234: {  	v56 =	vsub.f32 v21, v55;
	v55 =	vld [tilespmem:$0x1F3D0]  }
0x235: {  	v36 =	vsub.f32 v10, v5;
	v5 =	vld.idx.msk [tilespmem:v52+s21+$0x0], $0xffff  }
0x236: {  	v60 =	vmul.f32 v56, v56;
	v56 =	vld [tilespmem:$0x1F880]  }
0x237: {  	v48 =	vor.u32 v8, v47;
	v39 =	vld.idx.msk [tilespmem:v57+s19+$0x0], $0xffff  }
0x238: {  	v37 =	vld.idx.msk [tilespmem:v57+s20+$0x0], $0xffff  }
0x239: {  	v34 =	vld.idx.msk [tilespmem:v57+s21+$0x0], $0xffff  }
0x23a: {  	v18 =	vmul.f32 v18, v18;
	v57 =	vld [tilespmem:$0x1F800]  }
0x23b: {  	v10 =	vsub.f32 v10, v58;
	v58 =	vld [tilespmem:$0x1F380]  }
0x23c: {  	v0 =	vadd.f32 v18, v0;
	v45 =	vld.idx.msk [tilespmem:v48+s19+$0x0], $0xffff;
	v40 =	vmul.f32 v36, v36  }
0x23d: {  	v18 =	vld.idx.msk [tilespmem:v48+s20+$0x0], $0xffff  }
0x23e: {  	v50 =	vadd.f32 v40, v0;
	v0 =	vld [tilespmem:$0x1F340]  }
0x23f: {  	v40 =	vor.u32 v8, v54;
	v54 =	vld [tilespmem:$0x1F3C0]  }
0x240: {  	v12 =	vadd.f32 v30, v12;
	v30 =	vld.idx.msk [tilespmem:v56+s17+$0x0], $0xffff  }
0x241: {  	v16 =	vadd.f32 v16, v42;
	v56 =	vld [tilespmem:$0x1F8D0]  }
0x242: {  	v32 =	vld.idx.msk [tilespmem:v57+s17+$0x0], $0xffff  }
0x243: {  	v13 =	vmul.f32 v13, v13;
	v51 =	vsub.f32 v16, v0;
	v0 =	vld [tilespmem:$0x1F350]  }
0x244: {  	v57 =	vld [tilespmem:$0x1F370]  }
0x245: {  	v9 =	vadd.f32 v13, v9;
	v10 =	vmul.f32 v10, v10;
	v42 =	vld.idx.msk [tilespmem:v40+s19+$0x0], $0xffff;
	v52 =	vmul.f32 v51, v51  }
0x246: {  	v51 =	vld [tilespmem:$0x1F890]  }
0x247: {  	v9 =	vadd.f32 v10, v9;
	v10 =	vadd.f32 v52, v50;
	v50 =	vld [tilespmem:$0x1F860]  }
0x248: {  	v52 =	vld [tilespmem:$0x1F3B0]  }
0x249: {  	v46 =	vadd.f32 v46, v63;
	v16 =	vsub.f32 v16, v0;
	v0 =	vld.idx.msk [tilespmem:v62+s21+$0x0], $0xffff  }
0x24a: {  	v14 =	vadd.f32 v49, v14;
	v49 =	vor.u32 v8, v56;
	v11 =	vadd.f32 v11, v57;
	v57 =	vld [tilespmem:$0x1F8B0]  }
0x24b: {  	v10 =	vadd.f32 v60, v10;
	v60 =	vld [tilespmem:$0x1F3E0];
	v16 =	vmul.f32 v16, v16  }
0x24c: {  	v17 =	vsub.f32 v46, v17;
	v62 =	vsub.f32 v11, v61;
	v61 =	vld [tilespmem:$0x1F3F0]  }
0x24d: {  	v13 =	vsub.f32 v21, v58;
	v47 =	vor.u32 v8, v51;
	v9 =	vadd.f32 v16, v9;
	v16 =	vld.idx.msk [tilespmem:v48+s21+$0x0], $0xffff  }
0x24e: {  	v48 =	vld [tilespmem:$0x1F3A0];
	v53 =	vmul.f32 v62, v62  }
0x24f: {  	v63 =	vmul.f32 v17, v17;
	v13 =	vmul.f32 v13, v13;
	v11 =	vsub.f32 v11, v52;
	v17 =	vld.idx.msk [tilespmem:v49+s19+$0x0], $0xffff  }
0x250: {  	v10 =	vadd.f32 v53, v10;
	v53 =	vld [tilespmem:$0x1F8E0]  }
0x251: {  	v9 =	vadd.f32 v13, v9;
	v11 =	vmul.f32 v11, v11;
	v36 =	vld.idx.msk [tilespmem:v50+s17+$0x0], $0xffff  }
0x252: {  	v50 =	vld.idx.msk [tilespmem:v47+s20+$0x0], $0xffff  }
0x253: {  	v9 =	vadd.f32 v11, v9;
	v11 =	vld.idx.msk [tilespmem:v47+s19+$0x0], $0xffff  }
0x254: {  	v47 =	vld.idx.msk [tilespmem:v47+s21+$0x0], $0xffff;
	v26 =	vadd.f32 v26, v48  }
0x255: {  	v48 =	vld.idx.msk [tilespmem:v40+s20+$0x0], $0xffff  }
0x256: {  	v13 =	vsub.f32 v26, v54;
	v21 =	vsub.f32 v26, v55;
	v26 =	vld.idx.msk [tilespmem:v40+s21+$0x0], $0xffff  }
0x257: {  	v55 =	vld [tilespmem:$0x1F8A0]  }
0x258: {  	v40 =	vor.u32 v8, v57;
	v54 =	vld [tilespmem:$0x1F910]  }
0x259: {  	v57 =	vsub.f32 v14, v59;
	v58 =	vmul.f32 v21, v21;
	v21 =	vsub.f32 v12, v60;
	v60 =	vld [tilespmem:$0x1F8C0]  }
0x25a: {  	v13 =	vmul.f32 v13, v13;
	v12 =	vsub.f32 v12, v61;
	v61 =	vld [tilespmem:$0x1F8F0]  }
0x25b: {  	v59 =	vmul.f32 v57, v57;
	v57 =	vld [tilespmem:$0x1F900]  }
0x25c: {  	v10 =	vadd.f32 v13, v10;
	v9 =	vadd.f32 v58, v9;
	v62 =	vmul.f32 v21, v21;
	v58 =	vld [tilespmem:$0x1F400]  }
0x25d: {  	v3 =	vadd.f32 v3, v24;
	v52 =	vld.idx.msk [tilespmem:v40+s19+$0x0], $0xffff  }
0x25e: {  	v4 =	vadd.f32 v4, v44;
	v44 =	vor.u32 v8, v54;
	v54 =	vld [tilespmem:$0x1F9B0];
	v10 =	vadd.f32 v62, v10  }
0x25f: {  	v62 =	vsub.f32 v46, v15;
	v46 =	vsub.f32 v3, v22;
	v22 =	vld.idx.msk [tilespmem:v49+s20+$0x0], $0xffff  }
0x260: {  	v15 =	vld.idx.msk [tilespmem:v49+s21+$0x0], $0xffff  }
0x261: {  	v3 =	vsub.f32 v3, v23;
	v23 =	vld.idx.msk [tilespmem:v53+s17+$0x0], $0xffff  }
0x262: {  	v53 =	vld [tilespmem:$0x1F980]  }
0x263: {  	v49 =	vadd.f32 v36, v45;
	v45 =	vld [tilespmem:$0x1FA00]  }
0x264: {  	v12 =	vmul.f32 v12, v12;
	v21 =	vld.idx.msk [tilespmem:v55+s17+$0x0], $0xffff  }
0x265: {  	v10 =	vadd.f32 v59, v10;
	v59 =	vld [tilespmem:$0x1F920]  }
0x266: {  	v9 =	vadd.f32 v12, v9;
	v12 =	vmul.f32 v62, v62;
	v62 =	vld [tilespmem:$0x1F940]  }
0x267: {  	v13 =	vsub.f32 v14, v58;
	v14 =	vld.idx.msk [tilespmem:v40+s20+$0x0], $0xffff  }
0x268: {  	v40 =	vld.idx.msk [tilespmem:v40+s21+$0x0], $0xffff  }
0x269: {  	v51 =	vor.u32 v8, v61;
	v58 =	vld [tilespmem:$0x1F930]  }
0x26a: {  	v24 =	vld.idx.msk [tilespmem:v60+s17+$0x0], $0xffff  }
0x26b: {  	v35 =	vadd.f32 v35, v39;
	v39 =	vld.idx.msk [tilespmem:v44+s19+$0x0], $0xffff  }
0x26c: {  	v60 =	vld [tilespmem:$0x1F950]  }
0x26d: {  	v10 =	vadd.f32 v63, v10;
	v63 =	vld [tilespmem:$0x1F970]  }
0x26e: {  	v55 =	vsub.f32 v4, v43;
	v13 =	vmul.f32 v13, v13;
	v43 =	vld.idx.msk [tilespmem:v51+s20+$0x0], $0xffff  }
0x26f: {  	v2 =	vadd.f32 v6, v2;
	v6 =	vld.idx.msk [tilespmem:v51+s21+$0x0], $0xffff  }
0x270: {  	v9 =	vadd.f32 v13, v9;
	v13 =	vmul.f32 v46, v46;
	v46 =	vld [tilespmem:$0x1F990]  }
0x271: {  	v4 =	vsub.f32 v4, v41;
	v41 =	vor.u32 v8, v58;
	v58 =	vld [tilespmem:$0x1F9D0]  }
0x272: {  	v9 =	vadd.f32 v12, v9;
	v12 =	vld.idx.msk [tilespmem:v51+s19+$0x0], $0xffff  }
0x273: {  	v10 =	vadd.f32 v13, v10;
	v13 =	vld.idx.msk [tilespmem:v57+s17+$0x0], $0xffff  }
0x274: {  	v57 =	vld [tilespmem:$0x1F9A0]  }
0x275: {  	v1 =	vsub.f32 v2, v1;
	v2 =	vsub.f32 v2, v38;
	v38 =	vor.u32 v8, v60;
	v60 =	vld [tilespmem:$0x1F9C0]  }
0x276: {  	v51 =	vadd.f32 v30, v42;
	v30 =	vor.u32 v8, v54;
	v54 =	vld [tilespmem:$0x1FA40]  }
0x277: {  	v7 =	vadd.f32 v32, v7;
	v3 =	vmul.f32 v3, v3;
	v11 =	vadd.f32 v21, v11;
	v32 =	vld.idx.msk [tilespmem:v59+s17+$0x0], $0xffff  }
0x278: {  	v19 =	vadd.f32 v19, v28;
	v56 =	vmul.f32 v55, v55;
	v28 =	vld.idx.msk [tilespmem:v62+s17+$0x0], $0xffff  }
0x279: {  	v4 =	vmul.f32 v4, v4;
	v59 =	vsub.f32 v11, v50;
	v50 =	vld [tilespmem:$0x1FA20];
	v3 =	vadd.f32 v3, v9  }
0x27a: {  	v9 =	vadd.f32 v56, v10;
	v10 =	vld.idx.msk [tilespmem:v44+s20+$0x0], $0xffff  }
0x27b: {  	v1 =	vmul.f32 v1, v1;
	v3 =	vadd.f32 v4, v3;
	v4 =	vsub.f32 v35, v37;
	v37 =	vld.idx.msk [tilespmem:v44+s21+$0x0], $0xffff  }
0x27c: {  	v61 =	vsub.f32 v35, v34;
	v34 =	vld.idx.msk [tilespmem:v41+s19+$0x0], $0xffff  }
0x27d: {  	v1 =	vadd.f32 v1, v9;
	v9 =	vld.idx.msk [tilespmem:v41+s21+$0x0], $0xffff  }
0x27e: {  	v2 =	vmul.f32 v2, v2;
	v44 =	vld [tilespmem:$0x1F960]  }
0x27f: {  	v56 =	vsub.f32 v51, v26;
	v35 =	vsub.f32 v19, v27;
	v27 =	vld.idx.msk [tilespmem:v38+s20+$0x0], $0xffff  }
0x280: {  	v26 =	vor.u32 v8, v58;
	v2 =	vadd.f32 v2, v3;
	v3 =	vsub.f32 v7, v31;
	v31 =	vld.idx.msk [tilespmem:v41+s20+$0x0], $0xffff  }
0x281: {  	v41 =	vadd.f32 v33, v25;
	v25 =	vld.idx.msk [tilespmem:v38+s21+$0x0], $0xffff  }
0x282: {  	v4 =	vmul.f32 v4, v4;
	v33 =	vor.u32 v8, v46;
	v46 =	vld [tilespmem:$0x1FA30]  }
0x283: {  	v7 =	vsub.f32 v7, v29;
	v29 =	vor.u32 v8, v63;
	v21 =	vld.idx.msk [tilespmem:v57+s17+$0x0], $0xffff  }
0x284: {  	v17 =	vadd.f32 v23, v17;
	v1 =	vadd.f32 v4, v1;
	v4 =	vmul.f32 v61, v61;
	v61 =	vld [tilespmem:$0x1F9F0]  }
0x285: {  	v23 =	vld.idx.msk [tilespmem:v26+s19+$0x0], $0xffff  }
0x286: {  	v63 =	vsub.f32 v17, v22;
	v22 =	vld.idx.msk [tilespmem:v26+s21+$0x0], $0xffff  }
0x287: {  	v2 =	vadd.f32 v4, v2;
	v4 =	vld.idx.msk [tilespmem:v38+s19+$0x0], $0xffff  }
0x288: {  	v18 =	vsub.f32 v49, v18;
	v3 =	vmul.f32 v3, v3;
	v36 =	vld.idx.msk [tilespmem:v29+s19+$0x0], $0xffff  }
0x289: {  	v5 =	vsub.f32 v19, v5;
	v19 =	vld.idx.msk [tilespmem:v29+s21+$0x0], $0xffff  }
0x28a: {  	v55 =	vmul.f32 v18, v18;
	v1 =	vadd.f32 v3, v1;
	v3 =	vmul.f32 v7, v7;
	v18 =	vld.idx.msk [tilespmem:v33+s19+$0x0], $0xffff  }
0x28b: {  	v7 =	vld.idx.msk [tilespmem:v44+s17+$0x0], $0xffff  }
0x28c: {  	v2 =	vadd.f32 v3, v2;
	v3 =	vmul.f32 v35, v35;
	v35 =	vld.idx.msk [tilespmem:v33+s20+$0x0], $0xffff  }
0x28d: {  	v20 =	vsub.f32 v41, v20;
	v44 =	vadd.f32 v32, v39;
	v32 =	vld.idx.msk [tilespmem:v45+s17+$0x0], $0xffff  }
0x28e: {  	v5 =	vmul.f32 v5, v5;
	v28 =	vadd.f32 v28, v34;
	v1 =	vadd.f32 v3, v1;
	v3 =	vld.idx.msk [tilespmem:v29+s20+$0x0], $0xffff  }
0x28f: {  	v0 =	vsub.f32 v41, v0;
	v29 =	vld.idx.msk [tilespmem:v53+s17+$0x0], $0xffff  }
0x290: {  	v31 =	vsub.f32 v28, v31;
	v2 =	vadd.f32 v5, v2;
	v5 =	vmul.f32 v20, v20;
	v20 =	vld.idx.msk [tilespmem:v33+s21+$0x0], $0xffff  }
0x291: {  	v38 =	vor.u32 v8, v61;
	v33 =	vld.idx.msk [tilespmem:v30+s20+$0x0], $0xffff  }
0x292: {  	v0 =	vmul.f32 v0, v0;
	v53 =	vmul.f32 v31, v31;
	v31 =	vld.idx.msk [tilespmem:v54+s17+$0x0], $0xffff  }
0x293: {  	v1 =	vadd.f32 v5, v1;
	v5 =	vsub.f32 v49, v16;
	v16 =	vld.idx.msk [tilespmem:v60+s17+$0x0], $0xffff  }
0x294: {  	v0 =	vadd.f32 v0, v2;
	v2 =	vsub.f32 v51, v48;
	v51 =	vld [tilespmem:$0x1FA50]  }
0x295: {  	v60 =	vld [tilespmem:$0x1FA90]  }
0x296: {  	v42 =	vld.idx.msk [tilespmem:v38+s19+$0x0], $0xffff  }
0x297: {  	v41 =	vsub.f32 v17, v15;
	v18 =	vadd.f32 v21, v18;
	v17 =	vld.idx.msk [tilespmem:v38+s20+$0x0], $0xffff  }
0x298: {  	v1 =	vadd.f32 v55, v1;
	v5 =	vmul.f32 v5, v5;
	v2 =	vmul.f32 v2, v2;
	v55 =	vld [tilespmem:$0x1FA70]  }
0x299: {  	v61 =	vsub.f32 v18, v35;
	v35 =	vld [tilespmem:$0x1FB90]  }
0x29a: {  	v0 =	vadd.f32 v5, v0;
	v5 =	vld.idx.msk [tilespmem:v30+s19+$0x0], $0xffff;
	v1 =	vadd.f32 v2, v1;
	v2 =	vmul.f32 v56, v56  }
0x29b: {  	v24 =	vadd.f32 v24, v52;
	v30 =	vld.idx.msk [tilespmem:v30+s21+$0x0], $0xffff  }
0x29c: {  	v34 =	vor.u32 v8, v51;
	v51 =	vld [tilespmem:$0x1FAE0];
	v0 =	vadd.f32 v2, v0;
	v2 =	vmul.f32 v59, v59  }
0x29d: {  	v11 =	vsub.f32 v11, v47;
	v14 =	vsub.f32 v24, v14;
	v59 =	vld [tilespmem:$0x1FA60]  }
0x29e: {  	v1 =	vadd.f32 v2, v1;
	v2 =	vsub.f32 v24, v40;
	v24 =	vld.idx.msk [tilespmem:v26+s20+$0x0], $0xffff  }
0x29f: {  	v11 =	vmul.f32 v11, v11;
	v26 =	vld [tilespmem:$0x1F9E0]  }
0x2a0: {  	v29 =	vadd.f32 v29, v36;
	v36 =	vor.u32 v8, v55;
	v40 =	vld [tilespmem:$0x1FA10]  }
0x2a1: {  	v12 =	vadd.f32 v13, v12;
	v0 =	vadd.f32 v11, v0;
	v11 =	vmul.f32 v41, v41;
	v41 =	vld [tilespmem:$0x1FAD0]  }
0x2a2: {  	v2 =	vmul.f32 v2, v2;
	v57 =	vld.idx.msk [tilespmem:v34+s19+$0x0], $0xffff  }
0x2a3: {  	v62 =	vmul.f32 v14, v14;
	v6 =	vsub.f32 v12, v6;
	v58 =	vsub.f32 v29, v19;
	v19 =	vld.idx.msk [tilespmem:v34+s21+$0x0], $0xffff  }
0x2a4: {  	v0 =	vadd.f32 v2, v0;
	v2 =	vsub.f32 v12, v43;
	v12 =	vld.idx.msk [tilespmem:v38+s21+$0x0], $0xffff  }
0x2a5: {  	v14 =	vmul.f32 v63, v63;
	v1 =	vadd.f32 v62, v1;
	v62 =	vld.idx.msk [tilespmem:v36+s20+$0x0], $0xffff  }
0x2a6: {  	v63 =	vld.idx.msk [tilespmem:v36+s21+$0x0], $0xffff  }
0x2a7: {  	v1 =	vadd.f32 v14, v1;
	v14 =	vsub.f32 v44, v37;
	v37 =	vld [tilespmem:$0x1FAB0]  }
0x2a8: {  	v38 =	vor.u32 v8, v46;
	v46 =	vld [tilespmem:$0x1FAC0]  }
0x2a9: {  	v15 =	vadd.f32 v32, v42;
	v32 =	vor.u32 v8, v41;
	v41 =	vld [tilespmem:$0x1FBB0]  }
0x2aa: {  	v4 =	vadd.f32 v7, v4;
	v2 =	vmul.f32 v2, v2;
	v21 =	vld.idx.msk [tilespmem:v59+s17+$0x0], $0xffff  }
0x2ab: {  	v13 =	vld.idx.msk [tilespmem:v26+s17+$0x0], $0xffff  }
0x2ac: {  	v27 =	vsub.f32 v4, v27;
	v1 =	vadd.f32 v2, v1;
	v2 =	vmul.f32 v6, v6;
	v6 =	vld.idx.msk [tilespmem:v50+s17+$0x0], $0xffff  }
0x2ad: {  	v48 =	vsub.f32 v44, v10;
	v0 =	vadd.f32 v11, v0;
	v26 =	vor.u32 v8, v40;
	v40 =	vld [tilespmem:$0x1FAA0]  }
0x2ae: {  	v56 =	vmul.f32 v27, v27;
	v52 =	vld.idx.msk [tilespmem:v38+s19+$0x0], $0xffff  }
0x2af: {  	v27 =	vor.u32 v8, v60;
	v0 =	vadd.f32 v2, v0;
	v2 =	vmul.f32 v48, v48;
	v48 =	vld.idx.msk [tilespmem:v32+s19+$0x0], $0xffff  }
0x2b0: {  	v50 =	vld.idx.msk [tilespmem:v32+s21+$0x0], $0xffff  }
0x2b1: {  	v21 =	vadd.f32 v21, v57;
	v57 =	vld [tilespmem:$0x1FB00]  }
0x2b2: {  	v1 =	vadd.f32 v2, v1;
	v2 =	vsub.f32 v28, v9;
	v9 =	vld.idx.msk [tilespmem:v38+s20+$0x0], $0xffff  }
0x2b3: {  	v28 =	vld.idx.msk [tilespmem:v38+s21+$0x0], $0xffff  }
0x2b4: {  	v18 =	vsub.f32 v18, v20;
	v20 =	vor.u32 v8, v37;
	v38 =	vld.idx.msk [tilespmem:v27+s19+$0x0], $0xffff  }
0x2b5: {  	v11 =	vld.idx.msk [tilespmem:v46+s17+$0x0], $0xffff  }
0x2b6: {  	v47 =	vld.idx.msk [tilespmem:v26+s19+$0x0], $0xffff  }
0x2b7: {  	v49 =	vld.idx.msk [tilespmem:v26+s20+$0x0], $0xffff  }
0x2b8: {  	v14 =	vmul.f32 v14, v14;
	v26 =	vld.idx.msk [tilespmem:v26+s21+$0x0], $0xffff  }
0x2b9: {  	v43 =	vld.idx.msk [tilespmem:v20+s19+$0x0], $0xffff  }
0x2ba: {  	v4 =	vsub.f32 v4, v25;
	v0 =	vadd.f32 v14, v0;
	v2 =	vmul.f32 v2, v2;
	v44 =	vld.idx.msk [tilespmem:v20+s20+$0x0], $0xffff  }
0x2bb: {  	v1 =	vadd.f32 v53, v1;
	v45 =	vld.idx.msk [tilespmem:v20+s21+$0x0], $0xffff;
	v7 =	vadd.f32 v31, v52  }
0x2bc: {  	v52 =	vld [tilespmem:$0x1FB10];
	v0 =	vadd.f32 v2, v0;
	v2 =	vsub.f32 v29, v3  }
0x2bd: {  	v4 =	vmul.f32 v4, v4;
	v3 =	vld.idx.msk [tilespmem:v34+s20+$0x0], $0xffff  }
0x2be: {  	v20 =	vor.u32 v8, v41;
	v1 =	vadd.f32 v56, v1;
	v29 =	vld [tilespmem:$0x1FB70];
	v2 =	vmul.f32 v2, v2  }
0x2bf: {  	v5 =	vadd.f32 v16, v5;
	v34 =	vld [tilespmem:$0x1FB60]  }
0x2c0: {  	v0 =	vadd.f32 v4, v0;
	v4 =	vld.idx.msk [tilespmem:v36+s19+$0x0], $0xffff;
	v1 =	vadd.f32 v2, v1;
	v2 =	vmul.f32 v58, v58  }
0x2c1: {  	v13 =	vadd.f32 v13, v23;
	v36 =	vld [tilespmem:$0x1FA80];
	v6 =	vadd.f32 v6, v47  }
0x2c2: {  	v33 =	vsub.f32 v5, v33;
	v47 =	vld [tilespmem:$0x1FAF0];
	v0 =	vadd.f32 v2, v0;
	v2 =	vmul.f32 v61, v61  }
0x2c3: {  	v24 =	vsub.f32 v13, v24;
	v46 =	vld.idx.msk [tilespmem:v20+s19+$0x0], $0xffff;
	v10 =	vsub.f32 v6, v49  }
0x2c4: {  	v18 =	vmul.f32 v18, v18;
	v49 =	vld.idx.msk [tilespmem:v32+s20+$0x0], $0xffff;
	v1 =	vadd.f32 v2, v1;
	v2 =	vsub.f32 v5, v30  }
0x2c5: {  	v39 =	vmul.f32 v33, v33;
	v42 =	vmul.f32 v24, v24;
	v24 =	vor.u32 v8, v52;
	v58 =	vld [tilespmem:$0x1FB30]  }
0x2c6: {  	v6 =	vsub.f32 v6, v26;
	v26 =	vld [tilespmem:$0x1FB20];
	v0 =	vadd.f32 v18, v0;
	v2 =	vmul.f32 v2, v2  }
0x2c7: {  	v13 =	vsub.f32 v13, v22;
	v5 =	vld.idx.msk [tilespmem:v27+s20+$0x0], $0xffff;
	v1 =	vadd.f32 v39, v1  }
0x2c8: {  	v27 =	vld.idx.msk [tilespmem:v27+s21+$0x0], $0xffff;
	v0 =	vadd.f32 v2, v0;
	v2 =	vsub.f32 v15, v17  }
0x2c9: {  	v12 =	vsub.f32 v15, v12;
	v13 =	vmul.f32 v13, v13;
	v30 =	vld.idx.msk [tilespmem:v40+s17+$0x0], $0xffff  }
0x2ca: {  	v22 =	vor.u32 v8, v29;
	v60 =	vld.idx.msk [tilespmem:v24+s19+$0x0], $0xffff;
	v1 =	vadd.f32 v42, v1;
	v2 =	vmul.f32 v2, v2  }
0x2cb: {  	v61 =	vld.idx.msk [tilespmem:v24+s20+$0x0], $0xffff  }
0x2cc: {  	v40 =	vld [tilespmem:$0x1FB80];
	v0 =	vadd.f32 v13, v0;
	v1 =	vadd.f32 v2, v1;
	v2 =	vmul.f32 v12, v12  }
0x2cd: {  	v14 =	vld.idx.msk [tilespmem:v36+s17+$0x0], $0xffff  }
0x2ce: {  	v18 =	vor.u32 v8, v47;
	v47 =	vld.idx.msk [tilespmem:v20+s20+$0x0], $0xffff;
	v0 =	vadd.f32 v2, v0;
	v2 =	vmul.f32 v10, v10  }
0x2cf: {  	v9 =	vsub.f32 v7, v9;
	v36 =	vld.idx.msk [tilespmem:v22+s19+$0x0], $0xffff  }
0x2d0: {  	v6 =	vmul.f32 v6, v6;
	v37 =	vld.idx.msk [tilespmem:v22+s20+$0x0], $0xffff;
	v1 =	vadd.f32 v2, v1;
	v2 =	vsub.f32 v7, v28  }
0x2d1: {  	v55 =	vmul.f32 v9, v9;
	v3 =	vsub.f32 v21, v3;
	v39 =	vld.idx.msk [tilespmem:v22+s21+$0x0], $0xffff  }
0x2d2: {  	v23 =	vld.idx.msk [tilespmem:v26+s17+$0x0], $0xffff;
	v4 =	vadd.f32 v14, v4;
	v0 =	vadd.f32 v6, v0;
	v2 =	vmul.f32 v2, v2  }
0x2d3: {  	v59 =	vsub.f32 v21, v19;
	v3 =	vmul.f32 v3, v3;
	v53 =	vld.idx.msk [tilespmem:v18+s19+$0x0], $0xffff;
	v1 =	vadd.f32 v55, v1  }
0x2d4: {  	v14 =	vld.idx.msk [tilespmem:v57+s17+$0x0], $0xffff;
	v0 =	vadd.f32 v2, v0;
	v2 =	vsub.f32 v4, v62  }
0x2d5: {  	v11 =	vadd.f32 v11, v43;
	v54 =	vld.idx.msk [tilespmem:v18+s20+$0x0], $0xffff;
	v1 =	vadd.f32 v3, v1;
	v3 =	vmul.f32 v59, v59  }
0x2d6: {  	v10 =	vld.idx.msk [tilespmem:v51+s17+$0x0], $0xffff;
	v4 =	vsub.f32 v4, v63;
	v63 =	vadd.f32 v30, v38;
	v2 =	vmul.f32 v2, v2  }
0x2d7: {  	v17 =	vsub.f32 v11, v44;
	v56 =	vld.idx.msk [tilespmem:v18+s21+$0x0], $0xffff;
	v0 =	vadd.f32 v3, v0  }
0x2d8: {  	v28 =	vld [tilespmem:$0x1FB50];
	v1 =	vadd.f32 v2, v1;
	v2 =	vmul.f32 v4, v4;
	v4 =	vsub.f32 v63, v5  }
0x2d9: {  	v18 =	vor.u32 v8, v58;
	v32 =	vmul.f32 v17, v17;
	v17 =	vld.idx.msk [tilespmem:v34+s17+$0x0], $0xffff;
	v14 =	vadd.f32 v14, v53  }
0x2da: {  	v53 =	vld [tilespmem:$0x1FBE0];
	v16 =	vsub.f32 v63, v27;
	v0 =	vadd.f32 v2, v0;
	v2 =	vmul.f32 v4, v4  }
0x2db: {  	v10 =	vadd.f32 v10, v48;
	v62 =	vld.idx.msk [tilespmem:v24+s21+$0x0], $0xffff  }
0x2dc: {  	v16 =	vmul.f32 v16, v16;
	v4 =	vld [tilespmem:$0x1FB40];
	v1 =	vadd.f32 v2, v1;
	v2 =	vsub.f32 v11, v45  }
0x2dd: {  	v24 =	vor.u32 v8, v28;
	v12 =	vsub.f32 v10, v49;
	v49 =	vld [tilespmem:$0x1FBF0]  }
0x2de: {  	v10 =	vsub.f32 v10, v50;
	v50 =	vld [tilespmem:$0x1FBC0];
	v0 =	vadd.f32 v16, v0;
	v2 =	vmul.f32 v2, v2  }
0x2df: {  	v3 =	vld.idx.msk [tilespmem:v18+s19+$0x0], $0xffff;
	v1 =	vadd.f32 v32, v1  }
0x2e0: {  	v12 =	vmul.f32 v12, v12;
	v5 =	vld.idx.msk [tilespmem:v18+s20+$0x0], $0xffff;
	v0 =	vadd.f32 v2, v0;
	v2 =	vsub.f32 v14, v54  }
0x2e1: {  	v9 =	vsub.f32 v14, v56;
	v18 =	vld.idx.msk [tilespmem:v18+s21+$0x0], $0xffff  }
0x2e2: {  	v10 =	vmul.f32 v10, v10;
	v30 =	vld.idx.msk [tilespmem:v24+s19+$0x0], $0xffff;
	v1 =	vadd.f32 v12, v1;
	v2 =	vmul.f32 v2, v2  }
0x2e3: {  	v45 =	vld [tilespmem:$0x1FBD0]  }
0x2e4: {  	v4 =	vld.idx.msk [tilespmem:v4+s17+$0x0], $0xffff;
	v0 =	vadd.f32 v10, v0;
	v1 =	vadd.f32 v2, v1;
	v2 =	vmul.f32 v9, v9  }
0x2e5: {  	v31 =	vld.idx.msk [tilespmem:v24+s20+$0x0], $0xffff  }
0x2e6: {  	v38 =	vadd.f32 v23, v60;
	v0 =	vadd.f32 v2, v0;
	v2 =	vld [tilespmem:$0x1FBA0]  }
0x2e7: {  	v33 =	vld.idx.msk [tilespmem:v24+s21+$0x0], $0xffff;
	v24 =	vor.u32 v8, v35  }
0x2e8: {  	v21 =	vsub.f32 v38, v61;
	v14 =	vld.idx.msk [tilespmem:v40+s17+$0x0], $0xffff;
	v12 =	vor.u32 v8, v45  }
0x2e9: {  	v55 =	vld [tilespmem:$0x1FC00];
	v6 =	vsub.f32 v38, v62;
	v3 =	vadd.f32 v4, v3  }
0x2ea: {  	v48 =	vld.idx.msk [tilespmem:v20+s21+$0x0], $0xffff  }
0x2eb: {  	v44 =	vmul.f32 v21, v21;
	v6 =	vmul.f32 v6, v6;
	v16 =	vld.idx.msk [tilespmem:v53+s17+$0x0], $0xffff;
	v5 =	vsub.f32 v3, v5  }
0x2ec: {  	v42 =	vld.idx.msk [tilespmem:v24+s19+$0x0], $0xffff;
	v13 =	vadd.f32 v17, v30;
	v8 =	vor.u32 v8, v49;
	v3 =	vsub.f32 v3, v18  }
0x2ed: {  	v14 =	vadd.f32 v14, v36;
	v1 =	vadd.f32 v44, v1;
	v51 =	vld.idx.msk [tilespmem:v12+s19+$0x0], $0xffff;
	v5 =	vmul.f32 v5, v5  }
0x2ee: {  	v11 =	vsub.f32 v13, v31;
	v0 =	vadd.f32 v6, v0;
	v3 =	vmul.f32 v3, v3;
	v2 =	vld.idx.msk [tilespmem:v2+s17+$0x0], $0xffff  }
0x2ef: {  	v15 =	vld.idx.msk [tilespmem:v50+s17+$0x0], $0xffff;
	v7 =	vsub.f32 v14, v37;
	v1 =	vadd.f32 v5, v1  }
0x2f0: {  	v43 =	vld.idx.msk [tilespmem:v24+s20+$0x0], $0xffff;
	v5 =	vsub.f32 v13, v33;
	v0 =	vadd.f32 v3, v0;
	v3 =	vmul.f32 v11, v11  }
0x2f1: {  	v4 =	vld.idx.msk [tilespmem:v24+s21+$0x0], $0xffff;
	v14 =	vsub.f32 v14, v39  }
0x2f2: {  	v52 =	vld.idx.msk [tilespmem:v12+s20+$0x0], $0xffff;
	v5 =	vmul.f32 v5, v5;
	v1 =	vadd.f32 v3, v1;
	v3 =	vmul.f32 v7, v7  }
0x2f3: {  	v54 =	vld.idx.msk [tilespmem:v8+s19+$0x0], $0xffff;
	v57 =	vadd.f32 v16, v51;
	v2 =	vadd.f32 v2, v42  }
0x2f4: {  	v0 =	vadd.f32 v5, v0;
	v5 =	vmul.f32 v14, v14;
	v14 =	vld.idx.msk [tilespmem:v55+s17+$0x0], $0xffff;
	v1 =	vadd.f32 v3, v1  }
0x2f5: {  	v56 =	vld.idx.msk [tilespmem:v12+s21+$0x0], $0xffff;
	v3 =	vadd.f32 v15, v46;
	v9 =	vsub.f32 v2, v43  }
0x2f6: {  	v0 =	vadd.f32 v5, v0;
	v5 =	vld.idx.msk [tilespmem:v8+s20+$0x0], $0xffff;
	v2 =	vsub.f32 v2, v4  }
0x2f7: {  	v58 =	vsub.f32 v3, v47;
	v8 =	vld.idx.msk [tilespmem:v8+s21+$0x0], $0xffff;
	v4 =	vmul.f32 v9, v9  }
0x2f8: {  	v60 =	vsub.f32 v57, v52;
	v3 =	vsub.f32 v3, v48;
	v2 =	vmul.f32 v2, v2  }
0x2f9: {  	v59 =	vmul.f32 v58, v58;
	v1 =	vadd.f32 v4, v1;
	v4 =	vadd.f32 v14, v54  }
0x2fa: {  	v3 =	vmul.f32 v3, v3;
	v0 =	vadd.f32 v2, v0;
	v2 =	vsub.f32 v57, v56  }
0x2fb: {  	v61 =	vmul.f32 v60, v60;
	v1 =	vadd.f32 v59, v1;
	v5 =	vsub.f32 v4, v5  }
0x2fc: {  	v0 =	vadd.f32 v3, v0;
	v2 =	vmul.f32 v2, v2;
	v3 =	vsub.f32 v4, v8  }
0x2fd: {  	v1 =	vadd.f32 v61, v1;
	v4 =	vmul.f32 v5, v5  }
0x2fe: {  	v0 =	vadd.f32 v2, v0;
	v2 =	vmul.f32 v3, v3  }
0x2ff: {  	v1 =	vadd.f32 v4, v1  }
0x300: {  	v0 =	vadd.f32 v2, v0  }
0x301: {  	v2 =	vshra.s32 v1, $0x1;
	v3 =	vmul.f32 $5.000000000e-01, v1  }
0x302: {  	v4 =	vshra.s32 v0, $0x1;
	v5 =	vmul.f32 $5.000000000e-01, v0;
	v2 =	vsub.s32 $0x5F3759DF, v2  }
0x303: {  	v4 =	vsub.s32 $0x5F3759DF, v4;
	v62 =	vmul.f32 v2, v3  }
0x304: {  	v63 =	vmul.f32 v4, v5  }
0x305: {  	v6 =	vmul.f32 v2, v62  }
0x306: {  	v7 =	vmul.f32 v4, v63  }
0x307: {  	v6 =	vsub.f32 $1.500000000e+00, v6  }
0x308: {  	v7 =	vsub.f32 $1.500000000e+00, v7  }
0x309: {  	v2 =	vmul.f32 v2, v6  }
0x30a: {  	v4 =	vmul.f32 v4, v7  }
0x30b: {  	v6 =	vmul.f32 v2, v3  }
0x30c: {  	v7 =	vmul.f32 v4, v5  }
0x30d: {  	v6 =	vmul.f32 v6, v2  }
0x30e: {  	v7 =	vmul.f32 v7, v4  }
0x30f: {  	v6 =	vsub.f32 $1.500000000e+00, v6  }
0x310: {  	v7 =	vsub.f32 $1.500000000e+00, v7  }
0x311: {  	v2 =	vmul.f32 v6, v2  }
0x312: {  	v4 =	vmul.f32 v7, v4  }
0x313: {  	v3 =	vmul.f32 v2, v3  }
0x314: {  	v5 =	vmul.f32 v4, v5  }
0x315: {  	v3 =	vmul.f32 v3, v2  }
0x316: {  	v5 =	vmul.f32 v5, v4  }
0x317: {  	v3 =	vsub.f32 $1.500000000e+00, v3  }
0x318: {  	v5 =	vsub.f32 $1.500000000e+00, v5  }
0x319: {  	v2 =	vmul.f32 v3, v2  }
0x31a: {  	v3 =	vmul.f32 v5, v4  }
0x31b: {  	p0 =	sne.s32 s2, $0x1F0;
	v1 =	vmul.f32 v2, v1  }
.Ltmp0:
0x31c: {  	v0 =	vmul.f32 v3, v0;
	(pc) =	sbr.rel @p0 .LBB2_2-.Ltmp0, $4  }
0x31d: {  	v1 =	vsub.f32 $0.0e+00, v1  }
0x31e: {  	v0 =	vsub.f32 $0.0e+00, v0  }
0x31f: {  	[tilespmem:s31+$0x0] =	vst v1  }
0x320: {  	s2 =	sadd.s32 $0x10, s2;
	v3 =	vlaneseq.u32;
	s31 =	sadd.s32 $0x10, s31;
	[tilespmem:s30+$0x0] =	vst v0;
	s30 =	sadd.s32 $0x10, s30  }
0x321: {  	[hbm4b:s10+s3] =	stream.linear.scatter [tilespmem:s26], [sflag:$0x2], $0x200, $0x38;
	[tilespmem:$0x18A50] =	vst v63  }
0x322: {  	s29 =	sadd.s32 $0x1, s29;
	_ =	swait.ge [sflag:s13], $0x200  }
0x323: {  	p0 =	sne.s32 s29, s12;
	[sflag:s13] =	ssyncset.done $0x0  }
.Ltmp1:
0x324: {  	[sflag:s13] =	ssyncadd.s32 $0xFFFFFE00;
	(pc) =	sbr.rel @p0 .LBB2_1-.Ltmp1, $4  }
0x325: {  	[hbm4b:s11+s3] =	stream.linear.scatter [tilespmem:s28], [sflag:$0x2], $0x200, $0x38;
	[tilespmem:$0x18A50] =	vst v63  }
0x326: {  	_ =	swait.ge [sflag:s13], $0x200  }
0x327: {  	[sflag:s13] =	ssyncset.done $0x0  }
0x328: {  	[sflag:s13] =	ssyncadd.s32 $0xFFFFFE00  }
0x329: {  	_ =	sfence.sel $0x180000  }
0x32a: {  	[bflag:$0x0] =	sbarrier.arrive $0xFFFF  }
0x32b: {  	_ =	strace $0x90000047  }
0x32c: {  	s0 =	stileid.u32;
	[bflag:$0x2] =	sbarrier.arrive $0xFFFF  }
0x32d: {  	p0 =	sne.s32 s0, $0x0;
	s0 =	rddreg [dreg:$0x8]  }
0x32e: {  	s0 =	sadd.s32 @!p0 $0x100000, s0  }
0x32f: {  	[sflag:s0] =	ssyncadd.tile.s32 @!p0 $0x1;
	_ =	shalt  }
.Lfunc_end2:
_tile_overlayer_lowered:
.L_overlay_start_2:
0x330: {  	(tag) =	ssettag $0x2  }
0x331: {  	s0 =	rddreg [dreg:$0x0];
	s2 =	stileid.u32  }
0x332: {  	s1 =	rddreg [dreg:$0x1];
	p0 =	sne.s32 s2, $0x0  }
0x333: {  	s3 =	rddreg [dreg:$0x2];
	[bflag:$0x3] =	sbarrier.arrive $0xFFFF;
	s2 =	simm.s32 @!p0 $0x1C02  }
0x334: {  	[timem:s3], [sflag:s2] =	dma.local @!p0 [hbm:s0], s1  }
0x335: {  	s0 =	simm.s32 @!p0 $0x2  }
0x336: {  	_ =	swait.ge @!p0 [sflag:s0], s1  }
0x337: {  	s1 =	ssub.s32 @!p0 $0x0, s1;
	[sflag:s0] =	ssyncset.done @!p0 $0x0  }
0x338: {  	[sflag:s0] =	ssyncadd.s32 @!p0 s1  }
0x339: {  	[bflag:$0x3] =	sbarrier.arrive $0xFFFF  }
0x33a: {  	_ =	shalt  }

</sc_bundles>
